<compile_context>
chip_gen: v7x
topology: tpu7x:2x2x1
jax: 0.10.2.dev20260603
libtpu: 0.0.44.dev20260713+nightly
codegen_flags: <defaults>
</compile_context>

<pallas_src>
import jax
import jax.numpy as jnp
from jax import lax
from jax.experimental import pallas as pl
from jax.experimental.pallas import tpu as pltpu
from jax.experimental.pallas import tpu_sc as plsc

N = 10000
E = 160000
H = 256
HALF = 128

CHUNK = 128
CH_A = 64
NS = 16
NC = 2
E_PAD = 163840
NROWS = E_PAD // CHUNK
NROWS_A = E_PAD // CH_A
CPS_A = NROWS_A // NS
NP = 10240
ROWS_PER_TILE = NP // NS

_BR = 2000
_GRID = N // _BR


def _mesh():
    return plsc.VectorSubcoreMesh(core_axis_name="c", subcore_axis_name="s")


def _make_agg():

    CPH = 40
    NPH = CPS_A // CPH

    def body(hcat, src2, dst2, z128, out, acc, idxs, idxd,
             rows0, rows1, rows2, rows3, gs0, gs1, gs2, gs3,
             ss0, ss1, ss2, ss3):
        c = lax.axis_index("c")
        s = lax.axis_index("s")
        r0 = s * ROWS_PER_TILE
        src_bias = c * N
        rows = (rows0, rows1, rows2, rows3)
        gsem = (gs0, gs1, gs2, gs3)
        ssem = (ss0, ss1, ss2, ss3)

        pltpu.sync_copy(z128.at[pl.ds(r0, ROWS_PER_TILE)],
                        acc.at[pl.ds(r0, ROWS_PER_TILE)])
        plsc.subcore_barrier()

        def gstart(j, b):
            pltpu.async_copy(hcat.at[idxs.at[j]], rows[b], gsem[b])

        def gwait(b):
            pltpu.make_async_copy(hcat.at[idxs.at[0]], rows[b],
                                  gsem[b]).wait()

        def sstart(j, b):
            pltpu.async_copy(rows[b], acc.at[idxd.at[j]], ssem[b], add=True)

        def swait(b):
            pltpu.make_async_copy(rows[b], acc.at[idxd.at[0]],
                                  ssem[b]).wait()

        def phase(ph, carry):
            base = s * CPS_A + ph * CPH
            pltpu.sync_copy(src2.at[pl.ds(base, CPH)], idxs)
            pltpu.sync_copy(dst2.at[pl.ds(base, CPH)], idxd)

            def bias_step(j, cc):
                for k in range(CH_A // 16):
                    sl = pl.ds(k * 16, 16)
                    idxs[j, sl] = idxs[j, sl] + src_bias
                return cc

            lax.fori_loop(0, CPH, bias_step, 0)

            gstart(0, 0)
            gstart(1, 1)
            gstart(2, 2)
            gwait(0)
            sstart(0, 0)
            gstart(3, 3)

            def step4(j2, cc):
                for t in range(4):
                    j = 1 + 4 * j2 + t
                    b = (1 + t) % 4
                    bn = (b + 3) % 4
                    gwait(b)
                    swait(bn)
                    gstart(j + 3, bn)
                    sstart(j, b)
                return cc

            lax.fori_loop(0, (CPH - 4) // 4, step4, 0)
            for j, b in ((CPH - 3, 1), (CPH - 2, 2), (CPH - 1, 3)):
                gwait(b)
                sstart(j, b)
            for b in range(4):
                swait(b)
            return carry

        lax.fori_loop(0, NPH, phase, 0)
        plsc.subcore_barrier()

        o0 = c * NP + r0
        pltpu.sync_copy(acc.at[pl.ds(r0, ROWS_PER_TILE)],
                        out.at[pl.ds(o0, ROWS_PER_TILE)])

    return pl.kernel(
        body,
        out_type=[jax.ShapeDtypeStruct((2 * NP, HALF), jnp.float32)],
        mesh=_mesh(),
        scratch_types=[pltpu.VMEM_SHARED((NP, HALF), jnp.float32),
                       pltpu.VMEM((CPH, CH_A), jnp.int32),
                       pltpu.VMEM((CPH, CH_A), jnp.int32)]
        + [pltpu.VMEM((CH_A, HALF), jnp.float32)] * 4
        + [pltpu.SemaphoreType.DMA] * 8)


def _make_deg():
    half_rows = NROWS // 2
    cps = half_rows // NS

    def body(dst2, ones_h, z128, out, acc, idxd, ones_v, sem):
        c = lax.axis_index("c")
        s = lax.axis_index("s")
        r0 = s * ROWS_PER_TILE
        pltpu.sync_copy(z128.at[pl.ds(r0, ROWS_PER_TILE)],
                        acc.at[pl.ds(r0, ROWS_PER_TILE)])
        pltpu.sync_copy(ones_h, ones_v)
        base = c * half_rows + s * cps
        pltpu.sync_copy(dst2.at[pl.ds(base, cps)], idxd)
        plsc.subcore_barrier()

        def start(j, carry):
            pltpu.async_copy(ones_v, acc.at[idxd.at[j]], sem, add=True)
            return carry

        lax.fori_loop(0, cps, start, 0)

        def drain(j, carry):
            pltpu.make_async_copy(ones_v, acc.at[idxd.at[0]], sem).wait()
            return carry

        lax.fori_loop(0, cps, drain, 0)
        plsc.subcore_barrier()

        o0 = c * NP + r0
        pltpu.sync_copy(acc.at[pl.ds(r0, ROWS_PER_TILE)],
                        out.at[pl.ds(o0, ROWS_PER_TILE)])

    return pl.kernel(
        body,
        out_type=[jax.ShapeDtypeStruct((2 * NP, HALF), jnp.float32)],
        mesh=_mesh(),
        scratch_types=[pltpu.VMEM_SHARED((NP, HALF), jnp.float32),
                       pltpu.VMEM((cps, CHUNK), jnp.int32),
                       pltpu.VMEM((CHUNK, HALF), jnp.float32),
                       pltpu.SemaphoreType.DMA])


def _full(shape):
    return pl.BlockSpec(shape, lambda i: (0, 0))


def _rows(width):
    return pl.BlockSpec((_BR, width), lambda i: (i, 0))


def _enc_body(s_ref, m_ref, ws, wm, b, h_ref, hs_ref):
    bf = jnp.bfloat16
    h = jnp.dot(s_ref[...].astype(bf), ws[...], preferred_element_type=jnp.float32)
    h += jnp.dot(m_ref[...].astype(bf), wm[...], preferred_element_type=jnp.float32)
    h = jnp.maximum(h + b[...], 0.0)
    h_ref[...] = h
    hs_ref[0] = h[:, :HALF]
    hs_ref[1] = h[:, HALF:]


def _z1_body(h0, sa, sb, dga, dgb, ws, wn, b, z_ref, s1_ref, s2_ref):
    i = pl.program_id(0)
    summ = jnp.concatenate([sa[...], sb[...]], axis=1)
    rdeg = 1.0 / jnp.maximum(dga[...] + dgb[...], 1.0)
    hn = summ * rdeg
    bf = jnp.bfloat16
    z = jnp.dot(h0[...].astype(bf), ws[...], preferred_element_type=jnp.float32)
    z += jnp.dot(hn.astype(bf), wn[...], preferred_element_type=jnp.float32)
    z += b[...]
    z_ref[...] = z
    bs1 = jnp.sum(z, axis=0, keepdims=True)
    bs2 = jnp.sum(z * z, axis=0, keepdims=True)

    @pl.when(i == 0)
    def _():
        s1_ref[...] = bs1
        s2_ref[...] = bs2

    @pl.when(i != 0)
    def _():
        s1_ref[...] += bs1
        s2_ref[...] += bs2


def _h1_body(z, s1, s2, g, bt, ws, wn, ps_ref, pn_ref):
    mu = s1[...] * (1.0 / N)
    var = s2[...] * (1.0 / N) - mu * mu
    sc = g[...] * lax.rsqrt(var + 1e-5)
    h1 = jnp.maximum((z[...] - mu) * sc + bt[...], 0.0)
    h1b = h1.astype(jnp.bfloat16)
    ps_ref[...] = jnp.dot(h1b, ws[...], preferred_element_type=jnp.float32)
    pn = jnp.dot(h1b, wn[...], preferred_element_type=jnp.float32)
    pn_ref[0] = pn[:, :HALF]
    pn_ref[1] = pn[:, HALF:]


def _z2_body(ps, sa, sb, dga, dgb, b, z_ref, s1_ref, s2_ref):
    i = pl.program_id(0)
    summ = jnp.concatenate([sa[...], sb[...]], axis=1)
    rdeg = 1.0 / jnp.maximum(dga[...] + dgb[...], 1.0)
    z = ps[...] + summ * rdeg + b[...]
    z_ref[...] = z
    bs1 = jnp.sum(z, axis=0, keepdims=True)
    bs2 = jnp.sum(z * z, axis=0, keepdims=True)

    @pl.when(i == 0)
    def _():
        s1_ref[...] = bs1
        s2_ref[...] = bs2

    @pl.when(i != 0)
    def _():
        s1_ref[...] += bs1
        s2_ref[...] += bs2


def _out_body(z, t1, t2, g, bt, h0, wra, wrb, br, wc1, bc1, wc2, bc2, o_ref):
    mu = t1[...] * (1.0 / N)
    var = t2[...] * (1.0 / N) - mu * mu
    h2 = jnp.maximum((z[...] - mu) * (g[...] * lax.rsqrt(var + 1e-5)) + bt[...],
                     0.0)
    bf = jnp.bfloat16
    hf = jnp.dot(h0[...].astype(bf), wra[...], preferred_element_type=jnp.float32)
    hf += jnp.dot(h2.astype(bf), wrb[...], preferred_element_type=jnp.float32)
    hf = jnp.maximum(hf + br[...], 0.0)
    hc = jnp.maximum(jnp.dot(hf.astype(bf), wc1[...],
                             preferred_element_type=jnp.float32)
                     + bc1[...], 0.0)
    o_ref[...] = jnp.dot(hc.astype(bf), wc2[...],
                         preferred_element_type=jnp.float32) + bc2[...]


def _tc_call(body, in_specs, out_specs, out_shape):
    return pl.pallas_call(
        body,
        grid=(_GRID,),
        in_specs=in_specs,
        out_specs=out_specs,
        out_shape=out_shape,
        compiler_params=pltpu.CompilerParams(
            dimension_semantics=("arbitrary",)),
    )


def kernel(structural_features, multimodal_features, edge_index, W_in, b_in,
           W_self0, W_neigh0, b0, gamma0, beta0,
           W_self1, W_neigh1, b1, gamma1, beta1,
           W_rel, b_rel, W_c1, b_c1, W_c2, b_c2):
    f32 = jnp.float32
    src = edge_index[0]
    dst = edge_index[1]
    src_p = jnp.concatenate([src, jnp.zeros((E_PAD - E,), jnp.int32)])
    dst_p = jnp.concatenate([dst, jnp.full((E_PAD - E,), N, jnp.int32)])
    src2 = src_p.reshape(NROWS_A, CH_A)
    dst2 = dst_p.reshape(NROWS_A, CH_A)
    dst2d = dst_p.reshape(NROWS, CHUNK)
    ones_h = jnp.ones((CHUNK, HALF), f32)
    z128 = jnp.zeros((NP, HALF), f32)

    bf = jnp.bfloat16
    WsT = W_in[:, :H].T.astype(bf)
    WmT = W_in[:, H:].T.astype(bf)
    Wself0T = W_self0.T.astype(bf)
    Wneigh0T = W_neigh0.T.astype(bf)
    Wself1T = W_self1.T.astype(bf)
    Wneigh1T = W_neigh1.T.astype(bf)
    WrAT = W_rel[:, :H].T.astype(bf)
    WrBT = W_rel[:, H:].T.astype(bf)
    Wc1T = W_c1.T.astype(bf)
    Wc2T = W_c2.T.astype(bf)
    b_in2 = b_in.reshape(1, H)
    b02 = b0.reshape(1, 2 * H)
    g02 = gamma0.reshape(1, 2 * H)
    be02 = beta0.reshape(1, 2 * H)
    b12 = b1.reshape(1, H)
    g12 = gamma1.reshape(1, H)
    be12 = beta1.reshape(1, H)
    brel2 = b_rel.reshape(1, H)
    bc12 = b_c1.reshape(1, H // 2)
    bc22 = b_c2.reshape(1, 64)

    h0, h0s = _tc_call(
        _enc_body,
        in_specs=[_rows(H), _rows(H), _full((H, H)), _full((H, H)),
                  _full((1, H))],
        out_specs=[_rows(H), pl.BlockSpec((2, _BR, HALF), lambda i: (0, i, 0))],
        out_shape=[jax.ShapeDtypeStruct((N, H), f32),
                   jax.ShapeDtypeStruct((2, N, HALF), f32)],
    )(structural_features, multimodal_features, WsT, WmT, b_in2)

    (degp,) = _make_deg()(dst2d, ones_h, z128)
    dga = degp[:N, :1]
    dgb = degp[NP:NP + N, :1]

    (summ0,) = _make_agg()(h0s.reshape(2 * N, HALF), src2, dst2, z128)
    suma, sumb = summ0[:NP], summ0[NP:]

    Z1, s1, s2 = _tc_call(
        _z1_body,
        in_specs=[_rows(H), _rows(HALF), _rows(HALF), _rows(1), _rows(1),
                  _full((H, 2 * H)), _full((H, 2 * H)), _full((1, 2 * H))],
        out_specs=[_rows(2 * H), _full((1, 2 * H)), _full((1, 2 * H))],
        out_shape=[jax.ShapeDtypeStruct((N, 2 * H), f32),
                   jax.ShapeDtypeStruct((1, 2 * H), f32),
                   jax.ShapeDtypeStruct((1, 2 * H), f32)],
    )(h0, suma[:N], sumb[:N], dga, dgb, Wself0T, Wneigh0T, b02)

    P1self, p1ns = _tc_call(
        _h1_body,
        in_specs=[_rows(2 * H), _full((1, 2 * H)), _full((1, 2 * H)),
                  _full((1, 2 * H)), _full((1, 2 * H)),
                  _full((2 * H, H)), _full((2 * H, H))],
        out_specs=[_rows(H), pl.BlockSpec((2, _BR, HALF), lambda i: (0, i, 0))],
        out_shape=[jax.ShapeDtypeStruct((N, H), f32),
                   jax.ShapeDtypeStruct((2, N, HALF), f32)],
    )(Z1, s1, s2, g02, be02, Wself1T, Wneigh1T)

    (summ1,) = _make_agg()(p1ns.reshape(2 * N, HALF), src2, dst2, z128)
    s1a, s1b = summ1[:NP], summ1[NP:]

    Z2, t1, t2 = _tc_call(
        _z2_body,
        in_specs=[_rows(H), _rows(HALF), _rows(HALF), _rows(1), _rows(1),
                  _full((1, H))],
        out_specs=[_rows(H), _full((1, H)), _full((1, H))],
        out_shape=[jax.ShapeDtypeStruct((N, H), f32),
                   jax.ShapeDtypeStruct((1, H), f32),
                   jax.ShapeDtypeStruct((1, H), f32)],
    )(P1self, s1a[:N], s1b[:N], dga, dgb, b12)

    out = _tc_call(
        _out_body,
        in_specs=[_rows(H), _full((1, H)), _full((1, H)), _full((1, H)),
                  _full((1, H)), _rows(H), _full((H, H)), _full((H, H)),
                  _full((1, H)), _full((H, H // 2)), _full((1, H // 2)),
                  _full((H // 2, 64)), _full((1, 64))],
        out_specs=_rows(64),
        out_shape=jax.ShapeDtypeStruct((N, 64), f32),
    )(Z2, t1, t2, g12, be12, h0, WrAT, WrBT, brel2, Wc1T, bc12, Wc2T, bc22)

    return out

# --- scband reference (transcript-rebuilt; emitter-appended) ---
"""Pipeline reference for scband-multi-modal-graph-sage-65584150610487 (READ-ONLY COPY).

The authoritative reference and input builder live on the scoring server;
editing this copy changes nothing except your own understanding.
"""

import jax, jax.numpy as jnp
import numpy as np

N = 10000
E = 160000
S_DIM = 256
M_DIM = 256
H = 256
C = 64


def setup_inputs(seed: int = 0) -> dict:
    key = jax.random.key(seed)
    ks = jax.random.split(key, 16)

    def rn(k, shape, scale=0.05):
        return jax.random.normal(k, shape, dtype=jnp.float32) * scale

    inp = {}
    inp["structural_features"] = jax.random.normal(ks[0], (N, S_DIM), dtype=jnp.float32)
    inp["multimodal_features"] = jax.random.normal(ks[1], (N, M_DIM), dtype=jnp.float32)
    inp["edge_index"] = jax.random.randint(ks[2], (2, E), 0, N, dtype=jnp.int32)
    # input_encoder: Linear(512 -> 256)
    inp["W_in"] = rn(ks[3], (H, S_DIM + M_DIM))
    inp["b_in"] = jnp.zeros((H,), jnp.float32)
    # SAGEConv layer 0: 256 -> 512 (mean aggregator)
    inp["W_self0"] = rn(ks[4], (2 * H, H))
    inp["W_neigh0"] = rn(ks[5], (2 * H, H))
    inp["b0"] = jnp.zeros((2 * H,), jnp.float32)
    inp["gamma0"] = jnp.ones((2 * H,), jnp.float32)
    inp["beta0"] = jnp.zeros((2 * H,), jnp.float32)
    # SAGEConv layer 1: 512 -> 256
    inp["W_self1"] = rn(ks[6], (H, 2 * H))
    inp["W_neigh1"] = rn(ks[7], (H, 2 * H))
    inp["b1"] = jnp.zeros((H,), jnp.float32)
    inp["gamma1"] = jnp.ones((H,), jnp.float32)
    inp["beta1"] = jnp.zeros((H,), jnp.float32)
    # relation_encoder: Linear(512 -> 256)
    inp["W_rel"] = rn(ks[8], (H, 2 * H))
    inp["b_rel"] = jnp.zeros((H,), jnp.float32)
    # classifier: Linear(256 -> 128) -> Linear(128 -> 64)
    inp["W_c1"] = rn(ks[9], (H // 2, H))
    inp["b_c1"] = jnp.zeros((H // 2,), jnp.float32)
    inp["W_c2"] = rn(ks[10], (C, H // 2))
    inp["b_c2"] = jnp.zeros((C,), jnp.float32)
    return inp


def _bn(x, gamma, beta):
    mu = jnp.mean(x, axis=0)
    var = jnp.var(x, axis=0)
    return (x - mu) / jnp.sqrt(var + 1e-5) * gamma + beta


def _sage_mean(h, src, dst, W_self, W_neigh, b):
    msgs = h[src]
    summ = jax.ops.segment_sum(msgs, dst, num_segments=N)
    deg = jax.ops.segment_sum(jnp.ones((E,), jnp.float32), dst, num_segments=N)
    deg = jnp.clip(deg, 1.0, None)
    h_neigh = summ / deg[:, None]
    return h @ W_self.T + h_neigh @ W_neigh.T + b


def reference(structural_features, multimodal_features, edge_index, W_in, b_in,
              W_self0, W_neigh0, b0, gamma0, beta0,
              W_self1, W_neigh1, b1, gamma1, beta1,
              W_rel, b_rel, W_c1, b_c1, W_c2, b_c2):
    src = edge_index[0]
    dst = edge_index[1]
    combined = jnp.concatenate([structural_features, multimodal_features], axis=-1)
    h = jax.nn.relu(combined @ W_in.T + b_in)
    h0 = h
    h = _sage_mean(h, src, dst, W_self0, W_neigh0, b0)
    h = jax.nn.relu(_bn(h, gamma0, beta0))
    h = _sage_mean(h, src, dst, W_self1, W_neigh1, b1)
    h = jax.nn.relu(_bn(h, gamma1, beta1))
    h_final = jnp.concatenate([h0, h], axis=1)
    h_final = jax.nn.relu(h_final @ W_rel.T + b_rel)
    hc = jax.nn.relu(h_final @ W_c1.T + b_c1)
    out = hc @ W_c2.T + b_c2
    return out

if __name__ == "__main__":
    import jax
    _d = setup_inputs()
    print(jax.jit(kernel)(*tuple(_d.values())))

</pallas_src>

<mosaic_0001>
#map = affine_map<(d0, d1) -> (0, 0)>
module attributes {stable_mosaic.version = 14 : i64} {
  func.func @body(%arg0: i32, %arg1: i32, %arg2: memref<20000x128xf32, #tpu.memory_space<hbm>>, %arg3: memref<2560x64xi32, #tpu.memory_space<hbm>>, %arg4: memref<2560x64xi32, #tpu.memory_space<hbm>>, %arg5: memref<10240x128xf32, #tpu.memory_space<hbm>>, %arg6: memref<20480x128xf32, #tpu.memory_space<hbm>>, %arg7: memref<10240x128xf32, #tpu.memory_space<vmem_shared>>, %arg8: memref<40x64xi32, #tpu.memory_space<vmem>>, %arg9: memref<40x64xi32, #tpu.memory_space<vmem>>, %arg10: memref<64x128xf32, #tpu.memory_space<vmem>>, %arg11: memref<64x128xf32, #tpu.memory_space<vmem>>, %arg12: memref<64x128xf32, #tpu.memory_space<vmem>>, %arg13: memref<64x128xf32, #tpu.memory_space<vmem>>, %arg14: memref<!tpu.dma_semaphore, #tpu.memory_space<semaphore_mem>>, %arg15: memref<!tpu.dma_semaphore, #tpu.memory_space<semaphore_mem>>, %arg16: memref<!tpu.dma_semaphore, #tpu.memory_space<semaphore_mem>>, %arg17: memref<!tpu.dma_semaphore, #tpu.memory_space<semaphore_mem>>, %arg18: memref<!tpu.dma_semaphore, #tpu.memory_space<semaphore_mem>>, %arg19: memref<!tpu.dma_semaphore, #tpu.memory_space<semaphore_mem>>, %arg20: memref<!tpu.dma_semaphore, #tpu.memory_space<semaphore_mem>>, %arg21: memref<!tpu.dma_semaphore, #tpu.memory_space<semaphore_mem>>) attributes {dimension_semantics = [#tpu.dimension_semantics<core_parallel>, #tpu.dimension_semantics<subcore_parallel>], iteration_bounds = array<i64: 2, 16>, scalar_prefetch = 0 : i64, scratch_operands = 15 : i64, tpu.core_type = #tpu.core_type<sc_vector_subcore>, window_params = [{transform_indices = #map}, {transform_indices = #map}, {transform_indices = #map}, {transform_indices = #map}, {transform_indices = #map}]} {
    %mul3A = arith.constant 640 : i32
    %mul3A_0 = arith.muli %arg1, %mul3A : i32
    %mul3A_1 = arith.constant 10000 : i32
    %mul3A_2 = arith.muli %arg0, %mul3A_1 : i32
    "tpu.region"() ({
      %run_scoped3A = tpu.sem_alloc : memref<!tpu.dma_semaphore, #tpu.memory_space<semaphore_mem>>
      %dma_start3A = arith.constant 0 : i32
      %dma_start3A_11 = tpu.memref_slice %arg7[%mul3A_0, %dma_start3A] : memref<10240x128xf32, #tpu.memory_space<vmem_shared>> -> memref<640x128xf32, #tpu.memory_space<vmem_shared>>
      %dma_start3A_12 = arith.constant 0 : i32
      %dma_start3A_13 = tpu.memref_slice %arg5[%mul3A_0, %dma_start3A_12] : memref<10240x128xf32, #tpu.memory_space<hbm>> -> memref<640x128xf32, #tpu.memory_space<hbm>>
      tpu.enqueue_dma source(%dma_start3A_13 : memref<640x128xf32, #tpu.memory_space<hbm>>) target(%dma_start3A_11 : memref<640x128xf32, #tpu.memory_space<vmem_shared>>) target_semaphore(%run_scoped3A : memref<!tpu.dma_semaphore, #tpu.memory_space<semaphore_mem>>)
      %dma_wait3A = arith.constant 0 : i32
      %dma_wait3A_14 = tpu.memref_slice %arg7[%mul3A_0, %dma_wait3A] : memref<10240x128xf32, #tpu.memory_space<vmem_shared>> -> memref<640x128xf32, #tpu.memory_space<vmem_shared>>
      %dma_wait3A_15 = arith.constant 0 : i32
      %dma_wait3A_16 = tpu.memref_slice %arg5[%mul3A_0, %dma_wait3A_15] : memref<10240x128xf32, #tpu.memory_space<hbm>> -> memref<640x128xf32, #tpu.memory_space<hbm>>
      tpu.wait_dma2 semaphore(%run_scoped3A : memref<!tpu.dma_semaphore, #tpu.memory_space<semaphore_mem>>) src(%dma_wait3A_16 : memref<640x128xf32, #tpu.memory_space<hbm>>) dst(%dma_wait3A_14 : memref<640x128xf32, #tpu.memory_space<vmem_shared>>)
      tpu.yield
    }) : () -> ()
    %barrier3A = arith.constant 0 : index
    tpu.barrier barrier_id(%barrier3A)
    %scan3A = arith.constant 0 : i32
    %scan3A_3 = arith.constant 0 : i32
    %scan3A_4 = arith.constant 4 : i32
    %scan3A_5 = arith.addi %scan3A_3, %scan3A_4 : i32
    %scan3A_6 = arith.constant 1 : i32
    scf.for %scan3A_11 = %scan3A_3 to %scan3A_5 step %scan3A_6  : i32 {
      %mul3A_12 = arith.constant 160 : i32
      %mul3A_13 = arith.muli %arg1, %mul3A_12 : i32
      %mul3A_14 = arith.constant 40 : i32
      %mul3A_15 = arith.muli %scan3A_11, %mul3A_14 : i32
      %add3A_16 = arith.addi %mul3A_13, %mul3A_15 : i32
      "tpu.region"() ({
        %run_scoped3A = tpu.sem_alloc : memref<!tpu.dma_semaphore, #tpu.memory_space<semaphore_mem>>
        %dma_start3A_139 = arith.constant 0 : i32
        %dma_start3A_140 = tpu.memref_slice %arg3[%add3A_16, %dma_start3A_139] : memref<2560x64xi32, #tpu.memory_space<hbm>> -> memref<40x64xi32, #tpu.memory_space<hbm>>
        %dma_start3A_141 = arith.constant 0 : i32
        %dma_start3A_142 = tpu.memref_slice %arg3[%add3A_16, %dma_start3A_141] : memref<2560x64xi32, #tpu.memory_space<hbm>> -> memref<40x64xi32, #tpu.memory_space<hbm>>
        tpu.enqueue_dma source(%dma_start3A_142 : memref<40x64xi32, #tpu.memory_space<hbm>>) target(%arg8 : memref<40x64xi32, #tpu.memory_space<vmem>>) target_semaphore(%run_scoped3A : memref<!tpu.dma_semaphore, #tpu.memory_space<semaphore_mem>>)
        %dma_wait3A_143 = arith.constant 0 : i32
        %dma_wait3A_144 = tpu.memref_slice %arg3[%add3A_16, %dma_wait3A_143] : memref<2560x64xi32, #tpu.memory_space<hbm>> -> memref<40x64xi32, #tpu.memory_space<hbm>>
        %dma_wait3A_145 = arith.constant 0 : i32
        %dma_wait3A_146 = tpu.memref_slice %arg3[%add3A_16, %dma_wait3A_145] : memref<2560x64xi32, #tpu.memory_space<hbm>> -> memref<40x64xi32, #tpu.memory_space<hbm>>
        tpu.wait_dma2 semaphore(%run_scoped3A : memref<!tpu.dma_semaphore, #tpu.memory_space<semaphore_mem>>) src(%dma_wait3A_146 : memref<40x64xi32, #tpu.memory_space<hbm>>) dst(%arg8 : memref<40x64xi32, #tpu.memory_space<vmem>>)
        tpu.yield
      }) : () -> ()
      "tpu.region"() ({
        %run_scoped3A = tpu.sem_alloc : memref<!tpu.dma_semaphore, #tpu.memory_space<semaphore_mem>>
        %dma_start3A_139 = arith.constant 0 : i32
        %dma_start3A_140 = tpu.memref_slice %arg4[%add3A_16, %dma_start3A_139] : memref<2560x64xi32, #tpu.memory_space<hbm>> -> memref<40x64xi32, #tpu.memory_space<hbm>>
        %dma_start3A_141 = arith.constant 0 : i32
        %dma_start3A_142 = tpu.memref_slice %arg4[%add3A_16, %dma_start3A_141] : memref<2560x64xi32, #tpu.memory_space<hbm>> -> memref<40x64xi32, #tpu.memory_space<hbm>>
        tpu.enqueue_dma source(%dma_start3A_142 : memref<40x64xi32, #tpu.memory_space<hbm>>) target(%arg9 : memref<40x64xi32, #tpu.memory_space<vmem>>) target_semaphore(%run_scoped3A : memref<!tpu.dma_semaphore, #tpu.memory_space<semaphore_mem>>)
        %dma_wait3A_143 = arith.constant 0 : i32
        %dma_wait3A_144 = tpu.memref_slice %arg4[%add3A_16, %dma_wait3A_143] : memref<2560x64xi32, #tpu.memory_space<hbm>> -> memref<40x64xi32, #tpu.memory_space<hbm>>
        %dma_wait3A_145 = arith.constant 0 : i32
        %dma_wait3A_146 = tpu.memref_slice %arg4[%add3A_16, %dma_wait3A_145] : memref<2560x64xi32, #tpu.memory_space<hbm>> -> memref<40x64xi32, #tpu.memory_space<hbm>>
        tpu.wait_dma2 semaphore(%run_scoped3A : memref<!tpu.dma_semaphore, #tpu.memory_space<semaphore_mem>>) src(%dma_wait3A_146 : memref<40x64xi32, #tpu.memory_space<hbm>>) dst(%arg9 : memref<40x64xi32, #tpu.memory_space<vmem>>)
        tpu.yield
      }) : () -> ()
      %scan3A_17 = arith.constant 0 : i32
      %scan3A_18 = arith.constant 0 : i32
      %scan3A_19 = arith.constant 40 : i32
      %scan3A_20 = arith.addi %scan3A_18, %scan3A_19 : i32
      %scan3A_21 = arith.constant 1 : i32
      scf.for %scan3A_139 = %scan3A_18 to %scan3A_20 step %scan3A_21  : i32 {
        %get3A = arith.index_cast %scan3A_139 : i32 to index
        %get3A_140 = arith.constant 0 : index
        %get3A_141 = tpu.vector_load %arg8[%get3A, %get3A_140] {strides = array<i32>} : memref<40x64xi32, #tpu.memory_space<vmem>>, vector<1x16xi32>,
        %get3A_142 = vector.shape_cast %get3A_141 : vector<1x16xi32> to vector<16xi32>
        %add3A_143 = vector.broadcast %mul3A_2 : i32 to vector<16xi32>
        %add3A_144 = arith.addi %get3A_142, %add3A_143 : vector<16xi32>
        %swap3A = arith.index_cast %scan3A_139 : i32 to index
        %swap3A_145 = arith.constant 0 : index
        %swap3A_146 = tpu.vector_load %arg8[%swap3A, %swap3A_145] {strides = array<i32>} : memref<40x64xi32, #tpu.memory_space<vmem>>, vector<1x16xi32>,
        %swap3A_147 = vector.shape_cast %swap3A_146 : vector<1x16xi32> to vector<16xi32>
        %swap3A_148 = vector.shape_cast %add3A_144 : vector<16xi32> to vector<1x16xi32>
        tpu.vector_store %arg8[%swap3A, %swap3A_145], %swap3A_148 {strides = array<i32>} : memref<40x64xi32, #tpu.memory_space<vmem>>, vector<1x16xi32>,
        %get3A_149 = arith.index_cast %scan3A_139 : i32 to index
        %get3A_150 = arith.constant 16 : index
        %get3A_151 = tpu.vector_load %arg8[%get3A_149, %get3A_150] {strides = array<i32>} : memref<40x64xi32, #tpu.memory_space<vmem>>, vector<1x16xi32>,
        %get3A_152 = vector.shape_cast %get3A_151 : vector<1x16xi32> to vector<16xi32>
        %add3A_153 = vector.broadcast %mul3A_2 : i32 to vector<16xi32>
        %add3A_154 = arith.addi %get3A_152, %add3A_153 : vector<16xi32>
        %swap3A_155 = arith.index_cast %scan3A_139 : i32 to index
        %swap3A_156 = arith.constant 16 : index
        %swap3A_157 = tpu.vector_load %arg8[%swap3A_155, %swap3A_156] {strides = array<i32>} : memref<40x64xi32, #tpu.memory_space<vmem>>, vector<1x16xi32>,
        %swap3A_158 = vector.shape_cast %swap3A_157 : vector<1x16xi32> to vector<16xi32>
        %swap3A_159 = vector.shape_cast %add3A_154 : vector<16xi32> to vector<1x16xi32>
        tpu.vector_store %arg8[%swap3A_155, %swap3A_156], %swap3A_159 {strides = array<i32>} : memref<40x64xi32, #tpu.memory_space<vmem>>, vector<1x16xi32>,
        %get3A_160 = arith.index_cast %scan3A_139 : i32 to index
        %get3A_161 = arith.constant 32 : index
        %get3A_162 = tpu.vector_load %arg8[%get3A_160, %get3A_161] {strides = array<i32>} : memref<40x64xi32, #tpu.memory_space<vmem>>, vector<1x16xi32>,
        %get3A_163 = vector.shape_cast %get3A_162 : vector<1x16xi32> to vector<16xi32>
        %add3A_164 = vector.broadcast %mul3A_2 : i32 to vector<16xi32>
        %add3A_165 = arith.addi %get3A_163, %add3A_164 : vector<16xi32>
        %swap3A_166 = arith.index_cast %scan3A_139 : i32 to index
        %swap3A_167 = arith.constant 32 : index
        %swap3A_168 = tpu.vector_load %arg8[%swap3A_166, %swap3A_167] {strides = array<i32>} : memref<40x64xi32, #tpu.memory_space<vmem>>, vector<1x16xi32>,
        %swap3A_169 = vector.shape_cast %swap3A_168 : vector<1x16xi32> to vector<16xi32>
        %swap3A_170 = vector.shape_cast %add3A_165 : vector<16xi32> to vector<1x16xi32>
        tpu.vector_store %arg8[%swap3A_166, %swap3A_167], %swap3A_170 {strides = array<i32>} : memref<40x64xi32, #tpu.memory_space<vmem>>, vector<1x16xi32>,
        %get3A_171 = arith.index_cast %scan3A_139 : i32 to index
        %get3A_172 = arith.constant 48 : index
        %get3A_173 = tpu.vector_load %arg8[%get3A_171, %get3A_172] {strides = array<i32>} : memref<40x64xi32, #tpu.memory_space<vmem>>, vector<1x16xi32>,
        %get3A_174 = vector.shape_cast %get3A_173 : vector<1x16xi32> to vector<16xi32>
        %add3A_175 = vector.broadcast %mul3A_2 : i32 to vector<16xi32>
        %add3A_176 = arith.addi %get3A_174, %add3A_175 : vector<16xi32>
        %swap3A_177 = arith.index_cast %scan3A_139 : i32 to index
        %swap3A_178 = arith.constant 48 : index
        %swap3A_179 = tpu.vector_load %arg8[%swap3A_177, %swap3A_178] {strides = array<i32>} : memref<40x64xi32, #tpu.memory_space<vmem>>, vector<1x16xi32>,
        %swap3A_180 = vector.shape_cast %swap3A_179 : vector<1x16xi32> to vector<16xi32>
        %swap3A_181 = vector.shape_cast %add3A_176 : vector<16xi32> to vector<1x16xi32>
        tpu.vector_store %arg8[%swap3A_177, %swap3A_178], %swap3A_181 {strides = array<i32>} : memref<40x64xi32, #tpu.memory_space<vmem>>, vector<1x16xi32>,
      }
      %scan3A_22 = arith.constant 40 : i32
      %dma_start3A = arith.constant 0 : i32
      %dma_start3A_23 = arith.constant 0 : i32
      %dma_start3A_24 = tpu.memref_slice %arg8[%dma_start3A, %dma_start3A_23] : memref<40x64xi32, #tpu.memory_space<vmem>> -> memref<1x64xi32, #tpu.memory_space<vmem>>
      %dma_start3A_25 = tpu.memref_squeeze %dma_start3A_24 : memref<1x64xi32, #tpu.memory_space<vmem>> -> memref<64xi32, #tpu.memory_space<vmem>>
      %dma_start3A_26 = arith.constant 0 : i32
      %dma_start3A_27 = arith.constant 0 : i32
      %dma_start3A_28 = tpu.memref_slice %arg2[%dma_start3A_26, %dma_start3A_27] : memref<20000x128xf32, #tpu.memory_space<hbm>> -> memref<20000x128xf32, #tpu.memory_space<hbm>>
      tpu.enqueue_indirect_dma source(%dma_start3A_28 : memref<20000x128xf32, #tpu.memory_space<hbm>>) target(%arg10 : memref<64x128xf32, #tpu.memory_space<vmem>>) offsets(%dma_start3A_25 : memref<64xi32, #tpu.memory_space<vmem>>) semaphore(%arg14 : memref<!tpu.dma_semaphore, #tpu.memory_space<semaphore_mem>>)
      %dma_start3A_29 = arith.constant 1 : i32
      %dma_start3A_30 = arith.constant 0 : i32
      %dma_start3A_31 = tpu.memref_slice %arg8[%dma_start3A_29, %dma_start3A_30] : memref<40x64xi32, #tpu.memory_space<vmem>> -> memref<1x64xi32, #tpu.memory_space<vmem>>
      %dma_start3A_32 = tpu.memref_squeeze %dma_start3A_31 : memref<1x64xi32, #tpu.memory_space<vmem>> -> memref<64xi32, #tpu.memory_space<vmem>>
      %dma_start3A_33 = arith.constant 0 : i32
      %dma_start3A_34 = arith.constant 0 : i32
      %dma_start3A_35 = tpu.memref_slice %arg2[%dma_start3A_33, %dma_start3A_34] : memref<20000x128xf32, #tpu.memory_space<hbm>> -> memref<20000x128xf32, #tpu.memory_space<hbm>>
      tpu.enqueue_indirect_dma source(%dma_start3A_35 : memref<20000x128xf32, #tpu.memory_space<hbm>>) target(%arg11 : memref<64x128xf32, #tpu.memory_space<vmem>>) offsets(%dma_start3A_32 : memref<64xi32, #tpu.memory_space<vmem>>) semaphore(%arg15 : memref<!tpu.dma_semaphore, #tpu.memory_space<semaphore_mem>>)
      %dma_start3A_36 = arith.constant 2 : i32
      %dma_start3A_37 = arith.constant 0 : i32
      %dma_start3A_38 = tpu.memref_slice %arg8[%dma_start3A_36, %dma_start3A_37] : memref<40x64xi32, #tpu.memory_space<vmem>> -> memref<1x64xi32, #tpu.memory_space<vmem>>
      %dma_start3A_39 = tpu.memref_squeeze %dma_start3A_38 : memref<1x64xi32, #tpu.memory_space<vmem>> -> memref<64xi32, #tpu.memory_space<vmem>>
      %dma_start3A_40 = arith.constant 0 : i32
      %dma_start3A_41 = arith.constant 0 : i32
      %dma_start3A_42 = tpu.memref_slice %arg2[%dma_start3A_40, %dma_start3A_41] : memref<20000x128xf32, #tpu.memory_space<hbm>> -> memref<20000x128xf32, #tpu.memory_space<hbm>>
      tpu.enqueue_indirect_dma source(%dma_start3A_42 : memref<20000x128xf32, #tpu.memory_space<hbm>>) target(%arg12 : memref<64x128xf32, #tpu.memory_space<vmem>>) offsets(%dma_start3A_39 : memref<64xi32, #tpu.memory_space<vmem>>) semaphore(%arg16 : memref<!tpu.dma_semaphore, #tpu.memory_space<semaphore_mem>>)
      %dma_wait3A = arith.constant 0 : i32
      %dma_wait3A_43 = arith.constant 0 : i32
      %dma_wait3A_44 = tpu.memref_slice %arg8[%dma_wait3A, %dma_wait3A_43] : memref<40x64xi32, #tpu.memory_space<vmem>> -> memref<1x64xi32, #tpu.memory_space<vmem>>
      %dma_wait3A_45 = tpu.memref_squeeze %dma_wait3A_44 : memref<1x64xi32, #tpu.memory_space<vmem>> -> memref<64xi32, #tpu.memory_space<vmem>>
      %dma_wait3A_46 = arith.constant 0 : i32
      %dma_wait3A_47 = arith.constant 0 : i32
      %dma_wait3A_48 = tpu.memref_slice %arg2[%dma_wait3A_46, %dma_wait3A_47] : memref<20000x128xf32, #tpu.memory_space<hbm>> -> memref<20000x128xf32, #tpu.memory_space<hbm>>
      tpu.wait_indirect_dma semaphore(%arg14 : memref<!tpu.dma_semaphore, #tpu.memory_space<semaphore_mem>>) src(%dma_wait3A_48 : memref<20000x128xf32, #tpu.memory_space<hbm>>) dst(%arg10 : memref<64x128xf32, #tpu.memory_space<vmem>>)
      %dma_start3A_49 = arith.constant 0 : i32
      %dma_start3A_50 = arith.constant 0 : i32
      %dma_start3A_51 = tpu.memref_slice %arg9[%dma_start3A_49, %dma_start3A_50] : memref<40x64xi32, #tpu.memory_space<vmem>> -> memref<1x64xi32, #tpu.memory_space<vmem>>
      %dma_start3A_52 = tpu.memref_squeeze %dma_start3A_51 : memref<1x64xi32, #tpu.memory_space<vmem>> -> memref<64xi32, #tpu.memory_space<vmem>>
      %dma_start3A_53 = arith.constant 0 : i32
      %dma_start3A_54 = arith.constant 0 : i32
      %dma_start3A_55 = tpu.memref_slice %arg7[%dma_start3A_53, %dma_start3A_54] : memref<10240x128xf32, #tpu.memory_space<vmem_shared>> -> memref<10240x128xf32, #tpu.memory_space<vmem_shared>>
      tpu.enqueue_indirect_dma source(%arg10 : memref<64x128xf32, #tpu.memory_space<vmem>>) target(%dma_start3A_55 : memref<10240x128xf32, #tpu.memory_space<vmem_shared>>) offsets(%dma_start3A_52 : memref<64xi32, #tpu.memory_space<vmem>>) semaphore(%arg18 : memref<!tpu.dma_semaphore, #tpu.memory_space<semaphore_mem>>) {add = true}
      %dma_start3A_56 = arith.constant 3 : i32
      %dma_start3A_57 = arith.constant 0 : i32
      %dma_start3A_58 = tpu.memref_slice %arg8[%dma_start3A_56, %dma_start3A_57] : memref<40x64xi32, #tpu.memory_space<vmem>> -> memref<1x64xi32, #tpu.memory_space<vmem>>
      %dma_start3A_59 = tpu.memref_squeeze %dma_start3A_58 : memref<1x64xi32, #tpu.memory_space<vmem>> -> memref<64xi32, #tpu.memory_space<vmem>>
      %dma_start3A_60 = arith.constant 0 : i32
      %dma_start3A_61 = arith.constant 0 : i32
      %dma_start3A_62 = tpu.memref_slice %arg2[%dma_start3A_60, %dma_start3A_61] : memref<20000x128xf32, #tpu.memory_space<hbm>> -> memref<20000x128xf32, #tpu.memory_space<hbm>>
      tpu.enqueue_indirect_dma source(%dma_start3A_62 : memref<20000x128xf32, #tpu.memory_space<hbm>>) target(%arg13 : memref<64x128xf32, #tpu.memory_space<vmem>>) offsets(%dma_start3A_59 : memref<64xi32, #tpu.memory_space<vmem>>) semaphore(%arg17 : memref<!tpu.dma_semaphore, #tpu.memory_space<semaphore_mem>>)
      %scan3A_63 = arith.constant 0 : i32
      %scan3A_64 = arith.constant 0 : i32
      %scan3A_65 = arith.constant 9 : i32
      %scan3A_66 = arith.addi %scan3A_64, %scan3A_65 : i32
      %scan3A_67 = arith.constant 1 : i32
      scf.for %scan3A_139 = %scan3A_64 to %scan3A_66 step %scan3A_67  : i32 {
        %mul3A_140 = arith.constant 4 : i32
        %mul3A_141 = arith.muli %mul3A_140, %scan3A_139 : i32
        %add3A_142 = arith.constant 1 : i32
        %add3A_143 = arith.addi %add3A_142, %mul3A_141 : i32
        %add3A_144 = arith.constant 0 : i32
        %add3A_145 = arith.addi %add3A_143, %add3A_144 : i32
        %dma_wait3A_146 = arith.constant 0 : i32
        %dma_wait3A_147 = arith.constant 0 : i32
        %dma_wait3A_148 = tpu.memref_slice %arg8[%dma_wait3A_146, %dma_wait3A_147] : memref<40x64xi32, #tpu.memory_space<vmem>> -> memref<1x64xi32, #tpu.memory_space<vmem>>
        %dma_wait3A_149 = tpu.memref_squeeze %dma_wait3A_148 : memref<1x64xi32, #tpu.memory_space<vmem>> -> memref<64xi32, #tpu.memory_space<vmem>>
        %dma_wait3A_150 = arith.constant 0 : i32
        %dma_wait3A_151 = arith.constant 0 : i32
        %dma_wait3A_152 = tpu.memref_slice %arg2[%dma_wait3A_150, %dma_wait3A_151] : memref<20000x128xf32, #tpu.memory_space<hbm>> -> memref<20000x128xf32, #tpu.memory_space<hbm>>
        tpu.wait_indirect_dma semaphore(%arg15 : memref<!tpu.dma_semaphore, #tpu.memory_space<semaphore_mem>>) src(%dma_wait3A_152 : memref<20000x128xf32, #tpu.memory_space<hbm>>) dst(%arg11 : memref<64x128xf32, #tpu.memory_space<vmem>>)
        %dma_wait3A_153 = arith.constant 0 : i32
        %dma_wait3A_154 = arith.constant 0 : i32
        %dma_wait3A_155 = tpu.memref_slice %arg9[%dma_wait3A_153, %dma_wait3A_154] : memref<40x64xi32, #tpu.memory_space<vmem>> -> memref<1x64xi32, #tpu.memory_space<vmem>>
        %dma_wait3A_156 = tpu.memref_squeeze %dma_wait3A_155 : memref<1x64xi32, #tpu.memory_space<vmem>> -> memref<64xi32, #tpu.memory_space<vmem>>
        %dma_wait3A_157 = arith.constant 0 : i32
        %dma_wait3A_158 = arith.constant 0 : i32
        %dma_wait3A_159 = tpu.memref_slice %arg7[%dma_wait3A_157, %dma_wait3A_158] : memref<10240x128xf32, #tpu.memory_space<vmem_shared>> -> memref<10240x128xf32, #tpu.memory_space<vmem_shared>>
        tpu.wait_indirect_dma semaphore(%arg18 : memref<!tpu.dma_semaphore, #tpu.memory_space<semaphore_mem>>) src(%arg10 : memref<64x128xf32, #tpu.memory_space<vmem>>) dst(%dma_wait3A_159 : memref<10240x128xf32, #tpu.memory_space<vmem_shared>>)
        %add3A_160 = arith.constant 3 : i32
        %add3A_161 = arith.addi %add3A_145, %add3A_160 : i32
        %dma_start3A_162 = arith.constant 0 : i32
        %dma_start3A_163 = tpu.memref_slice %arg8[%add3A_161, %dma_start3A_162] : memref<40x64xi32, #tpu.memory_space<vmem>> -> memref<1x64xi32, #tpu.memory_space<vmem>>
        %dma_start3A_164 = tpu.memref_squeeze %dma_start3A_163 : memref<1x64xi32, #tpu.memory_space<vmem>> -> memref<64xi32, #tpu.memory_space<vmem>>
        %dma_start3A_165 = arith.constant 0 : i32
        %dma_start3A_166 = arith.constant 0 : i32
        %dma_start3A_167 = tpu.memref_slice %arg2[%dma_start3A_165, %dma_start3A_166] : memref<20000x128xf32, #tpu.memory_space<hbm>> -> memref<20000x128xf32, #tpu.memory_space<hbm>>
        tpu.enqueue_indirect_dma source(%dma_start3A_167 : memref<20000x128xf32, #tpu.memory_space<hbm>>) target(%arg10 : memref<64x128xf32, #tpu.memory_space<vmem>>) offsets(%dma_start3A_164 : memref<64xi32, #tpu.memory_space<vmem>>) semaphore(%arg14 : memref<!tpu.dma_semaphore, #tpu.memory_space<semaphore_mem>>)
        %dma_start3A_168 = arith.constant 0 : i32
        %dma_start3A_169 = tpu.memref_slice %arg9[%add3A_145, %dma_start3A_168] : memref<40x64xi32, #tpu.memory_space<vmem>> -> memref<1x64xi32, #tpu.memory_space<vmem>>
        %dma_start3A_170 = tpu.memref_squeeze %dma_start3A_169 : memref<1x64xi32, #tpu.memory_space<vmem>> -> memref<64xi32, #tpu.memory_space<vmem>>
        %dma_start3A_171 = arith.constant 0 : i32
        %dma_start3A_172 = arith.constant 0 : i32
        %dma_start3A_173 = tpu.memref_slice %arg7[%dma_start3A_171, %dma_start3A_172] : memref<10240x128xf32, #tpu.memory_space<vmem_shared>> -> memref<10240x128xf32, #tpu.memory_space<vmem_shared>>
        tpu.enqueue_indirect_dma source(%arg11 : memref<64x128xf32, #tpu.memory_space<vmem>>) target(%dma_start3A_173 : memref<10240x128xf32, #tpu.memory_space<vmem_shared>>) offsets(%dma_start3A_170 : memref<64xi32, #tpu.memory_space<vmem>>) semaphore(%arg19 : memref<!tpu.dma_semaphore, #tpu.memory_space<semaphore_mem>>) {add = true}
        %mul3A_174 = arith.constant 4 : i32
        %mul3A_175 = arith.muli %mul3A_174, %scan3A_139 : i32
        %add3A_176 = arith.constant 1 : i32
        %add3A_177 = arith.addi %add3A_176, %mul3A_175 : i32
        %add3A_178 = arith.constant 1 : i32
        %add3A_179 = arith.addi %add3A_177, %add3A_178 : i32
        %dma_wait3A_180 = arith.constant 0 : i32
        %dma_wait3A_181 = arith.constant 0 : i32
        %dma_wait3A_182 = tpu.memref_slice %arg8[%dma_wait3A_180, %dma_wait3A_181] : memref<40x64xi32, #tpu.memory_space<vmem>> -> memref<1x64xi32, #tpu.memory_space<vmem>>
        %dma_wait3A_183 = tpu.memref_squeeze %dma_wait3A_182 : memref<1x64xi32, #tpu.memory_space<vmem>> -> memref<64xi32, #tpu.memory_space<vmem>>
        %dma_wait3A_184 = arith.constant 0 : i32
        %dma_wait3A_185 = arith.constant 0 : i32
        %dma_wait3A_186 = tpu.memref_slice %arg2[%dma_wait3A_184, %dma_wait3A_185] : memref<20000x128xf32, #tpu.memory_space<hbm>> -> memref<20000x128xf32, #tpu.memory_space<hbm>>
        tpu.wait_indirect_dma semaphore(%arg16 : memref<!tpu.dma_semaphore, #tpu.memory_space<semaphore_mem>>) src(%dma_wait3A_186 : memref<20000x128xf32, #tpu.memory_space<hbm>>) dst(%arg12 : memref<64x128xf32, #tpu.memory_space<vmem>>)
        %dma_wait3A_187 = arith.constant 0 : i32
        %dma_wait3A_188 = arith.constant 0 : i32
        %dma_wait3A_189 = tpu.memref_slice %arg9[%dma_wait3A_187, %dma_wait3A_188] : memref<40x64xi32, #tpu.memory_space<vmem>> -> memref<1x64xi32, #tpu.memory_space<vmem>>
        %dma_wait3A_190 = tpu.memref_squeeze %dma_wait3A_189 : memref<1x64xi32, #tpu.memory_space<vmem>> -> memref<64xi32, #tpu.memory_space<vmem>>
        %dma_wait3A_191 = arith.constant 0 : i32
        %dma_wait3A_192 = arith.constant 0 : i32
        %dma_wait3A_193 = tpu.memref_slice %arg7[%dma_wait3A_191, %dma_wait3A_192] : memref<10240x128xf32, #tpu.memory_space<vmem_shared>> -> memref<10240x128xf32, #tpu.memory_space<vmem_shared>>
        tpu.wait_indirect_dma semaphore(%arg19 : memref<!tpu.dma_semaphore, #tpu.memory_space<semaphore_mem>>) src(%arg11 : memref<64x128xf32, #tpu.memory_space<vmem>>) dst(%dma_wait3A_193 : memref<10240x128xf32, #tpu.memory_space<vmem_shared>>)
        %add3A_194 = arith.constant 3 : i32
        %add3A_195 = arith.addi %add3A_179, %add3A_194 : i32
        %dma_start3A_196 = arith.constant 0 : i32
        %dma_start3A_197 = tpu.memref_slice %arg8[%add3A_195, %dma_start3A_196] : memref<40x64xi32, #tpu.memory_space<vmem>> -> memref<1x64xi32, #tpu.memory_space<vmem>>
        %dma_start3A_198 = tpu.memref_squeeze %dma_start3A_197 : memref<1x64xi32, #tpu.memory_space<vmem>> -> memref<64xi32, #tpu.memory_space<vmem>>
        %dma_start3A_199 = arith.constant 0 : i32
        %dma_start3A_200 = arith.constant 0 : i32
        %dma_start3A_201 = tpu.memref_slice %arg2[%dma_start3A_199, %dma_start3A_200] : memref<20000x128xf32, #tpu.memory_space<hbm>> -> memref<20000x128xf32, #tpu.memory_space<hbm>>
        tpu.enqueue_indirect_dma source(%dma_start3A_201 : memref<20000x128xf32, #tpu.memory_space<hbm>>) target(%arg11 : memref<64x128xf32, #tpu.memory_space<vmem>>) offsets(%dma_start3A_198 : memref<64xi32, #tpu.memory_space<vmem>>) semaphore(%arg15 : memref<!tpu.dma_semaphore, #tpu.memory_space<semaphore_mem>>)
        %dma_start3A_202 = arith.constant 0 : i32
        %dma_start3A_203 = tpu.memref_slice %arg9[%add3A_179, %dma_start3A_202] : memref<40x64xi32, #tpu.memory_space<vmem>> -> memref<1x64xi32, #tpu.memory_space<vmem>>
        %dma_start3A_204 = tpu.memref_squeeze %dma_start3A_203 : memref<1x64xi32, #tpu.memory_space<vmem>> -> memref<64xi32, #tpu.memory_space<vmem>>
        %dma_start3A_205 = arith.constant 0 : i32
        %dma_start3A_206 = arith.constant 0 : i32
        %dma_start3A_207 = tpu.memref_slice %arg7[%dma_start3A_205, %dma_start3A_206] : memref<10240x128xf32, #tpu.memory_space<vmem_shared>> -> memref<10240x128xf32, #tpu.memory_space<vmem_shared>>
        tpu.enqueue_indirect_dma source(%arg12 : memref<64x128xf32, #tpu.memory_space<vmem>>) target(%dma_start3A_207 : memref<10240x128xf32, #tpu.memory_space<vmem_shared>>) offsets(%dma_start3A_204 : memref<64xi32, #tpu.memory_space<vmem>>) semaphore(%arg20 : memref<!tpu.dma_semaphore, #tpu.memory_space<semaphore_mem>>) {add = true}
        %mul3A_208 = arith.constant 4 : i32
        %mul3A_209 = arith.muli %mul3A_208, %scan3A_139 : i32
        %add3A_210 = arith.constant 1 : i32
        %add3A_211 = arith.addi %add3A_210, %mul3A_209 : i32
        %add3A_212 = arith.constant 2 : i32
        %add3A_213 = arith.addi %add3A_211, %add3A_212 : i32
        %dma_wait3A_214 = arith.constant 0 : i32
        %dma_wait3A_215 = arith.constant 0 : i32
        %dma_wait3A_216 = tpu.memref_slice %arg8[%dma_wait3A_214, %dma_wait3A_215] : memref<40x64xi32, #tpu.memory_space<vmem>> -> memref<1x64xi32, #tpu.memory_space<vmem>>
        %dma_wait3A_217 = tpu.memref_squeeze %dma_wait3A_216 : memref<1x64xi32, #tpu.memory_space<vmem>> -> memref<64xi32, #tpu.memory_space<vmem>>
        %dma_wait3A_218 = arith.constant 0 : i32
        %dma_wait3A_219 = arith.constant 0 : i32
        %dma_wait3A_220 = tpu.memref_slice %arg2[%dma_wait3A_218, %dma_wait3A_219] : memref<20000x128xf32, #tpu.memory_space<hbm>> -> memref<20000x128xf32, #tpu.memory_space<hbm>>
        tpu.wait_indirect_dma semaphore(%arg17 : memref<!tpu.dma_semaphore, #tpu.memory_space<semaphore_mem>>) src(%dma_wait3A_220 : memref<20000x128xf32, #tpu.memory_space<hbm>>) dst(%arg13 : memref<64x128xf32, #tpu.memory_space<vmem>>)
        %dma_wait3A_221 = arith.constant 0 : i32
        %dma_wait3A_222 = arith.constant 0 : i32
        %dma_wait3A_223 = tpu.memref_slice %arg9[%dma_wait3A_221, %dma_wait3A_222] : memref<40x64xi32, #tpu.memory_space<vmem>> -> memref<1x64xi32, #tpu.memory_space<vmem>>
        %dma_wait3A_224 = tpu.memref_squeeze %dma_wait3A_223 : memref<1x64xi32, #tpu.memory_space<vmem>> -> memref<64xi32, #tpu.memory_space<vmem>>
        %dma_wait3A_225 = arith.constant 0 : i32
        %dma_wait3A_226 = arith.constant 0 : i32
        %dma_wait3A_227 = tpu.memref_slice %arg7[%dma_wait3A_225, %dma_wait3A_226] : memref<10240x128xf32, #tpu.memory_space<vmem_shared>> -> memref<10240x128xf32, #tpu.memory_space<vmem_shared>>
        tpu.wait_indirect_dma semaphore(%arg20 : memref<!tpu.dma_semaphore, #tpu.memory_space<semaphore_mem>>) src(%arg12 : memref<64x128xf32, #tpu.memory_space<vmem>>) dst(%dma_wait3A_227 : memref<10240x128xf32, #tpu.memory_space<vmem_shared>>)
        %add3A_228 = arith.constant 3 : i32
        %add3A_229 = arith.addi %add3A_213, %add3A_228 : i32
        %dma_start3A_230 = arith.constant 0 : i32
        %dma_start3A_231 = tpu.memref_slice %arg8[%add3A_229, %dma_start3A_230] : memref<40x64xi32, #tpu.memory_space<vmem>> -> memref<1x64xi32, #tpu.memory_space<vmem>>
        %dma_start3A_232 = tpu.memref_squeeze %dma_start3A_231 : memref<1x64xi32, #tpu.memory_space<vmem>> -> memref<64xi32, #tpu.memory_space<vmem>>
        %dma_start3A_233 = arith.constant 0 : i32
        %dma_start3A_234 = arith.constant 0 : i32
        %dma_start3A_235 = tpu.memref_slice %arg2[%dma_start3A_233, %dma_start3A_234] : memref<20000x128xf32, #tpu.memory_space<hbm>> -> memref<20000x128xf32, #tpu.memory_space<hbm>>
        tpu.enqueue_indirect_dma source(%dma_start3A_235 : memref<20000x128xf32, #tpu.memory_space<hbm>>) target(%arg12 : memref<64x128xf32, #tpu.memory_space<vmem>>) offsets(%dma_start3A_232 : memref<64xi32, #tpu.memory_space<vmem>>) semaphore(%arg16 : memref<!tpu.dma_semaphore, #tpu.memory_space<semaphore_mem>>)
        %dma_start3A_236 = arith.constant 0 : i32
        %dma_start3A_237 = tpu.memref_slice %arg9[%add3A_213, %dma_start3A_236] : memref<40x64xi32, #tpu.memory_space<vmem>> -> memref<1x64xi32, #tpu.memory_space<vmem>>
        %dma_start3A_238 = tpu.memref_squeeze %dma_start3A_237 : memref<1x64xi32, #tpu.memory_space<vmem>> -> memref<64xi32, #tpu.memory_space<vmem>>
        %dma_start3A_239 = arith.constant 0 : i32
        %dma_start3A_240 = arith.constant 0 : i32
        %dma_start3A_241 = tpu.memref_slice %arg7[%dma_start3A_239, %dma_start3A_240] : memref<10240x128xf32, #tpu.memory_space<vmem_shared>> -> memref<10240x128xf32, #tpu.memory_space<vmem_shared>>
        tpu.enqueue_indirect_dma source(%arg13 : memref<64x128xf32, #tpu.memory_space<vmem>>) target(%dma_start3A_241 : memref<10240x128xf32, #tpu.memory_space<vmem_shared>>) offsets(%dma_start3A_238 : memref<64xi32, #tpu.memory_space<vmem>>) semaphore(%arg21 : memref<!tpu.dma_semaphore, #tpu.memory_space<semaphore_mem>>) {add = true}
        %mul3A_242 = arith.constant 4 : i32
        %mul3A_243 = arith.muli %mul3A_242, %scan3A_139 : i32
        %add3A_244 = arith.constant 1 : i32
        %add3A_245 = arith.addi %add3A_244, %mul3A_243 : i32
        %add3A_246 = arith.constant 3 : i32
        %add3A_247 = arith.addi %add3A_245, %add3A_246 : i32
        %dma_wait3A_248 = arith.constant 0 : i32
        %dma_wait3A_249 = arith.constant 0 : i32
        %dma_wait3A_250 = tpu.memref_slice %arg8[%dma_wait3A_248, %dma_wait3A_249] : memref<40x64xi32, #tpu.memory_space<vmem>> -> memref<1x64xi32, #tpu.memory_space<vmem>>
        %dma_wait3A_251 = tpu.memref_squeeze %dma_wait3A_250 : memref<1x64xi32, #tpu.memory_space<vmem>> -> memref<64xi32, #tpu.memory_space<vmem>>
        %dma_wait3A_252 = arith.constant 0 : i32
        %dma_wait3A_253 = arith.constant 0 : i32
        %dma_wait3A_254 = tpu.memref_slice %arg2[%dma_wait3A_252, %dma_wait3A_253] : memref<20000x128xf32, #tpu.memory_space<hbm>> -> memref<20000x128xf32, #tpu.memory_space<hbm>>
        tpu.wait_indirect_dma semaphore(%arg14 : memref<!tpu.dma_semaphore, #tpu.memory_space<semaphore_mem>>) src(%dma_wait3A_254 : memref<20000x128xf32, #tpu.memory_space<hbm>>) dst(%arg10 : memref<64x128xf32, #tpu.memory_space<vmem>>)
        %dma_wait3A_255 = arith.constant 0 : i32
        %dma_wait3A_256 = arith.constant 0 : i32
        %dma_wait3A_257 = tpu.memref_slice %arg9[%dma_wait3A_255, %dma_wait3A_256] : memref<40x64xi32, #tpu.memory_space<vmem>> -> memref<1x64xi32, #tpu.memory_space<vmem>>
        %dma_wait3A_258 = tpu.memref_squeeze %dma_wait3A_257 : memref<1x64xi32, #tpu.memory_space<vmem>> -> memref<64xi32, #tpu.memory_space<vmem>>
        %dma_wait3A_259 = arith.constant 0 : i32
        %dma_wait3A_260 = arith.constant 0 : i32
        %dma_wait3A_261 = tpu.memref_slice %arg7[%dma_wait3A_259, %dma_wait3A_260] : memref<10240x128xf32, #tpu.memory_space<vmem_shared>> -> memref<10240x128xf32, #tpu.memory_space<vmem_shared>>
        tpu.wait_indirect_dma semaphore(%arg21 : memref<!tpu.dma_semaphore, #tpu.memory_space<semaphore_mem>>) src(%arg13 : memref<64x128xf32, #tpu.memory_space<vmem>>) dst(%dma_wait3A_261 : memref<10240x128xf32, #tpu.memory_space<vmem_shared>>)
        %add3A_262 = arith.constant 3 : i32
        %add3A_263 = arith.addi %add3A_247, %add3A_262 : i32
        %dma_start3A_264 = arith.constant 0 : i32
        %dma_start3A_265 = tpu.memref_slice %arg8[%add3A_263, %dma_start3A_264] : memref<40x64xi32, #tpu.memory_space<vmem>> -> memref<1x64xi32, #tpu.memory_space<vmem>>
        %dma_start3A_266 = tpu.memref_squeeze %dma_start3A_265 : memref<1x64xi32, #tpu.memory_space<vmem>> -> memref<64xi32, #tpu.memory_space<vmem>>
        %dma_start3A_267 = arith.constant 0 : i32
        %dma_start3A_268 = arith.constant 0 : i32
        %dma_start3A_269 = tpu.memref_slice %arg2[%dma_start3A_267, %dma_start3A_268] : memref<20000x128xf32, #tpu.memory_space<hbm>> -> memref<20000x128xf32, #tpu.memory_space<hbm>>
        tpu.enqueue_indirect_dma source(%dma_start3A_269 : memref<20000x128xf32, #tpu.memory_space<hbm>>) target(%arg13 : memref<64x128xf32, #tpu.memory_space<vmem>>) offsets(%dma_start3A_266 : memref<64xi32, #tpu.memory_space<vmem>>) semaphore(%arg17 : memref<!tpu.dma_semaphore, #tpu.memory_space<semaphore_mem>>)
        %dma_start3A_270 = arith.constant 0 : i32
        %dma_start3A_271 = tpu.memref_slice %arg9[%add3A_247, %dma_start3A_270] : memref<40x64xi32, #tpu.memory_space<vmem>> -> memref<1x64xi32, #tpu.memory_space<vmem>>
        %dma_start3A_272 = tpu.memref_squeeze %dma_start3A_271 : memref<1x64xi32, #tpu.memory_space<vmem>> -> memref<64xi32, #tpu.memory_space<vmem>>
        %dma_start3A_273 = arith.constant 0 : i32
        %dma_start3A_274 = arith.constant 0 : i32
        %dma_start3A_275 = tpu.memref_slice %arg7[%dma_start3A_273, %dma_start3A_274] : memref<10240x128xf32, #tpu.memory_space<vmem_shared>> -> memref<10240x128xf32, #tpu.memory_space<vmem_shared>>
        tpu.enqueue_indirect_dma source(%arg10 : memref<64x128xf32, #tpu.memory_space<vmem>>) target(%dma_start3A_275 : memref<10240x128xf32, #tpu.memory_space<vmem_shared>>) offsets(%dma_start3A_272 : memref<64xi32, #tpu.memory_space<vmem>>) semaphore(%arg18 : memref<!tpu.dma_semaphore, #tpu.memory_space<semaphore_mem>>) {add = true}
      }
      %scan3A_68 = arith.constant 9 : i32
      %dma_wait3A_69 = arith.constant 0 : i32
      %dma_wait3A_70 = arith.constant 0 : i32
      %dma_wait3A_71 = tpu.memref_slice %arg8[%dma_wait3A_69, %dma_wait3A_70] : memref<40x64xi32, #tpu.memory_space<vmem>> -> memref<1x64xi32, #tpu.memory_space<vmem>>
      %dma_wait3A_72 = tpu.memref_squeeze %dma_wait3A_71 : memref<1x64xi32, #tpu.memory_space<vmem>> -> memref<64xi32, #tpu.memory_space<vmem>>
      %dma_wait3A_73 = arith.constant 0 : i32
      %dma_wait3A_74 = arith.constant 0 : i32
      %dma_wait3A_75 = tpu.memref_slice %arg2[%dma_wait3A_73, %dma_wait3A_74] : memref<20000x128xf32, #tpu.memory_space<hbm>> -> memref<20000x128xf32, #tpu.memory_space<hbm>>
      tpu.wait_indirect_dma semaphore(%arg15 : memref<!tpu.dma_semaphore, #tpu.memory_space<semaphore_mem>>) src(%dma_wait3A_75 : memref<20000x128xf32, #tpu.memory_space<hbm>>) dst(%arg11 : memref<64x128xf32, #tpu.memory_space<vmem>>)
      %dma_start3A_76 = arith.constant 37 : i32
      %dma_start3A_77 = arith.constant 0 : i32
      %dma_start3A_78 = tpu.memref_slice %arg9[%dma_start3A_76, %dma_start3A_77] : memref<40x64xi32, #tpu.memory_space<vmem>> -> memref<1x64xi32, #tpu.memory_space<vmem>>
      %dma_start3A_79 = tpu.memref_squeeze %dma_start3A_78 : memref<1x64xi32, #tpu.memory_space<vmem>> -> memref<64xi32, #tpu.memory_space<vmem>>
      %dma_start3A_80 = arith.constant 0 : i32
      %dma_start3A_81 = arith.constant 0 : i32
      %dma_start3A_82 = tpu.memref_slice %arg7[%dma_start3A_80, %dma_start3A_81] : memref<10240x128xf32, #tpu.memory_space<vmem_shared>> -> memref<10240x128xf32, #tpu.memory_space<vmem_shared>>
      tpu.enqueue_indirect_dma source(%arg11 : memref<64x128xf32, #tpu.memory_space<vmem>>) target(%dma_start3A_82 : memref<10240x128xf32, #tpu.memory_space<vmem_shared>>) offsets(%dma_start3A_79 : memref<64xi32, #tpu.memory_space<vmem>>) semaphore(%arg19 : memref<!tpu.dma_semaphore, #tpu.memory_space<semaphore_mem>>) {add = true}
      %dma_wait3A_83 = arith.constant 0 : i32
      %dma_wait3A_84 = arith.constant 0 : i32
      %dma_wait3A_85 = tpu.memref_slice %arg8[%dma_wait3A_83, %dma_wait3A_84] : memref<40x64xi32, #tpu.memory_space<vmem>> -> memref<1x64xi32, #tpu.memory_space<vmem>>
      %dma_wait3A_86 = tpu.memref_squeeze %dma_wait3A_85 : memref<1x64xi32, #tpu.memory_space<vmem>> -> memref<64xi32, #tpu.memory_space<vmem>>
      %dma_wait3A_87 = arith.constant 0 : i32
      %dma_wait3A_88 = arith.constant 0 : i32
      %dma_wait3A_89 = tpu.memref_slice %arg2[%dma_wait3A_87, %dma_wait3A_88] : memref<20000x128xf32, #tpu.memory_space<hbm>> -> memref<20000x128xf32, #tpu.memory_space<hbm>>
      tpu.wait_indirect_dma semaphore(%arg16 : memref<!tpu.dma_semaphore, #tpu.memory_space<semaphore_mem>>) src(%dma_wait3A_89 : memref<20000x128xf32, #tpu.memory_space<hbm>>) dst(%arg12 : memref<64x128xf32, #tpu.memory_space<vmem>>)
      %dma_start3A_90 = arith.constant 38 : i32
      %dma_start3A_91 = arith.constant 0 : i32
      %dma_start3A_92 = tpu.memref_slice %arg9[%dma_start3A_90, %dma_start3A_91] : memref<40x64xi32, #tpu.memory_space<vmem>> -> memref<1x64xi32, #tpu.memory_space<vmem>>
      %dma_start3A_93 = tpu.memref_squeeze %dma_start3A_92 : memref<1x64xi32, #tpu.memory_space<vmem>> -> memref<64xi32, #tpu.memory_space<vmem>>
      %dma_start3A_94 = arith.constant 0 : i32
      %dma_start3A_95 = arith.constant 0 : i32
      %dma_start3A_96 = tpu.memref_slice %arg7[%dma_start3A_94, %dma_start3A_95] : memref<10240x128xf32, #tpu.memory_space<vmem_shared>> -> memref<10240x128xf32, #tpu.memory_space<vmem_shared>>
      tpu.enqueue_indirect_dma source(%arg12 : memref<64x128xf32, #tpu.memory_space<vmem>>) target(%dma_start3A_96 : memref<10240x128xf32, #tpu.memory_space<vmem_shared>>) offsets(%dma_start3A_93 : memref<64xi32, #tpu.memory_space<vmem>>) semaphore(%arg20 : memref<!tpu.dma_semaphore, #tpu.memory_space<semaphore_mem>>) {add = true}
      %dma_wait3A_97 = arith.constant 0 : i32
      %dma_wait3A_98 = arith.constant 0 : i32
      %dma_wait3A_99 = tpu.memref_slice %arg8[%dma_wait3A_97, %dma_wait3A_98] : memref<40x64xi32, #tpu.memory_space<vmem>> -> memref<1x64xi32, #tpu.memory_space<vmem>>
      %dma_wait3A_100 = tpu.memref_squeeze %dma_wait3A_99 : memref<1x64xi32, #tpu.memory_space<vmem>> -> memref<64xi32, #tpu.memory_space<vmem>>
      %dma_wait3A_101 = arith.constant 0 : i32
      %dma_wait3A_102 = arith.constant 0 : i32
      %dma_wait3A_103 = tpu.memref_slice %arg2[%dma_wait3A_101, %dma_wait3A_102] : memref<20000x128xf32, #tpu.memory_space<hbm>> -> memref<20000x128xf32, #tpu.memory_space<hbm>>
      tpu.wait_indirect_dma semaphore(%arg17 : memref<!tpu.dma_semaphore, #tpu.memory_space<semaphore_mem>>) src(%dma_wait3A_103 : memref<20000x128xf32, #tpu.memory_space<hbm>>) dst(%arg13 : memref<64x128xf32, #tpu.memory_space<vmem>>)
      %dma_start3A_104 = arith.constant 39 : i32
      %dma_start3A_105 = arith.constant 0 : i32
      %dma_start3A_106 = tpu.memref_slice %arg9[%dma_start3A_104, %dma_start3A_105] : memref<40x64xi32, #tpu.memory_space<vmem>> -> memref<1x64xi32, #tpu.memory_space<vmem>>
      %dma_start3A_107 = tpu.memref_squeeze %dma_start3A_106 : memref<1x64xi32, #tpu.memory_space<vmem>> -> memref<64xi32, #tpu.memory_space<vmem>>
      %dma_start3A_108 = arith.constant 0 : i32
      %dma_start3A_109 = arith.constant 0 : i32
      %dma_start3A_110 = tpu.memref_slice %arg7[%dma_start3A_108, %dma_start3A_109] : memref<10240x128xf32, #tpu.memory_space<vmem_shared>> -> memref<10240x128xf32, #tpu.memory_space<vmem_shared>>
      tpu.enqueue_indirect_dma source(%arg13 : memref<64x128xf32, #tpu.memory_space<vmem>>) target(%dma_start3A_110 : memref<10240x128xf32, #tpu.memory_space<vmem_shared>>) offsets(%dma_start3A_107 : memref<64xi32, #tpu.memory_space<vmem>>) semaphore(%arg21 : memref<!tpu.dma_semaphore, #tpu.memory_space<semaphore_mem>>) {add = true}
      %dma_wait3A_111 = arith.constant 0 : i32
      %dma_wait3A_112 = arith.constant 0 : i32
      %dma_wait3A_113 = tpu.memref_slice %arg9[%dma_wait3A_111, %dma_wait3A_112] : memref<40x64xi32, #tpu.memory_space<vmem>> -> memref<1x64xi32, #tpu.memory_space<vmem>>
      %dma_wait3A_114 = tpu.memref_squeeze %dma_wait3A_113 : memref<1x64xi32, #tpu.memory_space<vmem>> -> memref<64xi32, #tpu.memory_space<vmem>>
      %dma_wait3A_115 = arith.constant 0 : i32
      %dma_wait3A_116 = arith.constant 0 : i32
      %dma_wait3A_117 = tpu.memref_slice %arg7[%dma_wait3A_115, %dma_wait3A_116] : memref<10240x128xf32, #tpu.memory_space<vmem_shared>> -> memref<10240x128xf32, #tpu.memory_space<vmem_shared>>
      tpu.wait_indirect_dma semaphore(%arg18 : memref<!tpu.dma_semaphore, #tpu.memory_space<semaphore_mem>>) src(%arg10 : memref<64x128xf32, #tpu.memory_space<vmem>>) dst(%dma_wait3A_117 : memref<10240x128xf32, #tpu.memory_space<vmem_shared>>)
      %dma_wait3A_118 = arith.constant 0 : i32
      %dma_wait3A_119 = arith.constant 0 : i32
      %dma_wait3A_120 = tpu.memref_slice %arg9[%dma_wait3A_118, %dma_wait3A_119] : memref<40x64xi32, #tpu.memory_space<vmem>> -> memref<1x64xi32, #tpu.memory_space<vmem>>
      %dma_wait3A_121 = tpu.memref_squeeze %dma_wait3A_120 : memref<1x64xi32, #tpu.memory_space<vmem>> -> memref<64xi32, #tpu.memory_space<vmem>>
      %dma_wait3A_122 = arith.constant 0 : i32
      %dma_wait3A_123 = arith.constant 0 : i32
      %dma_wait3A_124 = tpu.memref_slice %arg7[%dma_wait3A_122, %dma_wait3A_123] : memref<10240x128xf32, #tpu.memory_space<vmem_shared>> -> memref<10240x128xf32, #tpu.memory_space<vmem_shared>>
      tpu.wait_indirect_dma semaphore(%arg19 : memref<!tpu.dma_semaphore, #tpu.memory_space<semaphore_mem>>) src(%arg11 : memref<64x128xf32, #tpu.memory_space<vmem>>) dst(%dma_wait3A_124 : memref<10240x128xf32, #tpu.memory_space<vmem_shared>>)
      %dma_wait3A_125 = arith.constant 0 : i32
      %dma_wait3A_126 = arith.constant 0 : i32
      %dma_wait3A_127 = tpu.memref_slice %arg9[%dma_wait3A_125, %dma_wait3A_126] : memref<40x64xi32, #tpu.memory_space<vmem>> -> memref<1x64xi32, #tpu.memory_space<vmem>>
      %dma_wait3A_128 = tpu.memref_squeeze %dma_wait3A_127 : memref<1x64xi32, #tpu.memory_space<vmem>> -> memref<64xi32, #tpu.memory_space<vmem>>
      %dma_wait3A_129 = arith.constant 0 : i32
      %dma_wait3A_130 = arith.constant 0 : i32
      %dma_wait3A_131 = tpu.memref_slice %arg7[%dma_wait3A_129, %dma_wait3A_130] : memref<10240x128xf32, #tpu.memory_space<vmem_shared>> -> memref<10240x128xf32, #tpu.memory_space<vmem_shared>>
      tpu.wait_indirect_dma semaphore(%arg20 : memref<!tpu.dma_semaphore, #tpu.memory_space<semaphore_mem>>) src(%arg12 : memref<64x128xf32, #tpu.memory_space<vmem>>) dst(%dma_wait3A_131 : memref<10240x128xf32, #tpu.memory_space<vmem_shared>>)
      %dma_wait3A_132 = arith.constant 0 : i32
      %dma_wait3A_133 = arith.constant 0 : i32
      %dma_wait3A_134 = tpu.memref_slice %arg9[%dma_wait3A_132, %dma_wait3A_133] : memref<40x64xi32, #tpu.memory_space<vmem>> -> memref<1x64xi32, #tpu.memory_space<vmem>>
      %dma_wait3A_135 = tpu.memref_squeeze %dma_wait3A_134 : memref<1x64xi32, #tpu.memory_space<vmem>> -> memref<64xi32, #tpu.memory_space<vmem>>
      %dma_wait3A_136 = arith.constant 0 : i32
      %dma_wait3A_137 = arith.constant 0 : i32
      %dma_wait3A_138 = tpu.memref_slice %arg7[%dma_wait3A_136, %dma_wait3A_137] : memref<10240x128xf32, #tpu.memory_space<vmem_shared>> -> memref<10240x128xf32, #tpu.memory_space<vmem_shared>>
      tpu.wait_indirect_dma semaphore(%arg21 : memref<!tpu.dma_semaphore, #tpu.memory_space<semaphore_mem>>) src(%arg13 : memref<64x128xf32, #tpu.memory_space<vmem>>) dst(%dma_wait3A_138 : memref<10240x128xf32, #tpu.memory_space<vmem_shared>>)
    }
    %scan3A_7 = arith.constant 4 : i32
    %barrier3A_8 = arith.constant 0 : index
    tpu.barrier barrier_id(%barrier3A_8)
    %mul3A_9 = arith.constant 10240 : i32
    %mul3A_10 = arith.muli %arg0, %mul3A_9 : i32
    %add3A = arith.addi %mul3A_10, %mul3A_0 : i32
    "tpu.region"() ({
      %run_scoped3A = tpu.sem_alloc : memref<!tpu.dma_semaphore, #tpu.memory_space<semaphore_mem>>
      %dma_start3A = arith.constant 0 : i32
      %dma_start3A_11 = tpu.memref_slice %arg6[%add3A, %dma_start3A] : memref<20480x128xf32, #tpu.memory_space<hbm>> -> memref<640x128xf32, #tpu.memory_space<hbm>>
      %dma_start3A_12 = arith.constant 0 : i32
      %dma_start3A_13 = tpu.memref_slice %arg7[%mul3A_0, %dma_start3A_12] : memref<10240x128xf32, #tpu.memory_space<vmem_shared>> -> memref<640x128xf32, #tpu.memory_space<vmem_shared>>
      tpu.enqueue_dma source(%dma_start3A_13 : memref<640x128xf32, #tpu.memory_space<vmem_shared>>) target(%dma_start3A_11 : memref<640x128xf32, #tpu.memory_space<hbm>>) target_semaphore(%run_scoped3A : memref<!tpu.dma_semaphore, #tpu.memory_space<semaphore_mem>>)
      %dma_wait3A = arith.constant 0 : i32
      %dma_wait3A_14 = tpu.memref_slice %arg6[%add3A, %dma_wait3A] : memref<20480x128xf32, #tpu.memory_space<hbm>> -> memref<640x128xf32, #tpu.memory_space<hbm>>
      %dma_wait3A_15 = arith.constant 0 : i32
      %dma_wait3A_16 = tpu.memref_slice %arg7[%mul3A_0, %dma_wait3A_15] : memref<10240x128xf32, #tpu.memory_space<vmem_shared>> -> memref<640x128xf32, #tpu.memory_space<vmem_shared>>
      tpu.wait_dma2 semaphore(%run_scoped3A : memref<!tpu.dma_semaphore, #tpu.memory_space<semaphore_mem>>) src(%dma_wait3A_16 : memref<640x128xf32, #tpu.memory_space<vmem_shared>>) dst(%dma_wait3A_14 : memref<640x128xf32, #tpu.memory_space<hbm>>)
      tpu.yield
    }) : () -> ()
    return
  }
}

#map = affine_map<(d0, d1) -> (0, 0)>
module attributes {stable_mosaic.version = 14 : i64} {
  func.func @body(%arg0: i32, %arg1: i32, %arg2: memref<20000x128xf32, #tpu.memory_space<hbm>>, %arg3: memref<2560x64xi32, #tpu.memory_space<hbm>>, %arg4: memref<2560x64xi32, #tpu.memory_space<hbm>>, %arg5: memref<10240x128xf32, #tpu.memory_space<hbm>>, %arg6: memref<20480x128xf32, #tpu.memory_space<hbm>>, %arg7: memref<10240x128xf32, #tpu.memory_space<vmem_shared>>, %arg8: memref<40x64xi32, #tpu.memory_space<vmem>>, %arg9: memref<40x64xi32, #tpu.memory_space<vmem>>, %arg10: memref<64x128xf32, #tpu.memory_space<vmem>>, %arg11: memref<64x128xf32, #tpu.memory_space<vmem>>, %arg12: memref<64x128xf32, #tpu.memory_space<vmem>>, %arg13: memref<64x128xf32, #tpu.memory_space<vmem>>, %arg14: memref<!tpu.dma_semaphore, #tpu.memory_space<semaphore_mem>>, %arg15: memref<!tpu.dma_semaphore, #tpu.memory_space<semaphore_mem>>, %arg16: memref<!tpu.dma_semaphore, #tpu.memory_space<semaphore_mem>>, %arg17: memref<!tpu.dma_semaphore, #tpu.memory_space<semaphore_mem>>, %arg18: memref<!tpu.dma_semaphore, #tpu.memory_space<semaphore_mem>>, %arg19: memref<!tpu.dma_semaphore, #tpu.memory_space<semaphore_mem>>, %arg20: memref<!tpu.dma_semaphore, #tpu.memory_space<semaphore_mem>>, %arg21: memref<!tpu.dma_semaphore, #tpu.memory_space<semaphore_mem>>) attributes {dimension_semantics = [#tpu.dimension_semantics<core_parallel>, #tpu.dimension_semantics<subcore_parallel>], iteration_bounds = array<i64: 2, 16>, scalar_prefetch = 0 : i64, scratch_operands = 15 : i64, tpu.core_type = #tpu.core_type<sc_vector_subcore>, window_params = [{transform_indices = #map}, {transform_indices = #map}, {transform_indices = #map}, {transform_indices = #map}, {transform_indices = #map}]} {
    %mul3A = arith.constant 640 : i32
    %mul3A_0 = arith.muli %arg1, %mul3A : i32
    %mul3A_1 = arith.constant 10000 : i32
    %mul3A_2 = arith.muli %arg0, %mul3A_1 : i32
    "tpu.region"() ({
      %run_scoped3A = tpu.sem_alloc : memref<!tpu.dma_semaphore, #tpu.memory_space<semaphore_mem>>
      %dma_start3A = arith.constant 0 : i32
      %dma_start3A_11 = tpu.memref_slice %arg7[%mul3A_0, %dma_start3A] : memref<10240x128xf32, #tpu.memory_space<vmem_shared>> -> memref<640x128xf32, #tpu.memory_space<vmem_shared>>
      %dma_start3A_12 = arith.constant 0 : i32
      %dma_start3A_13 = tpu.memref_slice %arg5[%mul3A_0, %dma_start3A_12] : memref<10240x128xf32, #tpu.memory_space<hbm>> -> memref<640x128xf32, #tpu.memory_space<hbm>>
      tpu.enqueue_dma source(%dma_start3A_13 : memref<640x128xf32, #tpu.memory_space<hbm>>) target(%dma_start3A_11 : memref<640x128xf32, #tpu.memory_space<vmem_shared>>) target_semaphore(%run_scoped3A : memref<!tpu.dma_semaphore, #tpu.memory_space<semaphore_mem>>)
      %dma_wait3A = arith.constant 0 : i32
      %dma_wait3A_14 = tpu.memref_slice %arg7[%mul3A_0, %dma_wait3A] : memref<10240x128xf32, #tpu.memory_space<vmem_shared>> -> memref<640x128xf32, #tpu.memory_space<vmem_shared>>
      %dma_wait3A_15 = arith.constant 0 : i32
      %dma_wait3A_16 = tpu.memref_slice %arg5[%mul3A_0, %dma_wait3A_15] : memref<10240x128xf32, #tpu.memory_space<hbm>> -> memref<640x128xf32, #tpu.memory_space<hbm>>
      tpu.wait_dma2 semaphore(%run_scoped3A : memref<!tpu.dma_semaphore, #tpu.memory_space<semaphore_mem>>) src(%dma_wait3A_16 : memref<640x128xf32, #tpu.memory_space<hbm>>) dst(%dma_wait3A_14 : memref<640x128xf32, #tpu.memory_space<vmem_shared>>)
      tpu.yield
    }) : () -> ()
    %barrier3A = arith.constant 0 : index
    tpu.barrier barrier_id(%barrier3A)
    %scan3A = arith.constant 0 : i32
    %scan3A_3 = arith.constant 0 : i32
    %scan3A_4 = arith.constant 4 : i32
    %scan3A_5 = arith.addi %scan3A_3, %scan3A_4 : i32
    %scan3A_6 = arith.constant 1 : i32
    scf.for %scan3A_11 = %scan3A_3 to %scan3A_5 step %scan3A_6  : i32 {
      %mul3A_12 = arith.constant 160 : i32
      %mul3A_13 = arith.muli %arg1, %mul3A_12 : i32
      %mul3A_14 = arith.constant 40 : i32
      %mul3A_15 = arith.muli %scan3A_11, %mul3A_14 : i32
      %add3A_16 = arith.addi %mul3A_13, %mul3A_15 : i32
      "tpu.region"() ({
        %run_scoped3A = tpu.sem_alloc : memref<!tpu.dma_semaphore, #tpu.memory_space<semaphore_mem>>
        %dma_start3A_139 = arith.constant 0 : i32
        %dma_start3A_140 = tpu.memref_slice %arg3[%add3A_16, %dma_start3A_139] : memref<2560x64xi32, #tpu.memory_space<hbm>> -> memref<40x64xi32, #tpu.memory_space<hbm>>
        %dma_start3A_141 = arith.constant 0 : i32
        %dma_start3A_142 = tpu.memref_slice %arg3[%add3A_16, %dma_start3A_141] : memref<2560x64xi32, #tpu.memory_space<hbm>> -> memref<40x64xi32, #tpu.memory_space<hbm>>
        tpu.enqueue_dma source(%dma_start3A_142 : memref<40x64xi32, #tpu.memory_space<hbm>>) target(%arg8 : memref<40x64xi32, #tpu.memory_space<vmem>>) target_semaphore(%run_scoped3A : memref<!tpu.dma_semaphore, #tpu.memory_space<semaphore_mem>>)
        %dma_wait3A_143 = arith.constant 0 : i32
        %dma_wait3A_144 = tpu.memref_slice %arg3[%add3A_16, %dma_wait3A_143] : memref<2560x64xi32, #tpu.memory_space<hbm>> -> memref<40x64xi32, #tpu.memory_space<hbm>>
        %dma_wait3A_145 = arith.constant 0 : i32
        %dma_wait3A_146 = tpu.memref_slice %arg3[%add3A_16, %dma_wait3A_145] : memref<2560x64xi32, #tpu.memory_space<hbm>> -> memref<40x64xi32, #tpu.memory_space<hbm>>
        tpu.wait_dma2 semaphore(%run_scoped3A : memref<!tpu.dma_semaphore, #tpu.memory_space<semaphore_mem>>) src(%dma_wait3A_146 : memref<40x64xi32, #tpu.memory_space<hbm>>) dst(%arg8 : memref<40x64xi32, #tpu.memory_space<vmem>>)
        tpu.yield
      }) : () -> ()
      "tpu.region"() ({
        %run_scoped3A = tpu.sem_alloc : memref<!tpu.dma_semaphore, #tpu.memory_space<semaphore_mem>>
        %dma_start3A_139 = arith.constant 0 : i32
        %dma_start3A_140 = tpu.memref_slice %arg4[%add3A_16, %dma_start3A_139] : memref<2560x64xi32, #tpu.memory_space<hbm>> -> memref<40x64xi32, #tpu.memory_space<hbm>>
        %dma_start3A_141 = arith.constant 0 : i32
        %dma_start3A_142 = tpu.memref_slice %arg4[%add3A_16, %dma_start3A_141] : memref<2560x64xi32, #tpu.memory_space<hbm>> -> memref<40x64xi32, #tpu.memory_space<hbm>>
        tpu.enqueue_dma source(%dma_start3A_142 : memref<40x64xi32, #tpu.memory_space<hbm>>) target(%arg9 : memref<40x64xi32, #tpu.memory_space<vmem>>) target_semaphore(%run_scoped3A : memref<!tpu.dma_semaphore, #tpu.memory_space<semaphore_mem>>)
        %dma_wait3A_143 = arith.constant 0 : i32
        %dma_wait3A_144 = tpu.memref_slice %arg4[%add3A_16, %dma_wait3A_143] : memref<2560x64xi32, #tpu.memory_space<hbm>> -> memref<40x64xi32, #tpu.memory_space<hbm>>
        %dma_wait3A_145 = arith.constant 0 : i32
        %dma_wait3A_146 = tpu.memref_slice %arg4[%add3A_16, %dma_wait3A_145] : memref<2560x64xi32, #tpu.memory_space<hbm>> -> memref<40x64xi32, #tpu.memory_space<hbm>>
        tpu.wait_dma2 semaphore(%run_scoped3A : memref<!tpu.dma_semaphore, #tpu.memory_space<semaphore_mem>>) src(%dma_wait3A_146 : memref<40x64xi32, #tpu.memory_space<hbm>>) dst(%arg9 : memref<40x64xi32, #tpu.memory_space<vmem>>)
        tpu.yield
      }) : () -> ()
      %scan3A_17 = arith.constant 0 : i32
      %scan3A_18 = arith.constant 0 : i32
      %scan3A_19 = arith.constant 40 : i32
      %scan3A_20 = arith.addi %scan3A_18, %scan3A_19 : i32
      %scan3A_21 = arith.constant 1 : i32
      scf.for %scan3A_139 = %scan3A_18 to %scan3A_20 step %scan3A_21  : i32 {
        %get3A = arith.index_cast %scan3A_139 : i32 to index
        %get3A_140 = arith.constant 0 : index
        %get3A_141 = tpu.vector_load %arg8[%get3A, %get3A_140] {strides = array<i32>} : memref<40x64xi32, #tpu.memory_space<vmem>>, vector<1x16xi32>,
        %get3A_142 = vector.shape_cast %get3A_141 : vector<1x16xi32> to vector<16xi32>
        %add3A_143 = vector.broadcast %mul3A_2 : i32 to vector<16xi32>
        %add3A_144 = arith.addi %get3A_142, %add3A_143 : vector<16xi32>
        %swap3A = arith.index_cast %scan3A_139 : i32 to index
        %swap3A_145 = arith.constant 0 : index
        %swap3A_146 = tpu.vector_load %arg8[%swap3A, %swap3A_145] {strides = array<i32>} : memref<40x64xi32, #tpu.memory_space<vmem>>, vector<1x16xi32>,
        %swap3A_147 = vector.shape_cast %swap3A_146 : vector<1x16xi32> to vector<16xi32>
        %swap3A_148 = vector.shape_cast %add3A_144 : vector<16xi32> to vector<1x16xi32>
        tpu.vector_store %arg8[%swap3A, %swap3A_145], %swap3A_148 {strides = array<i32>} : memref<40x64xi32, #tpu.memory_space<vmem>>, vector<1x16xi32>,
        %get3A_149 = arith.index_cast %scan3A_139 : i32 to index
        %get3A_150 = arith.constant 16 : index
        %get3A_151 = tpu.vector_load %arg8[%get3A_149, %get3A_150] {strides = array<i32>} : memref<40x64xi32, #tpu.memory_space<vmem>>, vector<1x16xi32>,
        %get3A_152 = vector.shape_cast %get3A_151 : vector<1x16xi32> to vector<16xi32>
        %add3A_153 = vector.broadcast %mul3A_2 : i32 to vector<16xi32>
        %add3A_154 = arith.addi %get3A_152, %add3A_153 : vector<16xi32>
        %swap3A_155 = arith.index_cast %scan3A_139 : i32 to index
        %swap3A_156 = arith.constant 16 : index
        %swap3A_157 = tpu.vector_load %arg8[%swap3A_155, %swap3A_156] {strides = array<i32>} : memref<40x64xi32, #tpu.memory_space<vmem>>, vector<1x16xi32>,
        %swap3A_158 = vector.shape_cast %swap3A_157 : vector<1x16xi32> to vector<16xi32>
        %swap3A_159 = vector.shape_cast %add3A_154 : vector<16xi32> to vector<1x16xi32>
        tpu.vector_store %arg8[%swap3A_155, %swap3A_156], %swap3A_159 {strides = array<i32>} : memref<40x64xi32, #tpu.memory_space<vmem>>, vector<1x16xi32>,
        %get3A_160 = arith.index_cast %scan3A_139 : i32 to index
        %get3A_161 = arith.constant 32 : index
        %get3A_162 = tpu.vector_load %arg8[%get3A_160, %get3A_161] {strides = array<i32>} : memref<40x64xi32, #tpu.memory_space<vmem>>, vector<1x16xi32>,
        %get3A_163 = vector.shape_cast %get3A_162 : vector<1x16xi32> to vector<16xi32>
        %add3A_164 = vector.broadcast %mul3A_2 : i32 to vector<16xi32>
        %add3A_165 = arith.addi %get3A_163, %add3A_164 : vector<16xi32>
        %swap3A_166 = arith.index_cast %scan3A_139 : i32 to index
        %swap3A_167 = arith.constant 32 : index
        %swap3A_168 = tpu.vector_load %arg8[%swap3A_166, %swap3A_167] {strides = array<i32>} : memref<40x64xi32, #tpu.memory_space<vmem>>, vector<1x16xi32>,
        %swap3A_169 = vector.shape_cast %swap3A_168 : vector<1x16xi32> to vector<16xi32>
        %swap3A_170 = vector.shape_cast %add3A_165 : vector<16xi32> to vector<1x16xi32>
        tpu.vector_store %arg8[%swap3A_166, %swap3A_167], %swap3A_170 {strides = array<i32>} : memref<40x64xi32, #tpu.memory_space<vmem>>, vector<1x16xi32>,
        %get3A_171 = arith.index_cast %scan3A_139 : i32 to index
        %get3A_172 = arith.constant 48 : index
        %get3A_173 = tpu.vector_load %arg8[%get3A_171, %get3A_172] {strides = array<i32>} : memref<40x64xi32, #tpu.memory_space<vmem>>, vector<1x16xi32>,
        %get3A_174 = vector.shape_cast %get3A_173 : vector<1x16xi32> to vector<16xi32>
        %add3A_175 = vector.broadcast %mul3A_2 : i32 to vector<16xi32>
        %add3A_176 = arith.addi %get3A_174, %add3A_175 : vector<16xi32>
        %swap3A_177 = arith.index_cast %scan3A_139 : i32 to index
        %swap3A_178 = arith.constant 48 : index
        %swap3A_179 = tpu.vector_load %arg8[%swap3A_177, %swap3A_178] {strides = array<i32>} : memref<40x64xi32, #tpu.memory_space<vmem>>, vector<1x16xi32>,
        %swap3A_180 = vector.shape_cast %swap3A_179 : vector<1x16xi32> to vector<16xi32>
        %swap3A_181 = vector.shape_cast %add3A_176 : vector<16xi32> to vector<1x16xi32>
        tpu.vector_store %arg8[%swap3A_177, %swap3A_178], %swap3A_181 {strides = array<i32>} : memref<40x64xi32, #tpu.memory_space<vmem>>, vector<1x16xi32>,
      }
      %scan3A_22 = arith.constant 40 : i32
      %dma_start3A = arith.constant 0 : i32
      %dma_start3A_23 = arith.constant 0 : i32
      %dma_start3A_24 = tpu.memref_slice %arg8[%dma_start3A, %dma_start3A_23] : memref<40x64xi32, #tpu.memory_space<vmem>> -> memref<1x64xi32, #tpu.memory_space<vmem>>
      %dma_start3A_25 = tpu.memref_squeeze %dma_start3A_24 : memref<1x64xi32, #tpu.memory_space<vmem>> -> memref<64xi32, #tpu.memory_space<vmem>>
      %dma_start3A_26 = arith.constant 0 : i32
      %dma_start3A_27 = arith.constant 0 : i32
      %dma_start3A_28 = tpu.memref_slice %arg2[%dma_start3A_26, %dma_start3A_27] : memref<20000x128xf32, #tpu.memory_space<hbm>> -> memref<20000x128xf32, #tpu.memory_space<hbm>>
      tpu.enqueue_indirect_dma source(%dma_start3A_28 : memref<20000x128xf32, #tpu.memory_space<hbm>>) target(%arg10 : memref<64x128xf32, #tpu.memory_space<vmem>>) offsets(%dma_start3A_25 : memref<64xi32, #tpu.memory_space<vmem>>) semaphore(%arg14 : memref<!tpu.dma_semaphore, #tpu.memory_space<semaphore_mem>>)
      %dma_start3A_29 = arith.constant 1 : i32
      %dma_start3A_30 = arith.constant 0 : i32
      %dma_start3A_31 = tpu.memref_slice %arg8[%dma_start3A_29, %dma_start3A_30] : memref<40x64xi32, #tpu.memory_space<vmem>> -> memref<1x64xi32, #tpu.memory_space<vmem>>
      %dma_start3A_32 = tpu.memref_squeeze %dma_start3A_31 : memref<1x64xi32, #tpu.memory_space<vmem>> -> memref<64xi32, #tpu.memory_space<vmem>>
      %dma_start3A_33 = arith.constant 0 : i32
      %dma_start3A_34 = arith.constant 0 : i32
      %dma_start3A_35 = tpu.memref_slice %arg2[%dma_start3A_33, %dma_start3A_34] : memref<20000x128xf32, #tpu.memory_space<hbm>> -> memref<20000x128xf32, #tpu.memory_space<hbm>>
      tpu.enqueue_indirect_dma source(%dma_start3A_35 : memref<20000x128xf32, #tpu.memory_space<hbm>>) target(%arg11 : memref<64x128xf32, #tpu.memory_space<vmem>>) offsets(%dma_start3A_32 : memref<64xi32, #tpu.memory_space<vmem>>) semaphore(%arg15 : memref<!tpu.dma_semaphore, #tpu.memory_space<semaphore_mem>>)
      %dma_start3A_36 = arith.constant 2 : i32
      %dma_start3A_37 = arith.constant 0 : i32
      %dma_start3A_38 = tpu.memref_slice %arg8[%dma_start3A_36, %dma_start3A_37] : memref<40x64xi32, #tpu.memory_space<vmem>> -> memref<1x64xi32, #tpu.memory_space<vmem>>
      %dma_start3A_39 = tpu.memref_squeeze %dma_start3A_38 : memref<1x64xi32, #tpu.memory_space<vmem>> -> memref<64xi32, #tpu.memory_space<vmem>>
      %dma_start3A_40 = arith.constant 0 : i32
      %dma_start3A_41 = arith.constant 0 : i32
      %dma_start3A_42 = tpu.memref_slice %arg2[%dma_start3A_40, %dma_start3A_41] : memref<20000x128xf32, #tpu.memory_space<hbm>> -> memref<20000x128xf32, #tpu.memory_space<hbm>>
      tpu.enqueue_indirect_dma source(%dma_start3A_42 : memref<20000x128xf32, #tpu.memory_space<hbm>>) target(%arg12 : memref<64x128xf32, #tpu.memory_space<vmem>>) offsets(%dma_start3A_39 : memref<64xi32, #tpu.memory_space<vmem>>) semaphore(%arg16 : memref<!tpu.dma_semaphore, #tpu.memory_space<semaphore_mem>>)
      %dma_wait3A = arith.constant 0 : i32
      %dma_wait3A_43 = arith.constant 0 : i32
      %dma_wait3A_44 = tpu.memref_slice %arg8[%dma_wait3A, %dma_wait3A_43] : memref<40x64xi32, #tpu.memory_space<vmem>> -> memref<1x64xi32, #tpu.memory_space<vmem>>
      %dma_wait3A_45 = tpu.memref_squeeze %dma_wait3A_44 : memref<1x64xi32, #tpu.memory_space<vmem>> -> memref<64xi32, #tpu.memory_space<vmem>>
      %dma_wait3A_46 = arith.constant 0 : i32
      %dma_wait3A_47 = arith.constant 0 : i32
      %dma_wait3A_48 = tpu.memref_slice %arg2[%dma_wait3A_46, %dma_wait3A_47] : memref<20000x128xf32, #tpu.memory_space<hbm>> -> memref<20000x128xf32, #tpu.memory_space<hbm>>
      tpu.wait_indirect_dma semaphore(%arg14 : memref<!tpu.dma_semaphore, #tpu.memory_space<semaphore_mem>>) src(%dma_wait3A_48 : memref<20000x128xf32, #tpu.memory_space<hbm>>) dst(%arg10 : memref<64x128xf32, #tpu.memory_space<vmem>>)
      %dma_start3A_49 = arith.constant 0 : i32
      %dma_start3A_50 = arith.constant 0 : i32
      %dma_start3A_51 = tpu.memref_slice %arg9[%dma_start3A_49, %dma_start3A_50] : memref<40x64xi32, #tpu.memory_space<vmem>> -> memref<1x64xi32, #tpu.memory_space<vmem>>
      %dma_start3A_52 = tpu.memref_squeeze %dma_start3A_51 : memref<1x64xi32, #tpu.memory_space<vmem>> -> memref<64xi32, #tpu.memory_space<vmem>>
      %dma_start3A_53 = arith.constant 0 : i32
      %dma_start3A_54 = arith.constant 0 : i32
      %dma_start3A_55 = tpu.memref_slice %arg7[%dma_start3A_53, %dma_start3A_54] : memref<10240x128xf32, #tpu.memory_space<vmem_shared>> -> memref<10240x128xf32, #tpu.memory_space<vmem_shared>>
      tpu.enqueue_indirect_dma source(%arg10 : memref<64x128xf32, #tpu.memory_space<vmem>>) target(%dma_start3A_55 : memref<10240x128xf32, #tpu.memory_space<vmem_shared>>) offsets(%dma_start3A_52 : memref<64xi32, #tpu.memory_space<vmem>>) semaphore(%arg18 : memref<!tpu.dma_semaphore, #tpu.memory_space<semaphore_mem>>) {add = true}
      %dma_start3A_56 = arith.constant 3 : i32
      %dma_start3A_57 = arith.constant 0 : i32
      %dma_start3A_58 = tpu.memref_slice %arg8[%dma_start3A_56, %dma_start3A_57] : memref<40x64xi32, #tpu.memory_space<vmem>> -> memref<1x64xi32, #tpu.memory_space<vmem>>
      %dma_start3A_59 = tpu.memref_squeeze %dma_start3A_58 : memref<1x64xi32, #tpu.memory_space<vmem>> -> memref<64xi32, #tpu.memory_space<vmem>>
      %dma_start3A_60 = arith.constant 0 : i32
      %dma_start3A_61 = arith.constant 0 : i32
      %dma_start3A_62 = tpu.memref_slice %arg2[%dma_start3A_60, %dma_start3A_61] : memref<20000x128xf32, #tpu.memory_space<hbm>> -> memref<20000x128xf32, #tpu.memory_space<hbm>>
      tpu.enqueue_indirect_dma source(%dma_start3A_62 : memref<20000x128xf32, #tpu.memory_space<hbm>>) target(%arg13 : memref<64x128xf32, #tpu.memory_space<vmem>>) offsets(%dma_start3A_59 : memref<64xi32, #tpu.memory_space<vmem>>) semaphore(%arg17 : memref<!tpu.dma_semaphore, #tpu.memory_space<semaphore_mem>>)
      %scan3A_63 = arith.constant 0 : i32
      %scan3A_64 = arith.constant 0 : i32
      %scan3A_65 = arith.constant 9 : i32
      %scan3A_66 = arith.addi %scan3A_64, %scan3A_65 : i32
      %scan3A_67 = arith.constant 1 : i32
      scf.for %scan3A_139 = %scan3A_64 to %scan3A_66 step %scan3A_67  : i32 {
        %mul3A_140 = arith.constant 4 : i32
        %mul3A_141 = arith.muli %mul3A_140, %scan3A_139 : i32
        %add3A_142 = arith.constant 1 : i32
        %add3A_143 = arith.addi %add3A_142, %mul3A_141 : i32
        %add3A_144 = arith.constant 0 : i32
        %add3A_145 = arith.addi %add3A_143, %add3A_144 : i32
        %dma_wait3A_146 = arith.constant 0 : i32
        %dma_wait3A_147 = arith.constant 0 : i32
        %dma_wait3A_148 = tpu.memref_slice %arg8[%dma_wait3A_146, %dma_wait3A_147] : memref<40x64xi32, #tpu.memory_space<vmem>> -> memref<1x64xi32, #tpu.memory_space<vmem>>
        %dma_wait3A_149 = tpu.memref_squeeze %dma_wait3A_148 : memref<1x64xi32, #tpu.memory_space<vmem>> -> memref<64xi32, #tpu.memory_space<vmem>>
        %dma_wait3A_150 = arith.constant 0 : i32
        %dma_wait3A_151 = arith.constant 0 : i32
        %dma_wait3A_152 = tpu.memref_slice %arg2[%dma_wait3A_150, %dma_wait3A_151] : memref<20000x128xf32, #tpu.memory_space<hbm>> -> memref<20000x128xf32, #tpu.memory_space<hbm>>
        tpu.wait_indirect_dma semaphore(%arg15 : memref<!tpu.dma_semaphore, #tpu.memory_space<semaphore_mem>>) src(%dma_wait3A_152 : memref<20000x128xf32, #tpu.memory_space<hbm>>) dst(%arg11 : memref<64x128xf32, #tpu.memory_space<vmem>>)
        %dma_wait3A_153 = arith.constant 0 : i32
        %dma_wait3A_154 = arith.constant 0 : i32
        %dma_wait3A_155 = tpu.memref_slice %arg9[%dma_wait3A_153, %dma_wait3A_154] : memref<40x64xi32, #tpu.memory_space<vmem>> -> memref<1x64xi32, #tpu.memory_space<vmem>>
        %dma_wait3A_156 = tpu.memref_squeeze %dma_wait3A_155 : memref<1x64xi32, #tpu.memory_space<vmem>> -> memref<64xi32, #tpu.memory_space<vmem>>
        %dma_wait3A_157 = arith.constant 0 : i32
        %dma_wait3A_158 = arith.constant 0 : i32
        %dma_wait3A_159 = tpu.memref_slice %arg7[%dma_wait3A_157, %dma_wait3A_158] : memref<10240x128xf32, #tpu.memory_space<vmem_shared>> -> memref<10240x128xf32, #tpu.memory_space<vmem_shared>>
        tpu.wait_indirect_dma semaphore(%arg18 : memref<!tpu.dma_semaphore, #tpu.memory_space<semaphore_mem>>) src(%arg10 : memref<64x128xf32, #tpu.memory_space<vmem>>) dst(%dma_wait3A_159 : memref<10240x128xf32, #tpu.memory_space<vmem_shared>>)
        %add3A_160 = arith.constant 3 : i32
        %add3A_161 = arith.addi %add3A_145, %add3A_160 : i32
        %dma_start3A_162 = arith.constant 0 : i32
        %dma_start3A_163 = tpu.memref_slice %arg8[%add3A_161, %dma_start3A_162] : memref<40x64xi32, #tpu.memory_space<vmem>> -> memref<1x64xi32, #tpu.memory_space<vmem>>
        %dma_start3A_164 = tpu.memref_squeeze %dma_start3A_163 : memref<1x64xi32, #tpu.memory_space<vmem>> -> memref<64xi32, #tpu.memory_space<vmem>>
        %dma_start3A_165 = arith.constant 0 : i32
        %dma_start3A_166 = arith.constant 0 : i32
        %dma_start3A_167 = tpu.memref_slice %arg2[%dma_start3A_165, %dma_start3A_166] : memref<20000x128xf32, #tpu.memory_space<hbm>> -> memref<20000x128xf32, #tpu.memory_space<hbm>>
        tpu.enqueue_indirect_dma source(%dma_start3A_167 : memref<20000x128xf32, #tpu.memory_space<hbm>>) target(%arg10 : memref<64x128xf32, #tpu.memory_space<vmem>>) offsets(%dma_start3A_164 : memref<64xi32, #tpu.memory_space<vmem>>) semaphore(%arg14 : memref<!tpu.dma_semaphore, #tpu.memory_space<semaphore_mem>>)
        %dma_start3A_168 = arith.constant 0 : i32
        %dma_start3A_169 = tpu.memref_slice %arg9[%add3A_145, %dma_start3A_168] : memref<40x64xi32, #tpu.memory_space<vmem>> -> memref<1x64xi32, #tpu.memory_space<vmem>>
        %dma_start3A_170 = tpu.memref_squeeze %dma_start3A_169 : memref<1x64xi32, #tpu.memory_space<vmem>> -> memref<64xi32, #tpu.memory_space<vmem>>
        %dma_start3A_171 = arith.constant 0 : i32
        %dma_start3A_172 = arith.constant 0 : i32
        %dma_start3A_173 = tpu.memref_slice %arg7[%dma_start3A_171, %dma_start3A_172] : memref<10240x128xf32, #tpu.memory_space<vmem_shared>> -> memref<10240x128xf32, #tpu.memory_space<vmem_shared>>
        tpu.enqueue_indirect_dma source(%arg11 : memref<64x128xf32, #tpu.memory_space<vmem>>) target(%dma_start3A_173 : memref<10240x128xf32, #tpu.memory_space<vmem_shared>>) offsets(%dma_start3A_170 : memref<64xi32, #tpu.memory_space<vmem>>) semaphore(%arg19 : memref<!tpu.dma_semaphore, #tpu.memory_space<semaphore_mem>>) {add = true}
        %mul3A_174 = arith.constant 4 : i32
        %mul3A_175 = arith.muli %mul3A_174, %scan3A_139 : i32
        %add3A_176 = arith.constant 1 : i32
        %add3A_177 = arith.addi %add3A_176, %mul3A_175 : i32
        %add3A_178 = arith.constant 1 : i32
        %add3A_179 = arith.addi %add3A_177, %add3A_178 : i32
        %dma_wait3A_180 = arith.constant 0 : i32
        %dma_wait3A_181 = arith.constant 0 : i32
        %dma_wait3A_182 = tpu.memref_slice %arg8[%dma_wait3A_180, %dma_wait3A_181] : memref<40x64xi32, #tpu.memory_space<vmem>> -> memref<1x64xi32, #tpu.memory_space<vmem>>
        %dma_wait3A_183 = tpu.memref_squeeze %dma_wait3A_182 : memref<1x64xi32, #tpu.memory_space<vmem>> -> memref<64xi32, #tpu.memory_space<vmem>>
        %dma_wait3A_184 = arith.constant 0 : i32
        %dma_wait3A_185 = arith.constant 0 : i32
        %dma_wait3A_186 = tpu.memref_slice %arg2[%dma_wait3A_184, %dma_wait3A_185] : memref<20000x128xf32, #tpu.memory_space<hbm>> -> memref<20000x128xf32, #tpu.memory_space<hbm>>
        tpu.wait_indirect_dma semaphore(%arg16 : memref<!tpu.dma_semaphore, #tpu.memory_space<semaphore_mem>>) src(%dma_wait3A_186 : memref<20000x128xf32, #tpu.memory_space<hbm>>) dst(%arg12 : memref<64x128xf32, #tpu.memory_space<vmem>>)
        %dma_wait3A_187 = arith.constant 0 : i32
        %dma_wait3A_188 = arith.constant 0 : i32
        %dma_wait3A_189 = tpu.memref_slice %arg9[%dma_wait3A_187, %dma_wait3A_188] : memref<40x64xi32, #tpu.memory_space<vmem>> -> memref<1x64xi32, #tpu.memory_space<vmem>>
        %dma_wait3A_190 = tpu.memref_squeeze %dma_wait3A_189 : memref<1x64xi32, #tpu.memory_space<vmem>> -> memref<64xi32, #tpu.memory_space<vmem>>
        %dma_wait3A_191 = arith.constant 0 : i32
        %dma_wait3A_192 = arith.constant 0 : i32
        %dma_wait3A_193 = tpu.memref_slice %arg7[%dma_wait3A_191, %dma_wait3A_192] : memref<10240x128xf32, #tpu.memory_space<vmem_shared>> -> memref<10240x128xf32, #tpu.memory_space<vmem_shared>>
        tpu.wait_indirect_dma semaphore(%arg19 : memref<!tpu.dma_semaphore, #tpu.memory_space<semaphore_mem>>) src(%arg11 : memref<64x128xf32, #tpu.memory_space<vmem>>) dst(%dma_wait3A_193 : memref<10240x128xf32, #tpu.memory_space<vmem_shared>>)
        %add3A_194 = arith.constant 3 : i32
        %add3A_195 = arith.addi %add3A_179, %add3A_194 : i32
        %dma_start3A_196 = arith.constant 0 : i32
        %dma_start3A_197 = tpu.memref_slice %arg8[%add3A_195, %dma_start3A_196] : memref<40x64xi32, #tpu.memory_space<vmem>> -> memref<1x64xi32, #tpu.memory_space<vmem>>
        %dma_start3A_198 = tpu.memref_squeeze %dma_start3A_197 : memref<1x64xi32, #tpu.memory_space<vmem>> -> memref<64xi32, #tpu.memory_space<vmem>>
        %dma_start3A_199 = arith.constant 0 : i32
        %dma_start3A_200 = arith.constant 0 : i32
        %dma_start3A_201 = tpu.memref_slice %arg2[%dma_start3A_199, %dma_start3A_200] : memref<20000x128xf32, #tpu.memory_space<hbm>> -> memref<20000x128xf32, #tpu.memory_space<hbm>>
        tpu.enqueue_indirect_dma source(%dma_start3A_201 : memref<20000x128xf32, #tpu.memory_space<hbm>>) target(%arg11 : memref<64x128xf32, #tpu.memory_space<vmem>>) offsets(%dma_start3A_198 : memref<64xi32, #tpu.memory_space<vmem>>) semaphore(%arg15 : memref<!tpu.dma_semaphore, #tpu.memory_space<semaphore_mem>>)
        %dma_start3A_202 = arith.constant 0 : i32
        %dma_start3A_203 = tpu.memref_slice %arg9[%add3A_179, %dma_start3A_202] : memref<40x64xi32, #tpu.memory_space<vmem>> -> memref<1x64xi32, #tpu.memory_space<vmem>>
        %dma_start3A_204 = tpu.memref_squeeze %dma_start3A_203 : memref<1x64xi32, #tpu.memory_space<vmem>> -> memref<64xi32, #tpu.memory_space<vmem>>
        %dma_start3A_205 = arith.constant 0 : i32
        %dma_start3A_206 = arith.constant 0 : i32
        %dma_start3A_207 = tpu.memref_slice %arg7[%dma_start3A_205, %dma_start3A_206] : memref<10240x128xf32, #tpu.memory_space<vmem_shared>> -> memref<10240x128xf32, #tpu.memory_space<vmem_shared>>
        tpu.enqueue_indirect_dma source(%arg12 : memref<64x128xf32, #tpu.memory_space<vmem>>) target(%dma_start3A_207 : memref<10240x128xf32, #tpu.memory_space<vmem_shared>>) offsets(%dma_start3A_204 : memref<64xi32, #tpu.memory_space<vmem>>) semaphore(%arg20 : memref<!tpu.dma_semaphore, #tpu.memory_space<semaphore_mem>>) {add = true}
        %mul3A_208 = arith.constant 4 : i32
        %mul3A_209 = arith.muli %mul3A_208, %scan3A_139 : i32
        %add3A_210 = arith.constant 1 : i32
        %add3A_211 = arith.addi %add3A_210, %mul3A_209 : i32
        %add3A_212 = arith.constant 2 : i32
        %add3A_213 = arith.addi %add3A_211, %add3A_212 : i32
        %dma_wait3A_214 = arith.constant 0 : i32
        %dma_wait3A_215 = arith.constant 0 : i32
        %dma_wait3A_216 = tpu.memref_slice %arg8[%dma_wait3A_214, %dma_wait3A_215] : memref<40x64xi32, #tpu.memory_space<vmem>> -> memref<1x64xi32, #tpu.memory_space<vmem>>
        %dma_wait3A_217 = tpu.memref_squeeze %dma_wait3A_216 : memref<1x64xi32, #tpu.memory_space<vmem>> -> memref<64xi32, #tpu.memory_space<vmem>>
        %dma_wait3A_218 = arith.constant 0 : i32
        %dma_wait3A_219 = arith.constant 0 : i32
        %dma_wait3A_220 = tpu.memref_slice %arg2[%dma_wait3A_218, %dma_wait3A_219] : memref<20000x128xf32, #tpu.memory_space<hbm>> -> memref<20000x128xf32, #tpu.memory_space<hbm>>
        tpu.wait_indirect_dma semaphore(%arg17 : memref<!tpu.dma_semaphore, #tpu.memory_space<semaphore_mem>>) src(%dma_wait3A_220 : memref<20000x128xf32, #tpu.memory_space<hbm>>) dst(%arg13 : memref<64x128xf32, #tpu.memory_space<vmem>>)
        %dma_wait3A_221 = arith.constant 0 : i32
        %dma_wait3A_222 = arith.constant 0 : i32
        %dma_wait3A_223 = tpu.memref_slice %arg9[%dma_wait3A_221, %dma_wait3A_222] : memref<40x64xi32, #tpu.memory_space<vmem>> -> memref<1x64xi32, #tpu.memory_space<vmem>>
        %dma_wait3A_224 = tpu.memref_squeeze %dma_wait3A_223 : memref<1x64xi32, #tpu.memory_space<vmem>> -> memref<64xi32, #tpu.memory_space<vmem>>
        %dma_wait3A_225 = arith.constant 0 : i32
        %dma_wait3A_226 = arith.constant 0 : i32
        %dma_wait3A_227 = tpu.memref_slice %arg7[%dma_wait3A_225, %dma_wait3A_226] : memref<10240x128xf32, #tpu.memory_space<vmem_shared>> -> memref<10240x128xf32, #tpu.memory_space<vmem_shared>>
        tpu.wait_indirect_dma semaphore(%arg20 : memref<!tpu.dma_semaphore, #tpu.memory_space<semaphore_mem>>) src(%arg12 : memref<64x128xf32, #tpu.memory_space<vmem>>) dst(%dma_wait3A_227 : memref<10240x128xf32, #tpu.memory_space<vmem_shared>>)
        %add3A_228 = arith.constant 3 : i32
        %add3A_229 = arith.addi %add3A_213, %add3A_228 : i32
        %dma_start3A_230 = arith.constant 0 : i32
        %dma_start3A_231 = tpu.memref_slice %arg8[%add3A_229, %dma_start3A_230] : memref<40x64xi32, #tpu.memory_space<vmem>> -> memref<1x64xi32, #tpu.memory_space<vmem>>
        %dma_start3A_232 = tpu.memref_squeeze %dma_start3A_231 : memref<1x64xi32, #tpu.memory_space<vmem>> -> memref<64xi32, #tpu.memory_space<vmem>>
        %dma_start3A_233 = arith.constant 0 : i32
        %dma_start3A_234 = arith.constant 0 : i32
        %dma_start3A_235 = tpu.memref_slice %arg2[%dma_start3A_233, %dma_start3A_234] : memref<20000x128xf32, #tpu.memory_space<hbm>> -> memref<20000x128xf32, #tpu.memory_space<hbm>>
        tpu.enqueue_indirect_dma source(%dma_start3A_235 : memref<20000x128xf32, #tpu.memory_space<hbm>>) target(%arg12 : memref<64x128xf32, #tpu.memory_space<vmem>>) offsets(%dma_start3A_232 : memref<64xi32, #tpu.memory_space<vmem>>) semaphore(%arg16 : memref<!tpu.dma_semaphore, #tpu.memory_space<semaphore_mem>>)
        %dma_start3A_236 = arith.constant 0 : i32
        %dma_start3A_237 = tpu.memref_slice %arg9[%add3A_213, %dma_start3A_236] : memref<40x64xi32, #tpu.memory_space<vmem>> -> memref<1x64xi32, #tpu.memory_space<vmem>>
        %dma_start3A_238 = tpu.memref_squeeze %dma_start3A_237 : memref<1x64xi32, #tpu.memory_space<vmem>> -> memref<64xi32, #tpu.memory_space<vmem>>
        %dma_start3A_239 = arith.constant 0 : i32
        %dma_start3A_240 = arith.constant 0 : i32
        %dma_start3A_241 = tpu.memref_slice %arg7[%dma_start3A_239, %dma_start3A_240] : memref<10240x128xf32, #tpu.memory_space<vmem_shared>> -> memref<10240x128xf32, #tpu.memory_space<vmem_shared>>
        tpu.enqueue_indirect_dma source(%arg13 : memref<64x128xf32, #tpu.memory_space<vmem>>) target(%dma_start3A_241 : memref<10240x128xf32, #tpu.memory_space<vmem_shared>>) offsets(%dma_start3A_238 : memref<64xi32, #tpu.memory_space<vmem>>) semaphore(%arg21 : memref<!tpu.dma_semaphore, #tpu.memory_space<semaphore_mem>>) {add = true}
        %mul3A_242 = arith.constant 4 : i32
        %mul3A_243 = arith.muli %mul3A_242, %scan3A_139 : i32
        %add3A_244 = arith.constant 1 : i32
        %add3A_245 = arith.addi %add3A_244, %mul3A_243 : i32
        %add3A_246 = arith.constant 3 : i32
        %add3A_247 = arith.addi %add3A_245, %add3A_246 : i32
        %dma_wait3A_248 = arith.constant 0 : i32
        %dma_wait3A_249 = arith.constant 0 : i32
        %dma_wait3A_250 = tpu.memref_slice %arg8[%dma_wait3A_248, %dma_wait3A_249] : memref<40x64xi32, #tpu.memory_space<vmem>> -> memref<1x64xi32, #tpu.memory_space<vmem>>
        %dma_wait3A_251 = tpu.memref_squeeze %dma_wait3A_250 : memref<1x64xi32, #tpu.memory_space<vmem>> -> memref<64xi32, #tpu.memory_space<vmem>>
        %dma_wait3A_252 = arith.constant 0 : i32
        %dma_wait3A_253 = arith.constant 0 : i32
        %dma_wait3A_254 = tpu.memref_slice %arg2[%dma_wait3A_252, %dma_wait3A_253] : memref<20000x128xf32, #tpu.memory_space<hbm>> -> memref<20000x128xf32, #tpu.memory_space<hbm>>
        tpu.wait_indirect_dma semaphore(%arg14 : memref<!tpu.dma_semaphore, #tpu.memory_space<semaphore_mem>>) src(%dma_wait3A_254 : memref<20000x128xf32, #tpu.memory_space<hbm>>) dst(%arg10 : memref<64x128xf32, #tpu.memory_space<vmem>>)
        %dma_wait3A_255 = arith.constant 0 : i32
        %dma_wait3A_256 = arith.constant 0 : i32
        %dma_wait3A_257 = tpu.memref_slice %arg9[%dma_wait3A_255, %dma_wait3A_256] : memref<40x64xi32, #tpu.memory_space<vmem>> -> memref<1x64xi32, #tpu.memory_space<vmem>>
        %dma_wait3A_258 = tpu.memref_squeeze %dma_wait3A_257 : memref<1x64xi32, #tpu.memory_space<vmem>> -> memref<64xi32, #tpu.memory_space<vmem>>
        %dma_wait3A_259 = arith.constant 0 : i32
        %dma_wait3A_260 = arith.constant 0 : i32
        %dma_wait3A_261 = tpu.memref_slice %arg7[%dma_wait3A_259, %dma_wait3A_260] : memref<10240x128xf32, #tpu.memory_space<vmem_shared>> -> memref<10240x128xf32, #tpu.memory_space<vmem_shared>>
        tpu.wait_indirect_dma semaphore(%arg21 : memref<!tpu.dma_semaphore, #tpu.memory_space<semaphore_mem>>) src(%arg13 : memref<64x128xf32, #tpu.memory_space<vmem>>) dst(%dma_wait3A_261 : memref<10240x128xf32, #tpu.memory_space<vmem_shared>>)
        %add3A_262 = arith.constant 3 : i32
        %add3A_263 = arith.addi %add3A_247, %add3A_262 : i32
        %dma_start3A_264 = arith.constant 0 : i32
        %dma_start3A_265 = tpu.memref_slice %arg8[%add3A_263, %dma_start3A_264] : memref<40x64xi32, #tpu.memory_space<vmem>> -> memref<1x64xi32, #tpu.memory_space<vmem>>
        %dma_start3A_266 = tpu.memref_squeeze %dma_start3A_265 : memref<1x64xi32, #tpu.memory_space<vmem>> -> memref<64xi32, #tpu.memory_space<vmem>>
        %dma_start3A_267 = arith.constant 0 : i32
        %dma_start3A_268 = arith.constant 0 : i32
        %dma_start3A_269 = tpu.memref_slice %arg2[%dma_start3A_267, %dma_start3A_268] : memref<20000x128xf32, #tpu.memory_space<hbm>> -> memref<20000x128xf32, #tpu.memory_space<hbm>>
        tpu.enqueue_indirect_dma source(%dma_start3A_269 : memref<20000x128xf32, #tpu.memory_space<hbm>>) target(%arg13 : memref<64x128xf32, #tpu.memory_space<vmem>>) offsets(%dma_start3A_266 : memref<64xi32, #tpu.memory_space<vmem>>) semaphore(%arg17 : memref<!tpu.dma_semaphore, #tpu.memory_space<semaphore_mem>>)
        %dma_start3A_270 = arith.constant 0 : i32
        %dma_start3A_271 = tpu.memref_slice %arg9[%add3A_247, %dma_start3A_270] : memref<40x64xi32, #tpu.memory_space<vmem>> -> memref<1x64xi32, #tpu.memory_space<vmem>>
        %dma_start3A_272 = tpu.memref_squeeze %dma_start3A_271 : memref<1x64xi32, #tpu.memory_space<vmem>> -> memref<64xi32, #tpu.memory_space<vmem>>
        %dma_start3A_273 = arith.constant 0 : i32
        %dma_start3A_274 = arith.constant 0 : i32
        %dma_start3A_275 = tpu.memref_slice %arg7[%dma_start3A_273, %dma_start3A_274] : memref<10240x128xf32, #tpu.memory_space<vmem_shared>> -> memref<10240x128xf32, #tpu.memory_space<vmem_shared>>
        tpu.enqueue_indirect_dma source(%arg10 : memref<64x128xf32, #tpu.memory_space<vmem>>) target(%dma_start3A_275 : memref<10240x128xf32, #tpu.memory_space<vmem_shared>>) offsets(%dma_start3A_272 : memref<64xi32, #tpu.memory_space<vmem>>) semaphore(%arg18 : memref<!tpu.dma_semaphore, #tpu.memory_space<semaphore_mem>>) {add = true}
      }
      %scan3A_68 = arith.constant 9 : i32
      %dma_wait3A_69 = arith.constant 0 : i32
      %dma_wait3A_70 = arith.constant 0 : i32
      %dma_wait3A_71 = tpu.memref_slice %arg8[%dma_wait3A_69, %dma_wait3A_70] : memref<40x64xi32, #tpu.memory_space<vmem>> -> memref<1x64xi32, #tpu.memory_space<vmem>>
      %dma_wait3A_72 = tpu.memref_squeeze %dma_wait3A_71 : memref<1x64xi32, #tpu.memory_space<vmem>> -> memref<64xi32, #tpu.memory_space<vmem>>
      %dma_wait3A_73 = arith.constant 0 : i32
      %dma_wait3A_74 = arith.constant 0 : i32
      %dma_wait3A_75 = tpu.memref_slice %arg2[%dma_wait3A_73, %dma_wait3A_74] : memref<20000x128xf32, #tpu.memory_space<hbm>> -> memref<20000x128xf32, #tpu.memory_space<hbm>>
      tpu.wait_indirect_dma semaphore(%arg15 : memref<!tpu.dma_semaphore, #tpu.memory_space<semaphore_mem>>) src(%dma_wait3A_75 : memref<20000x128xf32, #tpu.memory_space<hbm>>) dst(%arg11 : memref<64x128xf32, #tpu.memory_space<vmem>>)
      %dma_start3A_76 = arith.constant 37 : i32
      %dma_start3A_77 = arith.constant 0 : i32
      %dma_start3A_78 = tpu.memref_slice %arg9[%dma_start3A_76, %dma_start3A_77] : memref<40x64xi32, #tpu.memory_space<vmem>> -> memref<1x64xi32, #tpu.memory_space<vmem>>
      %dma_start3A_79 = tpu.memref_squeeze %dma_start3A_78 : memref<1x64xi32, #tpu.memory_space<vmem>> -> memref<64xi32, #tpu.memory_space<vmem>>
      %dma_start3A_80 = arith.constant 0 : i32
      %dma_start3A_81 = arith.constant 0 : i32
      %dma_start3A_82 = tpu.memref_slice %arg7[%dma_start3A_80, %dma_start3A_81] : memref<10240x128xf32, #tpu.memory_space<vmem_shared>> -> memref<10240x128xf32, #tpu.memory_space<vmem_shared>>
      tpu.enqueue_indirect_dma source(%arg11 : memref<64x128xf32, #tpu.memory_space<vmem>>) target(%dma_start3A_82 : memref<10240x128xf32, #tpu.memory_space<vmem_shared>>) offsets(%dma_start3A_79 : memref<64xi32, #tpu.memory_space<vmem>>) semaphore(%arg19 : memref<!tpu.dma_semaphore, #tpu.memory_space<semaphore_mem>>) {add = true}
      %dma_wait3A_83 = arith.constant 0 : i32
      %dma_wait3A_84 = arith.constant 0 : i32
      %dma_wait3A_85 = tpu.memref_slice %arg8[%dma_wait3A_83, %dma_wait3A_84] : memref<40x64xi32, #tpu.memory_space<vmem>> -> memref<1x64xi32, #tpu.memory_space<vmem>>
      %dma_wait3A_86 = tpu.memref_squeeze %dma_wait3A_85 : memref<1x64xi32, #tpu.memory_space<vmem>> -> memref<64xi32, #tpu.memory_space<vmem>>
      %dma_wait3A_87 = arith.constant 0 : i32
      %dma_wait3A_88 = arith.constant 0 : i32
      %dma_wait3A_89 = tpu.memref_slice %arg2[%dma_wait3A_87, %dma_wait3A_88] : memref<20000x128xf32, #tpu.memory_space<hbm>> -> memref<20000x128xf32, #tpu.memory_space<hbm>>
      tpu.wait_indirect_dma semaphore(%arg16 : memref<!tpu.dma_semaphore, #tpu.memory_space<semaphore_mem>>) src(%dma_wait3A_89 : memref<20000x128xf32, #tpu.memory_space<hbm>>) dst(%arg12 : memref<64x128xf32, #tpu.memory_space<vmem>>)
      %dma_start3A_90 = arith.constant 38 : i32
      %dma_start3A_91 = arith.constant 0 : i32
      %dma_start3A_92 = tpu.memref_slice %arg9[%dma_start3A_90, %dma_start3A_91] : memref<40x64xi32, #tpu.memory_space<vmem>> -> memref<1x64xi32, #tpu.memory_space<vmem>>
      %dma_start3A_93 = tpu.memref_squeeze %dma_start3A_92 : memref<1x64xi32, #tpu.memory_space<vmem>> -> memref<64xi32, #tpu.memory_space<vmem>>
      %dma_start3A_94 = arith.constant 0 : i32
      %dma_start3A_95 = arith.constant 0 : i32
      %dma_start3A_96 = tpu.memref_slice %arg7[%dma_start3A_94, %dma_start3A_95] : memref<10240x128xf32, #tpu.memory_space<vmem_shared>> -> memref<10240x128xf32, #tpu.memory_space<vmem_shared>>
      tpu.enqueue_indirect_dma source(%arg12 : memref<64x128xf32, #tpu.memory_space<vmem>>) target(%dma_start3A_96 : memref<10240x128xf32, #tpu.memory_space<vmem_shared>>) offsets(%dma_start3A_93 : memref<64xi32, #tpu.memory_space<vmem>>) semaphore(%arg20 : memref<!tpu.dma_semaphore, #tpu.memory_space<semaphore_mem>>) {add = true}
      %dma_wait3A_97 = arith.constant 0 : i32
      %dma_wait3A_98 = arith.constant 0 : i32
      %dma_wait3A_99 = tpu.memref_slice %arg8[%dma_wait3A_97, %dma_wait3A_98] : memref<40x64xi32, #tpu.memory_space<vmem>> -> memref<1x64xi32, #tpu.memory_space<vmem>>
      %dma_wait3A_100 = tpu.memref_squeeze %dma_wait3A_99 : memref<1x64xi32, #tpu.memory_space<vmem>> -> memref<64xi32, #tpu.memory_space<vmem>>
      %dma_wait3A_101 = arith.constant 0 : i32
      %dma_wait3A_102 = arith.constant 0 : i32
      %dma_wait3A_103 = tpu.memref_slice %arg2[%dma_wait3A_101, %dma_wait3A_102] : memref<20000x128xf32, #tpu.memory_space<hbm>> -> memref<20000x128xf32, #tpu.memory_space<hbm>>
      tpu.wait_indirect_dma semaphore(%arg17 : memref<!tpu.dma_semaphore, #tpu.memory_space<semaphore_mem>>) src(%dma_wait3A_103 : memref<20000x128xf32, #tpu.memory_space<hbm>>) dst(%arg13 : memref<64x128xf32, #tpu.memory_space<vmem>>)
      %dma_start3A_104 = arith.constant 39 : i32
      %dma_start3A_105 = arith.constant 0 : i32
      %dma_start3A_106 = tpu.memref_slice %arg9[%dma_start3A_104, %dma_start3A_105] : memref<40x64xi32, #tpu.memory_space<vmem>> -> memref<1x64xi32, #tpu.memory_space<vmem>>
      %dma_start3A_107 = tpu.memref_squeeze %dma_start3A_106 : memref<1x64xi32, #tpu.memory_space<vmem>> -> memref<64xi32, #tpu.memory_space<vmem>>
      %dma_start3A_108 = arith.constant 0 : i32
      %dma_start3A_109 = arith.constant 0 : i32
      %dma_start3A_110 = tpu.memref_slice %arg7[%dma_start3A_108, %dma_start3A_109] : memref<10240x128xf32, #tpu.memory_space<vmem_shared>> -> memref<10240x128xf32, #tpu.memory_space<vmem_shared>>
      tpu.enqueue_indirect_dma source(%arg13 : memref<64x128xf32, #tpu.memory_space<vmem>>) target(%dma_start3A_110 : memref<10240x128xf32, #tpu.memory_space<vmem_shared>>) offsets(%dma_start3A_107 : memref<64xi32, #tpu.memory_space<vmem>>) semaphore(%arg21 : memref<!tpu.dma_semaphore, #tpu.memory_space<semaphore_mem>>) {add = true}
      %dma_wait3A_111 = arith.constant 0 : i32
      %dma_wait3A_112 = arith.constant 0 : i32
      %dma_wait3A_113 = tpu.memref_slice %arg9[%dma_wait3A_111, %dma_wait3A_112] : memref<40x64xi32, #tpu.memory_space<vmem>> -> memref<1x64xi32, #tpu.memory_space<vmem>>
      %dma_wait3A_114 = tpu.memref_squeeze %dma_wait3A_113 : memref<1x64xi32, #tpu.memory_space<vmem>> -> memref<64xi32, #tpu.memory_space<vmem>>
      %dma_wait3A_115 = arith.constant 0 : i32
      %dma_wait3A_116 = arith.constant 0 : i32
      %dma_wait3A_117 = tpu.memref_slice %arg7[%dma_wait3A_115, %dma_wait3A_116] : memref<10240x128xf32, #tpu.memory_space<vmem_shared>> -> memref<10240x128xf32, #tpu.memory_space<vmem_shared>>
      tpu.wait_indirect_dma semaphore(%arg18 : memref<!tpu.dma_semaphore, #tpu.memory_space<semaphore_mem>>) src(%arg10 : memref<64x128xf32, #tpu.memory_space<vmem>>) dst(%dma_wait3A_117 : memref<10240x128xf32, #tpu.memory_space<vmem_shared>>)
      %dma_wait3A_118 = arith.constant 0 : i32
      %dma_wait3A_119 = arith.constant 0 : i32
      %dma_wait3A_120 = tpu.memref_slice %arg9[%dma_wait3A_118, %dma_wait3A_119] : memref<40x64xi32, #tpu.memory_space<vmem>> -> memref<1x64xi32, #tpu.memory_space<vmem>>
      %dma_wait3A_121 = tpu.memref_squeeze %dma_wait3A_120 : memref<1x64xi32, #tpu.memory_space<vmem>> -> memref<64xi32, #tpu.memory_space<vmem>>
      %dma_wait3A_122 = arith.constant 0 : i32
      %dma_wait3A_123 = arith.constant 0 : i32
      %dma_wait3A_124 = tpu.memref_slice %arg7[%dma_wait3A_122, %dma_wait3A_123] : memref<10240x128xf32, #tpu.memory_space<vmem_shared>> -> memref<10240x128xf32, #tpu.memory_space<vmem_shared>>
      tpu.wait_indirect_dma semaphore(%arg19 : memref<!tpu.dma_semaphore, #tpu.memory_space<semaphore_mem>>) src(%arg11 : memref<64x128xf32, #tpu.memory_space<vmem>>) dst(%dma_wait3A_124 : memref<10240x128xf32, #tpu.memory_space<vmem_shared>>)
      %dma_wait3A_125 = arith.constant 0 : i32
      %dma_wait3A_126 = arith.constant 0 : i32
      %dma_wait3A_127 = tpu.memref_slice %arg9[%dma_wait3A_125, %dma_wait3A_126] : memref<40x64xi32, #tpu.memory_space<vmem>> -> memref<1x64xi32, #tpu.memory_space<vmem>>
      %dma_wait3A_128 = tpu.memref_squeeze %dma_wait3A_127 : memref<1x64xi32, #tpu.memory_space<vmem>> -> memref<64xi32, #tpu.memory_space<vmem>>
      %dma_wait3A_129 = arith.constant 0 : i32
      %dma_wait3A_130 = arith.constant 0 : i32
      %dma_wait3A_131 = tpu.memref_slice %arg7[%dma_wait3A_129, %dma_wait3A_130] : memref<10240x128xf32, #tpu.memory_space<vmem_shared>> -> memref<10240x128xf32, #tpu.memory_space<vmem_shared>>
      tpu.wait_indirect_dma semaphore(%arg20 : memref<!tpu.dma_semaphore, #tpu.memory_space<semaphore_mem>>) src(%arg12 : memref<64x128xf32, #tpu.memory_space<vmem>>) dst(%dma_wait3A_131 : memref<10240x128xf32, #tpu.memory_space<vmem_shared>>)
      %dma_wait3A_132 = arith.constant 0 : i32
      %dma_wait3A_133 = arith.constant 0 : i32
      %dma_wait3A_134 = tpu.memref_slice %arg9[%dma_wait3A_132, %dma_wait3A_133] : memref<40x64xi32, #tpu.memory_space<vmem>> -> memref<1x64xi32, #tpu.memory_space<vmem>>
      %dma_wait3A_135 = tpu.memref_squeeze %dma_wait3A_134 : memref<1x64xi32, #tpu.memory_space<vmem>> -> memref<64xi32, #tpu.memory_space<vmem>>
      %dma_wait3A_136 = arith.constant 0 : i32
      %dma_wait3A_137 = arith.constant 0 : i32
      %dma_wait3A_138 = tpu.memref_slice %arg7[%dma_wait3A_136, %dma_wait3A_137] : memref<10240x128xf32, #tpu.memory_space<vmem_shared>> -> memref<10240x128xf32, #tpu.memory_space<vmem_shared>>
      tpu.wait_indirect_dma semaphore(%arg21 : memref<!tpu.dma_semaphore, #tpu.memory_space<semaphore_mem>>) src(%arg13 : memref<64x128xf32, #tpu.memory_space<vmem>>) dst(%dma_wait3A_138 : memref<10240x128xf32, #tpu.memory_space<vmem_shared>>)
    }
    %scan3A_7 = arith.constant 4 : i32
    %barrier3A_8 = arith.constant 0 : index
    tpu.barrier barrier_id(%barrier3A_8)
    %mul3A_9 = arith.constant 10240 : i32
    %mul3A_10 = arith.muli %arg0, %mul3A_9 : i32
    %add3A = arith.addi %mul3A_10, %mul3A_0 : i32
    "tpu.region"() ({
      %run_scoped3A = tpu.sem_alloc : memref<!tpu.dma_semaphore, #tpu.memory_space<semaphore_mem>>
      %dma_start3A = arith.constant 0 : i32
      %dma_start3A_11 = tpu.memref_slice %arg6[%add3A, %dma_start3A] : memref<20480x128xf32, #tpu.memory_space<hbm>> -> memref<640x128xf32, #tpu.memory_space<hbm>>
      %dma_start3A_12 = arith.constant 0 : i32
      %dma_start3A_13 = tpu.memref_slice %arg7[%mul3A_0, %dma_start3A_12] : memref<10240x128xf32, #tpu.memory_space<vmem_shared>> -> memref<640x128xf32, #tpu.memory_space<vmem_shared>>
      tpu.enqueue_dma source(%dma_start3A_13 : memref<640x128xf32, #tpu.memory_space<vmem_shared>>) target(%dma_start3A_11 : memref<640x128xf32, #tpu.memory_space<hbm>>) target_semaphore(%run_scoped3A : memref<!tpu.dma_semaphore, #tpu.memory_space<semaphore_mem>>)
      %dma_wait3A = arith.constant 0 : i32
      %dma_wait3A_14 = tpu.memref_slice %arg6[%add3A, %dma_wait3A] : memref<20480x128xf32, #tpu.memory_space<hbm>> -> memref<640x128xf32, #tpu.memory_space<hbm>>
      %dma_wait3A_15 = arith.constant 0 : i32
      %dma_wait3A_16 = tpu.memref_slice %arg7[%mul3A_0, %dma_wait3A_15] : memref<10240x128xf32, #tpu.memory_space<vmem_shared>> -> memref<640x128xf32, #tpu.memory_space<vmem_shared>>
      tpu.wait_dma2 semaphore(%run_scoped3A : memref<!tpu.dma_semaphore, #tpu.memory_space<semaphore_mem>>) src(%dma_wait3A_16 : memref<640x128xf32, #tpu.memory_space<vmem_shared>>) dst(%dma_wait3A_14 : memref<640x128xf32, #tpu.memory_space<hbm>>)
      tpu.yield
    }) : () -> ()
    return
  }
}

#map = affine_map<(d0, d1) -> (0, 0)>
module attributes {stable_mosaic.version = 14 : i64} {
  func.func @body(%arg0: i32, %arg1: i32, %arg2: memref<1280x128xi32, #tpu.memory_space<hbm>>, %arg3: memref<128x128xf32, #tpu.memory_space<hbm>>, %arg4: memref<10240x128xf32, #tpu.memory_space<hbm>>, %arg5: memref<20480x128xf32, #tpu.memory_space<hbm>>, %arg6: memref<10240x128xf32, #tpu.memory_space<vmem_shared>>, %arg7: memref<40x128xi32, #tpu.memory_space<vmem>>, %arg8: memref<128x128xf32, #tpu.memory_space<vmem>>, %arg9: memref<!tpu.dma_semaphore, #tpu.memory_space<semaphore_mem>>) attributes {dimension_semantics = [#tpu.dimension_semantics<core_parallel>, #tpu.dimension_semantics<subcore_parallel>], iteration_bounds = array<i64: 2, 16>, scalar_prefetch = 0 : i64, scratch_operands = 4 : i64, tpu.core_type = #tpu.core_type<sc_vector_subcore>, window_params = [{transform_indices = #map}, {transform_indices = #map}, {transform_indices = #map}, {transform_indices = #map}]} {
    %mul3A = arith.constant 640 : i32
    %mul3A_0 = arith.muli %arg1, %mul3A : i32
    "tpu.region"() ({
      %run_scoped3A = tpu.sem_alloc : memref<!tpu.dma_semaphore, #tpu.memory_space<semaphore_mem>>
      %dma_start3A = arith.constant 0 : i32
      %dma_start3A_20 = tpu.memref_slice %arg6[%mul3A_0, %dma_start3A] : memref<10240x128xf32, #tpu.memory_space<vmem_shared>> -> memref<640x128xf32, #tpu.memory_space<vmem_shared>>
      %dma_start3A_21 = arith.constant 0 : i32
      %dma_start3A_22 = tpu.memref_slice %arg4[%mul3A_0, %dma_start3A_21] : memref<10240x128xf32, #tpu.memory_space<hbm>> -> memref<640x128xf32, #tpu.memory_space<hbm>>
      tpu.enqueue_dma source(%dma_start3A_22 : memref<640x128xf32, #tpu.memory_space<hbm>>) target(%dma_start3A_20 : memref<640x128xf32, #tpu.memory_space<vmem_shared>>) target_semaphore(%run_scoped3A : memref<!tpu.dma_semaphore, #tpu.memory_space<semaphore_mem>>)
      %dma_wait3A = arith.constant 0 : i32
      %dma_wait3A_23 = tpu.memref_slice %arg6[%mul3A_0, %dma_wait3A] : memref<10240x128xf32, #tpu.memory_space<vmem_shared>> -> memref<640x128xf32, #tpu.memory_space<vmem_shared>>
      %dma_wait3A_24 = arith.constant 0 : i32
      %dma_wait3A_25 = tpu.memref_slice %arg4[%mul3A_0, %dma_wait3A_24] : memref<10240x128xf32, #tpu.memory_space<hbm>> -> memref<640x128xf32, #tpu.memory_space<hbm>>
      tpu.wait_dma2 semaphore(%run_scoped3A : memref<!tpu.dma_semaphore, #tpu.memory_space<semaphore_mem>>) src(%dma_wait3A_25 : memref<640x128xf32, #tpu.memory_space<hbm>>) dst(%dma_wait3A_23 : memref<640x128xf32, #tpu.memory_space<vmem_shared>>)
      tpu.yield
    }) : () -> ()
    "tpu.region"() ({
      %run_scoped3A = tpu.sem_alloc : memref<!tpu.dma_semaphore, #tpu.memory_space<semaphore_mem>>
      tpu.enqueue_dma source(%arg3 : memref<128x128xf32, #tpu.memory_space<hbm>>) target(%arg8 : memref<128x128xf32, #tpu.memory_space<vmem>>) target_semaphore(%run_scoped3A : memref<!tpu.dma_semaphore, #tpu.memory_space<semaphore_mem>>)
      tpu.wait_dma2 semaphore(%run_scoped3A : memref<!tpu.dma_semaphore, #tpu.memory_space<semaphore_mem>>) src(%arg3 : memref<128x128xf32, #tpu.memory_space<hbm>>) dst(%arg8 : memref<128x128xf32, #tpu.memory_space<vmem>>)
      tpu.yield
    }) : () -> ()
    %mul3A_1 = arith.constant 640 : i32
    %mul3A_2 = arith.muli %arg0, %mul3A_1 : i32
    %mul3A_3 = arith.constant 40 : i32
    %mul3A_4 = arith.muli %arg1, %mul3A_3 : i32
    %add3A = arith.addi %mul3A_2, %mul3A_4 : i32
    "tpu.region"() ({
      %run_scoped3A = tpu.sem_alloc : memref<!tpu.dma_semaphore, #tpu.memory_space<semaphore_mem>>
      %dma_start3A = arith.constant 0 : i32
      %dma_start3A_20 = tpu.memref_slice %arg2[%add3A, %dma_start3A] : memref<1280x128xi32, #tpu.memory_space<hbm>> -> memref<40x128xi32, #tpu.memory_space<hbm>>
      %dma_start3A_21 = arith.constant 0 : i32
      %dma_start3A_22 = tpu.memref_slice %arg2[%add3A, %dma_start3A_21] : memref<1280x128xi32, #tpu.memory_space<hbm>> -> memref<40x128xi32, #tpu.memory_space<hbm>>
      tpu.enqueue_dma source(%dma_start3A_22 : memref<40x128xi32, #tpu.memory_space<hbm>>) target(%arg7 : memref<40x128xi32, #tpu.memory_space<vmem>>) target_semaphore(%run_scoped3A : memref<!tpu.dma_semaphore, #tpu.memory_space<semaphore_mem>>)
      %dma_wait3A = arith.constant 0 : i32
      %dma_wait3A_23 = tpu.memref_slice %arg2[%add3A, %dma_wait3A] : memref<1280x128xi32, #tpu.memory_space<hbm>> -> memref<40x128xi32, #tpu.memory_space<hbm>>
      %dma_wait3A_24 = arith.constant 0 : i32
      %dma_wait3A_25 = tpu.memref_slice %arg2[%add3A, %dma_wait3A_24] : memref<1280x128xi32, #tpu.memory_space<hbm>> -> memref<40x128xi32, #tpu.memory_space<hbm>>
      tpu.wait_dma2 semaphore(%run_scoped3A : memref<!tpu.dma_semaphore, #tpu.memory_space<semaphore_mem>>) src(%dma_wait3A_25 : memref<40x128xi32, #tpu.memory_space<hbm>>) dst(%arg7 : memref<40x128xi32, #tpu.memory_space<vmem>>)
      tpu.yield
    }) : () -> ()
    %barrier3A = arith.constant 0 : index
    tpu.barrier barrier_id(%barrier3A)
    %scan3A = arith.constant 0 : i32
    %scan3A_5 = arith.constant 0 : i32
    %scan3A_6 = arith.constant 40 : i32
    %scan3A_7 = arith.addi %scan3A_5, %scan3A_6 : i32
    %scan3A_8 = arith.constant 1 : i32
    scf.for %scan3A_20 = %scan3A_5 to %scan3A_7 step %scan3A_8  : i32 {
      %dma_start3A = arith.constant 0 : i32
      %dma_start3A_21 = tpu.memref_slice %arg7[%scan3A_20, %dma_start3A] : memref<40x128xi32, #tpu.memory_space<vmem>> -> memref<1x128xi32, #tpu.memory_space<vmem>>
      %dma_start3A_22 = tpu.memref_squeeze %dma_start3A_21 : memref<1x128xi32, #tpu.memory_space<vmem>> -> memref<128xi32, #tpu.memory_space<vmem>>
      %dma_start3A_23 = arith.constant 0 : i32
      %dma_start3A_24 = arith.constant 0 : i32
      %dma_start3A_25 = tpu.memref_slice %arg6[%dma_start3A_23, %dma_start3A_24] : memref<10240x128xf32, #tpu.memory_space<vmem_shared>> -> memref<10240x128xf32, #tpu.memory_space<vmem_shared>>
      tpu.enqueue_indirect_dma source(%arg8 : memref<128x128xf32, #tpu.memory_space<vmem>>) target(%dma_start3A_25 : memref<10240x128xf32, #tpu.memory_space<vmem_shared>>) offsets(%dma_start3A_22 : memref<128xi32, #tpu.memory_space<vmem>>) semaphore(%arg9 : memref<!tpu.dma_semaphore, #tpu.memory_space<semaphore_mem>>) {add = true}
    }
    %scan3A_9 = arith.constant 40 : i32
    %scan3A_10 = arith.constant 0 : i32
    %scan3A_11 = arith.constant 0 : i32
    %scan3A_12 = arith.constant 40 : i32
    %scan3A_13 = arith.addi %scan3A_11, %scan3A_12 : i32
    %scan3A_14 = arith.constant 1 : i32
    scf.for %scan3A_20 = %scan3A_11 to %scan3A_13 step %scan3A_14  : i32 {
      %dma_wait3A = arith.constant 0 : i32
      %dma_wait3A_21 = arith.constant 0 : i32
      %dma_wait3A_22 = tpu.memref_slice %arg7[%dma_wait3A, %dma_wait3A_21] : memref<40x128xi32, #tpu.memory_space<vmem>> -> memref<1x128xi32, #tpu.memory_space<vmem>>
      %dma_wait3A_23 = tpu.memref_squeeze %dma_wait3A_22 : memref<1x128xi32, #tpu.memory_space<vmem>> -> memref<128xi32, #tpu.memory_space<vmem>>
      %dma_wait3A_24 = arith.constant 0 : i32
      %dma_wait3A_25 = arith.constant 0 : i32
      %dma_wait3A_26 = tpu.memref_slice %arg6[%dma_wait3A_24, %dma_wait3A_25] : memref<10240x128xf32, #tpu.memory_space<vmem_shared>> -> memref<10240x128xf32, #tpu.memory_space<vmem_shared>>
      tpu.wait_indirect_dma semaphore(%arg9 : memref<!tpu.dma_semaphore, #tpu.memory_space<semaphore_mem>>) src(%arg8 : memref<128x128xf32, #tpu.memory_space<vmem>>) dst(%dma_wait3A_26 : memref<10240x128xf32, #tpu.memory_space<vmem_shared>>)
    }
    %scan3A_15 = arith.constant 40 : i32
    %barrier3A_16 = arith.constant 0 : index
    tpu.barrier barrier_id(%barrier3A_16)
    %mul3A_17 = arith.constant 10240 : i32
    %mul3A_18 = arith.muli %arg0, %mul3A_17 : i32
    %add3A_19 = arith.addi %mul3A_18, %mul3A_0 : i32
    "tpu.region"() ({
      %run_scoped3A = tpu.sem_alloc : memref<!tpu.dma_semaphore, #tpu.memory_space<semaphore_mem>>
      %dma_start3A = arith.constant 0 : i32
      %dma_start3A_20 = tpu.memref_slice %arg5[%add3A_19, %dma_start3A] : memref<20480x128xf32, #tpu.memory_space<hbm>> -> memref<640x128xf32, #tpu.memory_space<hbm>>
      %dma_start3A_21 = arith.constant 0 : i32
      %dma_start3A_22 = tpu.memref_slice %arg6[%mul3A_0, %dma_start3A_21] : memref<10240x128xf32, #tpu.memory_space<vmem_shared>> -> memref<640x128xf32, #tpu.memory_space<vmem_shared>>
      tpu.enqueue_dma source(%dma_start3A_22 : memref<640x128xf32, #tpu.memory_space<vmem_shared>>) target(%dma_start3A_20 : memref<640x128xf32, #tpu.memory_space<hbm>>) target_semaphore(%run_scoped3A : memref<!tpu.dma_semaphore, #tpu.memory_space<semaphore_mem>>)
      %dma_wait3A = arith.constant 0 : i32
      %dma_wait3A_23 = tpu.memref_slice %arg5[%add3A_19, %dma_wait3A] : memref<20480x128xf32, #tpu.memory_space<hbm>> -> memref<640x128xf32, #tpu.memory_space<hbm>>
      %dma_wait3A_24 = arith.constant 0 : i32
      %dma_wait3A_25 = tpu.memref_slice %arg6[%mul3A_0, %dma_wait3A_24] : memref<10240x128xf32, #tpu.memory_space<vmem_shared>> -> memref<640x128xf32, #tpu.memory_space<vmem_shared>>
      tpu.wait_dma2 semaphore(%run_scoped3A : memref<!tpu.dma_semaphore, #tpu.memory_space<semaphore_mem>>) src(%dma_wait3A_25 : memref<640x128xf32, #tpu.memory_space<vmem_shared>>) dst(%dma_wait3A_23 : memref<640x128xf32, #tpu.memory_space<hbm>>)
      tpu.yield
    }) : () -> ()
    return
  }
}

module attributes {stable_mosaic.version = 14 : i64} {
  func.func @_enc_body(%arg0: i32, %arg1: memref<2000x256xf32, #tpu.memory_space<vmem>>, %arg2: memref<2000x256xf32, #tpu.memory_space<vmem>>, %arg3: memref<256x256xbf16, #tpu.memory_space<vmem>>, %arg4: memref<256x256xbf16, #tpu.memory_space<vmem>>, %arg5: memref<1x256xf32, #tpu.memory_space<vmem>>, %arg6: memref<2000x256xf32, #tpu.memory_space<vmem>>, %arg7: memref<2x2000x128xf32, #tpu.memory_space<vmem>>) attributes {dimension_semantics = [#tpu.dimension_semantics<arbitrary>], iteration_bounds = array<i64: 5>, scalar_prefetch = 0 : i64, scratch_operands = 0 : i64, tpu.core_type = #tpu.core_type<tc>, window_params = [{transform_indices = @transform_0, window_bounds = array<i64: 2000, 256>}, {transform_indices = @transform_1, window_bounds = array<i64: 2000, 256>}, {pipeline_mode = #tpu.pipeline_mode<synchronous>, transform_indices = @transform_2, window_bounds = array<i64: 256, 256>}, {pipeline_mode = #tpu.pipeline_mode<synchronous>, transform_indices = @transform_3, window_bounds = array<i64: 256, 256>}, {pipeline_mode = #tpu.pipeline_mode<synchronous>, transform_indices = @transform_4, window_bounds = array<i64: 1, 256>}, {transform_indices = @transform_5, window_bounds = array<i64: 2000, 256>}, {transform_indices = @transform_6, window_bounds = array<i64: 2, 2000, 128>}]} {
    %get3A = arith.constant 0 : index
    %get3A_0 = arith.constant 0 : index
    %get3A_1 = vector.load %arg1[%get3A, %get3A_0] : memref<2000x256xf32, #tpu.memory_space<vmem>>, vector<2000x256xf32>
    %convert_element_type3A = arith.truncf %get3A_1 : vector<2000x256xf32> to vector<2000x256xbf16>
    %get3A_2 = arith.constant 0 : index
    %get3A_3 = arith.constant 0 : index
    %get3A_4 = vector.load %arg3[%get3A_2, %get3A_3] : memref<256x256xbf16, #tpu.memory_space<vmem>>, vector<256x256xbf16>
    %dot_general3A = arith.constant dense<0.000000e+00> : vector<2000x256xf32>
    %dot_general3A_5 = tpu.matmul %convert_element_type3A, %get3A_4, %dot_general3A {dimension_numbers = #tpu.dot_dimension_numbers<[1], [0], [0], [1], [0, 0, 1, 1], [], []>, transpose_lhs_hint = false} : vector<2000x256xbf16>, vector<256x256xbf16>, vector<2000x256xf32> -> vector<2000x256xf32>
    %get3A_6 = arith.constant 0 : index
    %get3A_7 = arith.constant 0 : index
    %get3A_8 = vector.load %arg2[%get3A_6, %get3A_7] : memref<2000x256xf32, #tpu.memory_space<vmem>>, vector<2000x256xf32>
    %convert_element_type3A_9 = arith.truncf %get3A_8 : vector<2000x256xf32> to vector<2000x256xbf16>
    %get3A_10 = arith.constant 0 : index
    %get3A_11 = arith.constant 0 : index
    %get3A_12 = vector.load %arg4[%get3A_10, %get3A_11] : memref<256x256xbf16, #tpu.memory_space<vmem>>, vector<256x256xbf16>
    %dot_general3A_13 = arith.constant dense<0.000000e+00> : vector<2000x256xf32>
    %dot_general3A_14 = tpu.matmul %convert_element_type3A_9, %get3A_12, %dot_general3A_13 {dimension_numbers = #tpu.dot_dimension_numbers<[1], [0], [0], [1], [0, 0, 1, 1], [], []>, transpose_lhs_hint = false} : vector<2000x256xbf16>, vector<256x256xbf16>, vector<2000x256xf32> -> vector<2000x256xf32>
    %add3A = arith.addf %dot_general3A_5, %dot_general3A_14 : vector<2000x256xf32>
    %get3A_15 = arith.constant 0 : index
    %get3A_16 = arith.constant 0 : index
    %get3A_17 = vector.load %arg5[%get3A_15, %get3A_16] : memref<1x256xf32, #tpu.memory_space<vmem>>, vector<1x256xf32>
    %add3A_18 = vector.broadcast %get3A_17 : vector<1x256xf32> to vector<2000x256xf32>
    %add3A_19 = arith.addf %add3A, %add3A_18 : vector<2000x256xf32>
    %max3A = arith.constant 0.000000e+00 : f32
    %max3A_20 = vector.broadcast %max3A : f32 to vector<2000x256xf32>
    %max3A_21 = arith.maximumf %add3A_19, %max3A_20 : vector<2000x256xf32>
    %swap3A = arith.constant 0 : index
    %swap3A_22 = arith.constant 0 : index
    %swap3A_23 = vector.load %arg6[%swap3A, %swap3A_22] : memref<2000x256xf32, #tpu.memory_space<vmem>>, vector<2000x256xf32>
    tpu.vector_store %arg6[%swap3A, %swap3A_22], %max3A_21 {strides = array<i32>} : memref<2000x256xf32, #tpu.memory_space<vmem>>, vector<2000x256xf32>,
    %slice3A = vector.extract_strided_slice %max3A_21 {offsets = [0, 0], sizes = [2000, 128], strides = [1, 1]} : vector<2000x256xf32> to vector<2000x128xf32>
    %swap3A_24 = arith.constant 0 : index
    %swap3A_25 = arith.constant 0 : index
    %swap3A_26 = arith.constant 0 : index
    %swap3A_27 = vector.load %arg7[%swap3A_24, %swap3A_25, %swap3A_26] : memref<2x2000x128xf32, #tpu.memory_space<vmem>>, vector<1x2000x128xf32>
    %swap3A_28 = vector.shape_cast %swap3A_27 : vector<1x2000x128xf32> to vector<2000x128xf32>
    %swap3A_29 = vector.shape_cast %slice3A : vector<2000x128xf32> to vector<1x2000x128xf32>
    tpu.vector_store %arg7[%swap3A_24, %swap3A_25, %swap3A_26], %swap3A_29 {strides = array<i32>} : memref<2x2000x128xf32, #tpu.memory_space<vmem>>, vector<1x2000x128xf32>,
    %slice3A_30 = vector.extract_strided_slice %max3A_21 {offsets = [0, 128], sizes = [2000, 128], strides = [1, 1]} : vector<2000x256xf32> to vector<2000x128xf32>
    %swap3A_31 = arith.constant 1 : index
    %swap3A_32 = arith.constant 0 : index
    %swap3A_33 = arith.constant 0 : index
    %swap3A_34 = vector.load %arg7[%swap3A_31, %swap3A_32, %swap3A_33] : memref<2x2000x128xf32, #tpu.memory_space<vmem>>, vector<1x2000x128xf32>
    %swap3A_35 = vector.shape_cast %swap3A_34 : vector<1x2000x128xf32> to vector<2000x128xf32>
    %swap3A_36 = vector.shape_cast %slice3A_30 : vector<2000x128xf32> to vector<1x2000x128xf32>
    tpu.vector_store %arg7[%swap3A_31, %swap3A_32, %swap3A_33], %swap3A_36 {strides = array<i32>} : memref<2x2000x128xf32, #tpu.memory_space<vmem>>, vector<1x2000x128xf32>,
    return
  }
  func.func @transform_0(%arg0: i32) -> (i32, i32) {
    %c0_i32 = arith.constant 0 : i32
    %c0_i32_0 = arith.constant 0 : i32
    return %arg0, %c0_i32 : i32, i32
  }
  func.func @transform_1(%arg0: i32) -> (i32, i32) {
    %c0_i32 = arith.constant 0 : i32
    %c0_i32_0 = arith.constant 0 : i32
    return %arg0, %c0_i32 : i32, i32
  }
  func.func @transform_2(%arg0: i32) -> (i32, i32) {
    %c0_i32 = arith.constant 0 : i32
    %c0_i32_0 = arith.constant 0 : i32
    %c0_i32_1 = arith.constant 0 : i32
    return %c0_i32, %c0_i32_0 : i32, i32
  }
  func.func @transform_3(%arg0: i32) -> (i32, i32) {
    %c0_i32 = arith.constant 0 : i32
    %c0_i32_0 = arith.constant 0 : i32
    %c0_i32_1 = arith.constant 0 : i32
    return %c0_i32, %c0_i32_0 : i32, i32
  }
  func.func @transform_4(%arg0: i32) -> (i32, i32) {
    %c0_i32 = arith.constant 0 : i32
    %c0_i32_0 = arith.constant 0 : i32
    %c0_i32_1 = arith.constant 0 : i32
    return %c0_i32, %c0_i32_0 : i32, i32
  }
  func.func @transform_5(%arg0: i32) -> (i32, i32) {
    %c0_i32 = arith.constant 0 : i32
    %c0_i32_0 = arith.constant 0 : i32
    return %arg0, %c0_i32 : i32, i32
  }
  func.func @transform_6(%arg0: i32) -> (i32, i32, i32) {
    %c0_i32 = arith.constant 0 : i32
    %c0_i32_0 = arith.constant 0 : i32
    %c0_i32_1 = arith.constant 0 : i32
    return %c0_i32, %arg0, %c0_i32_0 : i32, i32, i32
  }
}

module attributes {stable_mosaic.version = 14 : i64} {
  func.func @_z1_body(%arg0: i32, %arg1: memref<2000x256xf32, #tpu.memory_space<vmem>>, %arg2: memref<2000x128xf32, #tpu.memory_space<vmem>>, %arg3: memref<2000x128xf32, #tpu.memory_space<vmem>>, %arg4: memref<2000x1xf32, #tpu.memory_space<vmem>>, %arg5: memref<2000x1xf32, #tpu.memory_space<vmem>>, %arg6: memref<256x512xbf16, #tpu.memory_space<vmem>>, %arg7: memref<256x512xbf16, #tpu.memory_space<vmem>>, %arg8: memref<1x512xf32, #tpu.memory_space<vmem>>, %arg9: memref<2000x512xf32, #tpu.memory_space<vmem>>, %arg10: memref<1x512xf32, #tpu.memory_space<vmem>>, %arg11: memref<1x512xf32, #tpu.memory_space<vmem>>) attributes {dimension_semantics = [#tpu.dimension_semantics<arbitrary>], iteration_bounds = array<i64: 5>, scalar_prefetch = 0 : i64, scratch_operands = 0 : i64, tpu.core_type = #tpu.core_type<tc>, window_params = [{transform_indices = @transform_0, window_bounds = array<i64: 2000, 256>}, {transform_indices = @transform_1, window_bounds = array<i64: 2000, 128>}, {transform_indices = @transform_2, window_bounds = array<i64: 2000, 128>}, {transform_indices = @transform_3, window_bounds = array<i64: 2000, 1>}, {transform_indices = @transform_4, window_bounds = array<i64: 2000, 1>}, {pipeline_mode = #tpu.pipeline_mode<synchronous>, transform_indices = @transform_5, window_bounds = array<i64: 256, 512>}, {pipeline_mode = #tpu.pipeline_mode<synchronous>, transform_indices = @transform_6, window_bounds = array<i64: 256, 512>}, {pipeline_mode = #tpu.pipeline_mode<synchronous>, transform_indices = @transform_7, window_bounds = array<i64: 1, 512>}, {transform_indices = @transform_8, window_bounds = array<i64: 2000, 512>}, {pipeline_mode = #tpu.pipeline_mode<synchronous>, transform_indices = @transform_9, window_bounds = array<i64: 1, 512>}, {pipeline_mode = #tpu.pipeline_mode<synchronous>, transform_indices = @transform_10, window_bounds = array<i64: 1, 512>}]} {
    %get3A = arith.constant 0 : index
    %get3A_0 = arith.constant 0 : index
    %get3A_1 = vector.load %arg2[%get3A, %get3A_0] : memref<2000x128xf32, #tpu.memory_space<vmem>>, vector<2000x128xf32>
    %get3A_2 = arith.constant 0 : index
    %get3A_3 = arith.constant 0 : index
    %get3A_4 = vector.load %arg3[%get3A_2, %get3A_3] : memref<2000x128xf32, #tpu.memory_space<vmem>>, vector<2000x128xf32>
    %concatenate3A = tpu.concatenate %get3A_1, %get3A_4 in 1 : vector<2000x128xf32>, vector<2000x128xf32> -> vector<2000x256xf32>
    %get3A_5 = arith.constant 0 : index
    %get3A_6 = arith.constant 0 : index
    %get3A_7 = vector.load %arg4[%get3A_5, %get3A_6] : memref<2000x1xf32, #tpu.memory_space<vmem>>, vector<2000x1xf32>
    %get3A_8 = arith.constant 0 : index
    %get3A_9 = arith.constant 0 : index
    %get3A_10 = vector.load %arg5[%get3A_8, %get3A_9] : memref<2000x1xf32, #tpu.memory_space<vmem>>, vector<2000x1xf32>
    %add3A = arith.addf %get3A_7, %get3A_10 : vector<2000x1xf32>
    %max3A = arith.constant 1.000000e+00 : f32
    %max3A_11 = vector.broadcast %max3A : f32 to vector<2000x1xf32>
    %max3A_12 = arith.maximumf %add3A, %max3A_11 : vector<2000x1xf32>
    %div3A = arith.constant 1.000000e+00 : f32
    %div3A_13 = vector.broadcast %div3A : f32 to vector<2000x1xf32>
    %div3A_14 = arith.divf %div3A_13, %max3A_12 : vector<2000x1xf32>
    %mul3A = vector.broadcast %div3A_14 : vector<2000x1xf32> to vector<2000x256xf32>
    %mul3A_15 = arith.mulf %concatenate3A, %mul3A : vector<2000x256xf32>
    %get3A_16 = arith.constant 0 : index
    %get3A_17 = arith.constant 0 : index
    %get3A_18 = vector.load %arg1[%get3A_16, %get3A_17] : memref<2000x256xf32, #tpu.memory_space<vmem>>, vector<2000x256xf32>
    %convert_element_type3A = arith.truncf %get3A_18 : vector<2000x256xf32> to vector<2000x256xbf16>
    %get3A_19 = arith.constant 0 : index
    %get3A_20 = arith.constant 0 : index
    %get3A_21 = vector.load %arg6[%get3A_19, %get3A_20] : memref<256x512xbf16, #tpu.memory_space<vmem>>, vector<256x512xbf16>
    %dot_general3A = arith.constant dense<0.000000e+00> : vector<2000x512xf32>
    %dot_general3A_22 = tpu.matmul %convert_element_type3A, %get3A_21, %dot_general3A {dimension_numbers = #tpu.dot_dimension_numbers<[1], [0], [0], [1], [0, 0, 1, 1], [], []>, transpose_lhs_hint = false} : vector<2000x256xbf16>, vector<256x512xbf16>, vector<2000x512xf32> -> vector<2000x512xf32>
    %convert_element_type3A_23 = arith.truncf %mul3A_15 : vector<2000x256xf32> to vector<2000x256xbf16>
    %get3A_24 = arith.constant 0 : index
    %get3A_25 = arith.constant 0 : index
    %get3A_26 = vector.load %arg7[%get3A_24, %get3A_25] : memref<256x512xbf16, #tpu.memory_space<vmem>>, vector<256x512xbf16>
    %dot_general3A_27 = arith.constant dense<0.000000e+00> : vector<2000x512xf32>
    %dot_general3A_28 = tpu.matmul %convert_element_type3A_23, %get3A_26, %dot_general3A_27 {dimension_numbers = #tpu.dot_dimension_numbers<[1], [0], [0], [1], [0, 0, 1, 1], [], []>, transpose_lhs_hint = false} : vector<2000x256xbf16>, vector<256x512xbf16>, vector<2000x512xf32> -> vector<2000x512xf32>
    %add3A_29 = arith.addf %dot_general3A_22, %dot_general3A_28 : vector<2000x512xf32>
    %get3A_30 = arith.constant 0 : index
    %get3A_31 = arith.constant 0 : index
    %get3A_32 = vector.load %arg8[%get3A_30, %get3A_31] : memref<1x512xf32, #tpu.memory_space<vmem>>, vector<1x512xf32>
    %add3A_33 = vector.broadcast %get3A_32 : vector<1x512xf32> to vector<2000x512xf32>
    %add3A_34 = arith.addf %add3A_29, %add3A_33 : vector<2000x512xf32>
    %swap3A = arith.constant 0 : index
    %swap3A_35 = arith.constant 0 : index
    %swap3A_36 = vector.load %arg9[%swap3A, %swap3A_35] : memref<2000x512xf32, #tpu.memory_space<vmem>>, vector<2000x512xf32>
    tpu.vector_store %arg9[%swap3A, %swap3A_35], %add3A_34 {strides = array<i32>} : memref<2000x512xf32, #tpu.memory_space<vmem>>, vector<2000x512xf32>,
    %reduce_sum3A = arith.constant dense<0.000000e+00> : vector<512xf32>
    %reduce_sum3A_37 = vector.multi_reduction <add>, %add3A_34, %reduce_sum3A [0] : vector<2000x512xf32> to vector<512xf32>
    %broadcast_in_dim3A = vector.shape_cast %reduce_sum3A_37 : vector<512xf32> to vector<1x512xf32>
    %mul3A_38 = arith.mulf %add3A_34, %add3A_34 : vector<2000x512xf32>
    %reduce_sum3A_39 = arith.constant dense<0.000000e+00> : vector<512xf32>
    %reduce_sum3A_40 = vector.multi_reduction <add>, %mul3A_38, %reduce_sum3A_39 [0] : vector<2000x512xf32> to vector<512xf32>
    %broadcast_in_dim3A_41 = vector.shape_cast %reduce_sum3A_40 : vector<512xf32> to vector<1x512xf32>
    %eq3A = arith.constant 0 : i32
    %eq3A_42 = arith.cmpi eq, %arg0, %eq3A : i32
    %convert_element_type3A_43 = arith.extui %eq3A_42 : i1 to i32
    %cond3A = arith.constant 0 : i32
    %cond3A_44 = arith.cmpi ne, %convert_element_type3A_43, %cond3A : i32
    scf.if %cond3A_44 {
      %swap3A_49 = arith.constant 0 : index
      %swap3A_50 = arith.constant 0 : index
      %swap3A_51 = vector.load %arg10[%swap3A_49, %swap3A_50] : memref<1x512xf32, #tpu.memory_space<vmem>>, vector<1x512xf32>
      tpu.vector_store %arg10[%swap3A_49, %swap3A_50], %broadcast_in_dim3A {strides = array<i32>} : memref<1x512xf32, #tpu.memory_space<vmem>>, vector<1x512xf32>,
      %swap3A_52 = arith.constant 0 : index
      %swap3A_53 = arith.constant 0 : index
      %swap3A_54 = vector.load %arg11[%swap3A_52, %swap3A_53] : memref<1x512xf32, #tpu.memory_space<vmem>>, vector<1x512xf32>
      tpu.vector_store %arg11[%swap3A_52, %swap3A_53], %broadcast_in_dim3A_41 {strides = array<i32>} : memref<1x512xf32, #tpu.memory_space<vmem>>, vector<1x512xf32>,
    } else {
    }
    %ne3A = arith.constant 0 : i32
    %ne3A_45 = arith.cmpi ne, %arg0, %ne3A : i32
    %convert_element_type3A_46 = arith.extui %ne3A_45 : i1 to i32
    %cond3A_47 = arith.constant 0 : i32
    %cond3A_48 = arith.cmpi ne, %convert_element_type3A_46, %cond3A_47 : i32
    scf.if %cond3A_48 {
      %get3A_49 = arith.constant 0 : index
      %get3A_50 = arith.constant 0 : index
      %get3A_51 = vector.load %arg10[%get3A_49, %get3A_50] : memref<1x512xf32, #tpu.memory_space<vmem>>, vector<1x512xf32>
      %add3A_52 = arith.addf %get3A_51, %broadcast_in_dim3A : vector<1x512xf32>
      %swap3A_53 = arith.constant 0 : index
      %swap3A_54 = arith.constant 0 : index
      %swap3A_55 = vector.load %arg10[%swap3A_53, %swap3A_54] : memref<1x512xf32, #tpu.memory_space<vmem>>, vector<1x512xf32>
      tpu.vector_store %arg10[%swap3A_53, %swap3A_54], %add3A_52 {strides = array<i32>} : memref<1x512xf32, #tpu.memory_space<vmem>>, vector<1x512xf32>,
      %get3A_56 = arith.constant 0 : index
      %get3A_57 = arith.constant 0 : index
      %get3A_58 = vector.load %arg11[%get3A_56, %get3A_57] : memref<1x512xf32, #tpu.memory_space<vmem>>, vector<1x512xf32>
      %add3A_59 = arith.addf %get3A_58, %broadcast_in_dim3A_41 : vector<1x512xf32>
      %swap3A_60 = arith.constant 0 : index
      %swap3A_61 = arith.constant 0 : index
      %swap3A_62 = vector.load %arg11[%swap3A_60, %swap3A_61] : memref<1x512xf32, #tpu.memory_space<vmem>>, vector<1x512xf32>
      tpu.vector_store %arg11[%swap3A_60, %swap3A_61], %add3A_59 {strides = array<i32>} : memref<1x512xf32, #tpu.memory_space<vmem>>, vector<1x512xf32>,
    } else {
    }
    return
  }
  func.func @transform_0(%arg0: i32) -> (i32, i32) {
    %c0_i32 = arith.constant 0 : i32
    %c0_i32_0 = arith.constant 0 : i32
    return %arg0, %c0_i32 : i32, i32
  }
  func.func @transform_1(%arg0: i32) -> (i32, i32) {
    %c0_i32 = arith.constant 0 : i32
    %c0_i32_0 = arith.constant 0 : i32
    return %arg0, %c0_i32 : i32, i32
  }
  func.func @transform_2(%arg0: i32) -> (i32, i32) {
    %c0_i32 = arith.constant 0 : i32
    %c0_i32_0 = arith.constant 0 : i32
    return %arg0, %c0_i32 : i32, i32
  }
  func.func @transform_3(%arg0: i32) -> (i32, i32) {
    %c0_i32 = arith.constant 0 : i32
    %c0_i32_0 = arith.constant 0 : i32
    return %arg0, %c0_i32 : i32, i32
  }
  func.func @transform_4(%arg0: i32) -> (i32, i32) {
    %c0_i32 = arith.constant 0 : i32
    %c0_i32_0 = arith.constant 0 : i32
    return %arg0, %c0_i32 : i32, i32
  }
  func.func @transform_5(%arg0: i32) -> (i32, i32) {
    %c0_i32 = arith.constant 0 : i32
    %c0_i32_0 = arith.constant 0 : i32
    %c0_i32_1 = arith.constant 0 : i32
    return %c0_i32, %c0_i32_0 : i32, i32
  }
  func.func @transform_6(%arg0: i32) -> (i32, i32) {
    %c0_i32 = arith.constant 0 : i32
    %c0_i32_0 = arith.constant 0 : i32
    %c0_i32_1 = arith.constant 0 : i32
    return %c0_i32, %c0_i32_0 : i32, i32
  }
  func.func @transform_7(%arg0: i32) -> (i32, i32) {
    %c0_i32 = arith.constant 0 : i32
    %c0_i32_0 = arith.constant 0 : i32
    %c0_i32_1 = arith.constant 0 : i32
    return %c0_i32, %c0_i32_0 : i32, i32
  }
  func.func @transform_8(%arg0: i32) -> (i32, i32) {
    %c0_i32 = arith.constant 0 : i32
    %c0_i32_0 = arith.constant 0 : i32
    return %arg0, %c0_i32 : i32, i32
  }
  func.func @transform_9(%arg0: i32) -> (i32, i32) {
    %c0_i32 = arith.constant 0 : i32
    %c0_i32_0 = arith.constant 0 : i32
    %c0_i32_1 = arith.constant 0 : i32
    return %c0_i32, %c0_i32_0 : i32, i32
  }
  func.func @transform_10(%arg0: i32) -> (i32, i32) {
    %c0_i32 = arith.constant 0 : i32
    %c0_i32_0 = arith.constant 0 : i32
    %c0_i32_1 = arith.constant 0 : i32
    return %c0_i32, %c0_i32_0 : i32, i32
  }
}

module attributes {stable_mosaic.version = 14 : i64} {
  func.func @_h1_body(%arg0: i32, %arg1: memref<2000x512xf32, #tpu.memory_space<vmem>>, %arg2: memref<1x512xf32, #tpu.memory_space<vmem>>, %arg3: memref<1x512xf32, #tpu.memory_space<vmem>>, %arg4: memref<1x512xf32, #tpu.memory_space<vmem>>, %arg5: memref<1x512xf32, #tpu.memory_space<vmem>>, %arg6: memref<512x256xbf16, #tpu.memory_space<vmem>>, %arg7: memref<512x256xbf16, #tpu.memory_space<vmem>>, %arg8: memref<2000x256xf32, #tpu.memory_space<vmem>>, %arg9: memref<2x2000x128xf32, #tpu.memory_space<vmem>>) attributes {dimension_semantics = [#tpu.dimension_semantics<arbitrary>], iteration_bounds = array<i64: 5>, scalar_prefetch = 0 : i64, scratch_operands = 0 : i64, tpu.core_type = #tpu.core_type<tc>, window_params = [{transform_indices = @transform_0, window_bounds = array<i64: 2000, 512>}, {pipeline_mode = #tpu.pipeline_mode<synchronous>, transform_indices = @transform_1, window_bounds = array<i64: 1, 512>}, {pipeline_mode = #tpu.pipeline_mode<synchronous>, transform_indices = @transform_2, window_bounds = array<i64: 1, 512>}, {pipeline_mode = #tpu.pipeline_mode<synchronous>, transform_indices = @transform_3, window_bounds = array<i64: 1, 512>}, {pipeline_mode = #tpu.pipeline_mode<synchronous>, transform_indices = @transform_4, window_bounds = array<i64: 1, 512>}, {pipeline_mode = #tpu.pipeline_mode<synchronous>, transform_indices = @transform_5, window_bounds = array<i64: 512, 256>}, {pipeline_mode = #tpu.pipeline_mode<synchronous>, transform_indices = @transform_6, window_bounds = array<i64: 512, 256>}, {transform_indices = @transform_7, window_bounds = array<i64: 2000, 256>}, {transform_indices = @transform_8, window_bounds = array<i64: 2, 2000, 128>}]} {
    %get3A = arith.constant 0 : index
    %get3A_0 = arith.constant 0 : index
    %get3A_1 = vector.load %arg2[%get3A, %get3A_0] : memref<1x512xf32, #tpu.memory_space<vmem>>, vector<1x512xf32>
    %mul3A = arith.constant 9.99999974E-5 : f32
    %mul3A_2 = vector.broadcast %mul3A : f32 to vector<1x512xf32>
    %mul3A_3 = arith.mulf %get3A_1, %mul3A_2 : vector<1x512xf32>
    %get3A_4 = arith.constant 0 : index
    %get3A_5 = arith.constant 0 : index
    %get3A_6 = vector.load %arg3[%get3A_4, %get3A_5] : memref<1x512xf32, #tpu.memory_space<vmem>>, vector<1x512xf32>
    %mul3A_7 = arith.constant 9.99999974E-5 : f32
    %mul3A_8 = vector.broadcast %mul3A_7 : f32 to vector<1x512xf32>
    %mul3A_9 = arith.mulf %get3A_6, %mul3A_8 : vector<1x512xf32>
    %mul3A_10 = arith.mulf %mul3A_3, %mul3A_3 : vector<1x512xf32>
    %sub3A = arith.subf %mul3A_9, %mul3A_10 : vector<1x512xf32>
    %get3A_11 = arith.constant 0 : index
    %get3A_12 = arith.constant 0 : index
    %get3A_13 = vector.load %arg4[%get3A_11, %get3A_12] : memref<1x512xf32, #tpu.memory_space<vmem>>, vector<1x512xf32>
    %add3A = arith.constant 9.99999974E-6 : f32
    %add3A_14 = vector.broadcast %add3A : f32 to vector<1x512xf32>
    %add3A_15 = arith.addf %sub3A, %add3A_14 : vector<1x512xf32>
    %rsqrt3A = math.rsqrt %add3A_15 : vector<1x512xf32>
    %mul3A_16 = arith.mulf %get3A_13, %rsqrt3A : vector<1x512xf32>
    %get3A_17 = arith.constant 0 : index
    %get3A_18 = arith.constant 0 : index
    %get3A_19 = vector.load %arg1[%get3A_17, %get3A_18] : memref<2000x512xf32, #tpu.memory_space<vmem>>, vector<2000x512xf32>
    %sub3A_20 = vector.broadcast %mul3A_3 : vector<1x512xf32> to vector<2000x512xf32>
    %sub3A_21 = arith.subf %get3A_19, %sub3A_20 : vector<2000x512xf32>
    %mul3A_22 = vector.broadcast %mul3A_16 : vector<1x512xf32> to vector<2000x512xf32>
    %mul3A_23 = arith.mulf %sub3A_21, %mul3A_22 : vector<2000x512xf32>
    %get3A_24 = arith.constant 0 : index
    %get3A_25 = arith.constant 0 : index
    %get3A_26 = vector.load %arg5[%get3A_24, %get3A_25] : memref<1x512xf32, #tpu.memory_space<vmem>>, vector<1x512xf32>
    %add3A_27 = vector.broadcast %get3A_26 : vector<1x512xf32> to vector<2000x512xf32>
    %add3A_28 = arith.addf %mul3A_23, %add3A_27 : vector<2000x512xf32>
    %max3A = arith.constant 0.000000e+00 : f32
    %max3A_29 = vector.broadcast %max3A : f32 to vector<2000x512xf32>
    %max3A_30 = arith.maximumf %add3A_28, %max3A_29 : vector<2000x512xf32>
    %convert_element_type3A = arith.truncf %max3A_30 : vector<2000x512xf32> to vector<2000x512xbf16>
    %get3A_31 = arith.constant 0 : index
    %get3A_32 = arith.constant 0 : index
    %get3A_33 = vector.load %arg6[%get3A_31, %get3A_32] : memref<512x256xbf16, #tpu.memory_space<vmem>>, vector<512x256xbf16>
    %dot_general3A = arith.constant dense<0.000000e+00> : vector<2000x256xf32>
    %dot_general3A_34 = tpu.matmul %convert_element_type3A, %get3A_33, %dot_general3A {dimension_numbers = #tpu.dot_dimension_numbers<[1], [0], [0], [1], [0, 0, 1, 1], [], []>, transpose_lhs_hint = false} : vector<2000x512xbf16>, vector<512x256xbf16>, vector<2000x256xf32> -> vector<2000x256xf32>
    %swap3A = arith.constant 0 : index
    %swap3A_35 = arith.constant 0 : index
    %swap3A_36 = vector.load %arg8[%swap3A, %swap3A_35] : memref<2000x256xf32, #tpu.memory_space<vmem>>, vector<2000x256xf32>
    tpu.vector_store %arg8[%swap3A, %swap3A_35], %dot_general3A_34 {strides = array<i32>} : memref<2000x256xf32, #tpu.memory_space<vmem>>, vector<2000x256xf32>,
    %get3A_37 = arith.constant 0 : index
    %get3A_38 = arith.constant 0 : index
    %get3A_39 = vector.load %arg7[%get3A_37, %get3A_38] : memref<512x256xbf16, #tpu.memory_space<vmem>>, vector<512x256xbf16>
    %dot_general3A_40 = arith.constant dense<0.000000e+00> : vector<2000x256xf32>
    %dot_general3A_41 = tpu.matmul %convert_element_type3A, %get3A_39, %dot_general3A_40 {dimension_numbers = #tpu.dot_dimension_numbers<[1], [0], [0], [1], [0, 0, 1, 1], [], []>, transpose_lhs_hint = false} : vector<2000x512xbf16>, vector<512x256xbf16>, vector<2000x256xf32> -> vector<2000x256xf32>
    %slice3A = vector.extract_strided_slice %dot_general3A_41 {offsets = [0, 0], sizes = [2000, 128], strides = [1, 1]} : vector<2000x256xf32> to vector<2000x128xf32>
    %swap3A_42 = arith.constant 0 : index
    %swap3A_43 = arith.constant 0 : index
    %swap3A_44 = arith.constant 0 : index
    %swap3A_45 = vector.load %arg9[%swap3A_42, %swap3A_43, %swap3A_44] : memref<2x2000x128xf32, #tpu.memory_space<vmem>>, vector<1x2000x128xf32>
    %swap3A_46 = vector.shape_cast %swap3A_45 : vector<1x2000x128xf32> to vector<2000x128xf32>
    %swap3A_47 = vector.shape_cast %slice3A : vector<2000x128xf32> to vector<1x2000x128xf32>
    tpu.vector_store %arg9[%swap3A_42, %swap3A_43, %swap3A_44], %swap3A_47 {strides = array<i32>} : memref<2x2000x128xf32, #tpu.memory_space<vmem>>, vector<1x2000x128xf32>,
    %slice3A_48 = vector.extract_strided_slice %dot_general3A_41 {offsets = [0, 128], sizes = [2000, 128], strides = [1, 1]} : vector<2000x256xf32> to vector<2000x128xf32>
    %swap3A_49 = arith.constant 1 : index
    %swap3A_50 = arith.constant 0 : index
    %swap3A_51 = arith.constant 0 : index
    %swap3A_52 = vector.load %arg9[%swap3A_49, %swap3A_50, %swap3A_51] : memref<2x2000x128xf32, #tpu.memory_space<vmem>>, vector<1x2000x128xf32>
    %swap3A_53 = vector.shape_cast %swap3A_52 : vector<1x2000x128xf32> to vector<2000x128xf32>
    %swap3A_54 = vector.shape_cast %slice3A_48 : vector<2000x128xf32> to vector<1x2000x128xf32>
    tpu.vector_store %arg9[%swap3A_49, %swap3A_50, %swap3A_51], %swap3A_54 {strides = array<i32>} : memref<2x2000x128xf32, #tpu.memory_space<vmem>>, vector<1x2000x128xf32>,
    return
  }
  func.func @transform_0(%arg0: i32) -> (i32, i32) {
    %c0_i32 = arith.constant 0 : i32
    %c0_i32_0 = arith.constant 0 : i32
    return %arg0, %c0_i32 : i32, i32
  }
  func.func @transform_1(%arg0: i32) -> (i32, i32) {
    %c0_i32 = arith.constant 0 : i32
    %c0_i32_0 = arith.constant 0 : i32
    %c0_i32_1 = arith.constant 0 : i32
    return %c0_i32, %c0_i32_0 : i32, i32
  }
  func.func @transform_2(%arg0: i32) -> (i32, i32) {
    %c0_i32 = arith.constant 0 : i32
    %c0_i32_0 = arith.constant 0 : i32
    %c0_i32_1 = arith.constant 0 : i32
    return %c0_i32, %c0_i32_0 : i32, i32
  }
  func.func @transform_3(%arg0: i32) -> (i32, i32) {
    %c0_i32 = arith.constant 0 : i32
    %c0_i32_0 = arith.constant 0 : i32
    %c0_i32_1 = arith.constant 0 : i32
    return %c0_i32, %c0_i32_0 : i32, i32
  }
  func.func @transform_4(%arg0: i32) -> (i32, i32) {
    %c0_i32 = arith.constant 0 : i32
    %c0_i32_0 = arith.constant 0 : i32
    %c0_i32_1 = arith.constant 0 : i32
    return %c0_i32, %c0_i32_0 : i32, i32
  }
  func.func @transform_5(%arg0: i32) -> (i32, i32) {
    %c0_i32 = arith.constant 0 : i32
    %c0_i32_0 = arith.constant 0 : i32
    %c0_i32_1 = arith.constant 0 : i32
    return %c0_i32, %c0_i32_0 : i32, i32
  }
  func.func @transform_6(%arg0: i32) -> (i32, i32) {
    %c0_i32 = arith.constant 0 : i32
    %c0_i32_0 = arith.constant 0 : i32
    %c0_i32_1 = arith.constant 0 : i32
    return %c0_i32, %c0_i32_0 : i32, i32
  }
  func.func @transform_7(%arg0: i32) -> (i32, i32) {
    %c0_i32 = arith.constant 0 : i32
    %c0_i32_0 = arith.constant 0 : i32
    return %arg0, %c0_i32 : i32, i32
  }
  func.func @transform_8(%arg0: i32) -> (i32, i32, i32) {
    %c0_i32 = arith.constant 0 : i32
    %c0_i32_0 = arith.constant 0 : i32
    %c0_i32_1 = arith.constant 0 : i32
    return %c0_i32, %arg0, %c0_i32_0 : i32, i32, i32
  }
}

module attributes {stable_mosaic.version = 14 : i64} {
  func.func @_z2_body(%arg0: i32, %arg1: memref<2000x256xf32, #tpu.memory_space<vmem>>, %arg2: memref<2000x128xf32, #tpu.memory_space<vmem>>, %arg3: memref<2000x128xf32, #tpu.memory_space<vmem>>, %arg4: memref<2000x1xf32, #tpu.memory_space<vmem>>, %arg5: memref<2000x1xf32, #tpu.memory_space<vmem>>, %arg6: memref<1x256xf32, #tpu.memory_space<vmem>>, %arg7: memref<2000x256xf32, #tpu.memory_space<vmem>>, %arg8: memref<1x256xf32, #tpu.memory_space<vmem>>, %arg9: memref<1x256xf32, #tpu.memory_space<vmem>>) attributes {dimension_semantics = [#tpu.dimension_semantics<arbitrary>], iteration_bounds = array<i64: 5>, scalar_prefetch = 0 : i64, scratch_operands = 0 : i64, tpu.core_type = #tpu.core_type<tc>, window_params = [{transform_indices = @transform_0, window_bounds = array<i64: 2000, 256>}, {transform_indices = @transform_1, window_bounds = array<i64: 2000, 128>}, {transform_indices = @transform_2, window_bounds = array<i64: 2000, 128>}, {transform_indices = @transform_3, window_bounds = array<i64: 2000, 1>}, {transform_indices = @transform_4, window_bounds = array<i64: 2000, 1>}, {pipeline_mode = #tpu.pipeline_mode<synchronous>, transform_indices = @transform_5, window_bounds = array<i64: 1, 256>}, {transform_indices = @transform_6, window_bounds = array<i64: 2000, 256>}, {pipeline_mode = #tpu.pipeline_mode<synchronous>, transform_indices = @transform_7, window_bounds = array<i64: 1, 256>}, {pipeline_mode = #tpu.pipeline_mode<synchronous>, transform_indices = @transform_8, window_bounds = array<i64: 1, 256>}]} {
    %get3A = arith.constant 0 : index
    %get3A_0 = arith.constant 0 : index
    %get3A_1 = vector.load %arg2[%get3A, %get3A_0] : memref<2000x128xf32, #tpu.memory_space<vmem>>, vector<2000x128xf32>
    %get3A_2 = arith.constant 0 : index
    %get3A_3 = arith.constant 0 : index
    %get3A_4 = vector.load %arg3[%get3A_2, %get3A_3] : memref<2000x128xf32, #tpu.memory_space<vmem>>, vector<2000x128xf32>
    %concatenate3A = tpu.concatenate %get3A_1, %get3A_4 in 1 : vector<2000x128xf32>, vector<2000x128xf32> -> vector<2000x256xf32>
    %get3A_5 = arith.constant 0 : index
    %get3A_6 = arith.constant 0 : index
    %get3A_7 = vector.load %arg4[%get3A_5, %get3A_6] : memref<2000x1xf32, #tpu.memory_space<vmem>>, vector<2000x1xf32>
    %get3A_8 = arith.constant 0 : index
    %get3A_9 = arith.constant 0 : index
    %get3A_10 = vector.load %arg5[%get3A_8, %get3A_9] : memref<2000x1xf32, #tpu.memory_space<vmem>>, vector<2000x1xf32>
    %add3A = arith.addf %get3A_7, %get3A_10 : vector<2000x1xf32>
    %max3A = arith.constant 1.000000e+00 : f32
    %max3A_11 = vector.broadcast %max3A : f32 to vector<2000x1xf32>
    %max3A_12 = arith.maximumf %add3A, %max3A_11 : vector<2000x1xf32>
    %div3A = arith.constant 1.000000e+00 : f32
    %div3A_13 = vector.broadcast %div3A : f32 to vector<2000x1xf32>
    %div3A_14 = arith.divf %div3A_13, %max3A_12 : vector<2000x1xf32>
    %get3A_15 = arith.constant 0 : index
    %get3A_16 = arith.constant 0 : index
    %get3A_17 = vector.load %arg1[%get3A_15, %get3A_16] : memref<2000x256xf32, #tpu.memory_space<vmem>>, vector<2000x256xf32>
    %mul3A = vector.broadcast %div3A_14 : vector<2000x1xf32> to vector<2000x256xf32>
    %mul3A_18 = arith.mulf %concatenate3A, %mul3A : vector<2000x256xf32>
    %add3A_19 = arith.addf %get3A_17, %mul3A_18 : vector<2000x256xf32>
    %get3A_20 = arith.constant 0 : index
    %get3A_21 = arith.constant 0 : index
    %get3A_22 = vector.load %arg6[%get3A_20, %get3A_21] : memref<1x256xf32, #tpu.memory_space<vmem>>, vector<1x256xf32>
    %add3A_23 = vector.broadcast %get3A_22 : vector<1x256xf32> to vector<2000x256xf32>
    %add3A_24 = arith.addf %add3A_19, %add3A_23 : vector<2000x256xf32>
    %swap3A = arith.constant 0 : index
    %swap3A_25 = arith.constant 0 : index
    %swap3A_26 = vector.load %arg7[%swap3A, %swap3A_25] : memref<2000x256xf32, #tpu.memory_space<vmem>>, vector<2000x256xf32>
    tpu.vector_store %arg7[%swap3A, %swap3A_25], %add3A_24 {strides = array<i32>} : memref<2000x256xf32, #tpu.memory_space<vmem>>, vector<2000x256xf32>,
    %reduce_sum3A = arith.constant dense<0.000000e+00> : vector<256xf32>
    %reduce_sum3A_27 = vector.multi_reduction <add>, %add3A_24, %reduce_sum3A [0] : vector<2000x256xf32> to vector<256xf32>
    %broadcast_in_dim3A = vector.shape_cast %reduce_sum3A_27 : vector<256xf32> to vector<1x256xf32>
    %mul3A_28 = arith.mulf %add3A_24, %add3A_24 : vector<2000x256xf32>
    %reduce_sum3A_29 = arith.constant dense<0.000000e+00> : vector<256xf32>
    %reduce_sum3A_30 = vector.multi_reduction <add>, %mul3A_28, %reduce_sum3A_29 [0] : vector<2000x256xf32> to vector<256xf32>
    %broadcast_in_dim3A_31 = vector.shape_cast %reduce_sum3A_30 : vector<256xf32> to vector<1x256xf32>
    %eq3A = arith.constant 0 : i32
    %eq3A_32 = arith.cmpi eq, %arg0, %eq3A : i32
    %convert_element_type3A = arith.extui %eq3A_32 : i1 to i32
    %cond3A = arith.constant 0 : i32
    %cond3A_33 = arith.cmpi ne, %convert_element_type3A, %cond3A : i32
    scf.if %cond3A_33 {
      %swap3A_38 = arith.constant 0 : index
      %swap3A_39 = arith.constant 0 : index
      %swap3A_40 = vector.load %arg8[%swap3A_38, %swap3A_39] : memref<1x256xf32, #tpu.memory_space<vmem>>, vector<1x256xf32>
      tpu.vector_store %arg8[%swap3A_38, %swap3A_39], %broadcast_in_dim3A {strides = array<i32>} : memref<1x256xf32, #tpu.memory_space<vmem>>, vector<1x256xf32>,
      %swap3A_41 = arith.constant 0 : index
      %swap3A_42 = arith.constant 0 : index
      %swap3A_43 = vector.load %arg9[%swap3A_41, %swap3A_42] : memref<1x256xf32, #tpu.memory_space<vmem>>, vector<1x256xf32>
      tpu.vector_store %arg9[%swap3A_41, %swap3A_42], %broadcast_in_dim3A_31 {strides = array<i32>} : memref<1x256xf32, #tpu.memory_space<vmem>>, vector<1x256xf32>,
    } else {
    }
    %ne3A = arith.constant 0 : i32
    %ne3A_34 = arith.cmpi ne, %arg0, %ne3A : i32
    %convert_element_type3A_35 = arith.extui %ne3A_34 : i1 to i32
    %cond3A_36 = arith.constant 0 : i32
    %cond3A_37 = arith.cmpi ne, %convert_element_type3A_35, %cond3A_36 : i32
    scf.if %cond3A_37 {
      %get3A_38 = arith.constant 0 : index
      %get3A_39 = arith.constant 0 : index
      %get3A_40 = vector.load %arg8[%get3A_38, %get3A_39] : memref<1x256xf32, #tpu.memory_space<vmem>>, vector<1x256xf32>
      %add3A_41 = arith.addf %get3A_40, %broadcast_in_dim3A : vector<1x256xf32>
      %swap3A_42 = arith.constant 0 : index
      %swap3A_43 = arith.constant 0 : index
      %swap3A_44 = vector.load %arg8[%swap3A_42, %swap3A_43] : memref<1x256xf32, #tpu.memory_space<vmem>>, vector<1x256xf32>
      tpu.vector_store %arg8[%swap3A_42, %swap3A_43], %add3A_41 {strides = array<i32>} : memref<1x256xf32, #tpu.memory_space<vmem>>, vector<1x256xf32>,
      %get3A_45 = arith.constant 0 : index
      %get3A_46 = arith.constant 0 : index
      %get3A_47 = vector.load %arg9[%get3A_45, %get3A_46] : memref<1x256xf32, #tpu.memory_space<vmem>>, vector<1x256xf32>
      %add3A_48 = arith.addf %get3A_47, %broadcast_in_dim3A_31 : vector<1x256xf32>
      %swap3A_49 = arith.constant 0 : index
      %swap3A_50 = arith.constant 0 : index
      %swap3A_51 = vector.load %arg9[%swap3A_49, %swap3A_50] : memref<1x256xf32, #tpu.memory_space<vmem>>, vector<1x256xf32>
      tpu.vector_store %arg9[%swap3A_49, %swap3A_50], %add3A_48 {strides = array<i32>} : memref<1x256xf32, #tpu.memory_space<vmem>>, vector<1x256xf32>,
    } else {
    }
    return
  }
  func.func @transform_0(%arg0: i32) -> (i32, i32) {
    %c0_i32 = arith.constant 0 : i32
    %c0_i32_0 = arith.constant 0 : i32
    return %arg0, %c0_i32 : i32, i32
  }
  func.func @transform_1(%arg0: i32) -> (i32, i32) {
    %c0_i32 = arith.constant 0 : i32
    %c0_i32_0 = arith.constant 0 : i32
    return %arg0, %c0_i32 : i32, i32
  }
  func.func @transform_2(%arg0: i32) -> (i32, i32) {
    %c0_i32 = arith.constant 0 : i32
    %c0_i32_0 = arith.constant 0 : i32
    return %arg0, %c0_i32 : i32, i32
  }
  func.func @transform_3(%arg0: i32) -> (i32, i32) {
    %c0_i32 = arith.constant 0 : i32
    %c0_i32_0 = arith.constant 0 : i32
    return %arg0, %c0_i32 : i32, i32
  }
  func.func @transform_4(%arg0: i32) -> (i32, i32) {
    %c0_i32 = arith.constant 0 : i32
    %c0_i32_0 = arith.constant 0 : i32
    return %arg0, %c0_i32 : i32, i32
  }
  func.func @transform_5(%arg0: i32) -> (i32, i32) {
    %c0_i32 = arith.constant 0 : i32
    %c0_i32_0 = arith.constant 0 : i32
    %c0_i32_1 = arith.constant 0 : i32
    return %c0_i32, %c0_i32_0 : i32, i32
  }
  func.func @transform_6(%arg0: i32) -> (i32, i32) {
    %c0_i32 = arith.constant 0 : i32
    %c0_i32_0 = arith.constant 0 : i32
    return %arg0, %c0_i32 : i32, i32
  }
  func.func @transform_7(%arg0: i32) -> (i32, i32) {
    %c0_i32 = arith.constant 0 : i32
    %c0_i32_0 = arith.constant 0 : i32
    %c0_i32_1 = arith.constant 0 : i32
    return %c0_i32, %c0_i32_0 : i32, i32
  }
  func.func @transform_8(%arg0: i32) -> (i32, i32) {
    %c0_i32 = arith.constant 0 : i32
    %c0_i32_0 = arith.constant 0 : i32
    %c0_i32_1 = arith.constant 0 : i32
    return %c0_i32, %c0_i32_0 : i32, i32
  }
}

module attributes {stable_mosaic.version = 14 : i64} {
  func.func @_out_body(%arg0: i32, %arg1: memref<2000x256xf32, #tpu.memory_space<vmem>>, %arg2: memref<1x256xf32, #tpu.memory_space<vmem>>, %arg3: memref<1x256xf32, #tpu.memory_space<vmem>>, %arg4: memref<1x256xf32, #tpu.memory_space<vmem>>, %arg5: memref<1x256xf32, #tpu.memory_space<vmem>>, %arg6: memref<2000x256xf32, #tpu.memory_space<vmem>>, %arg7: memref<256x256xbf16, #tpu.memory_space<vmem>>, %arg8: memref<256x256xbf16, #tpu.memory_space<vmem>>, %arg9: memref<1x256xf32, #tpu.memory_space<vmem>>, %arg10: memref<256x128xbf16, #tpu.memory_space<vmem>>, %arg11: memref<1x128xf32, #tpu.memory_space<vmem>>, %arg12: memref<128x64xbf16, #tpu.memory_space<vmem>>, %arg13: memref<1x64xf32, #tpu.memory_space<vmem>>, %arg14: memref<2000x64xf32, #tpu.memory_space<vmem>>) attributes {dimension_semantics = [#tpu.dimension_semantics<arbitrary>], iteration_bounds = array<i64: 5>, scalar_prefetch = 0 : i64, scratch_operands = 0 : i64, tpu.core_type = #tpu.core_type<tc>, window_params = [{transform_indices = @transform_0, window_bounds = array<i64: 2000, 256>}, {pipeline_mode = #tpu.pipeline_mode<synchronous>, transform_indices = @transform_1, window_bounds = array<i64: 1, 256>}, {pipeline_mode = #tpu.pipeline_mode<synchronous>, transform_indices = @transform_2, window_bounds = array<i64: 1, 256>}, {pipeline_mode = #tpu.pipeline_mode<synchronous>, transform_indices = @transform_3, window_bounds = array<i64: 1, 256>}, {pipeline_mode = #tpu.pipeline_mode<synchronous>, transform_indices = @transform_4, window_bounds = array<i64: 1, 256>}, {transform_indices = @transform_5, window_bounds = array<i64: 2000, 256>}, {pipeline_mode = #tpu.pipeline_mode<synchronous>, transform_indices = @transform_6, window_bounds = array<i64: 256, 256>}, {pipeline_mode = #tpu.pipeline_mode<synchronous>, transform_indices = @transform_7, window_bounds = array<i64: 256, 256>}, {pipeline_mode = #tpu.pipeline_mode<synchronous>, transform_indices = @transform_8, window_bounds = array<i64: 1, 256>}, {pipeline_mode = #tpu.pipeline_mode<synchronous>, transform_indices = @transform_9, window_bounds = array<i64: 256, 128>}, {pipeline_mode = #tpu.pipeline_mode<synchronous>, transform_indices = @transform_10, window_bounds = array<i64: 1, 128>}, {pipeline_mode = #tpu.pipeline_mode<synchronous>, transform_indices = @transform_11, window_bounds = array<i64: 128, 64>}, {pipeline_mode = #tpu.pipeline_mode<synchronous>, transform_indices = @transform_12, window_bounds = array<i64: 1, 64>}, {transform_indices = @transform_13, window_bounds = array<i64: 2000, 64>}]} {
    %get3A = arith.constant 0 : index
    %get3A_0 = arith.constant 0 : index
    %get3A_1 = vector.load %arg2[%get3A, %get3A_0] : memref<1x256xf32, #tpu.memory_space<vmem>>, vector<1x256xf32>
    %mul3A = arith.constant 9.99999974E-5 : f32
    %mul3A_2 = vector.broadcast %mul3A : f32 to vector<1x256xf32>
    %mul3A_3 = arith.mulf %get3A_1, %mul3A_2 : vector<1x256xf32>
    %get3A_4 = arith.constant 0 : index
    %get3A_5 = arith.constant 0 : index
    %get3A_6 = vector.load %arg3[%get3A_4, %get3A_5] : memref<1x256xf32, #tpu.memory_space<vmem>>, vector<1x256xf32>
    %mul3A_7 = arith.constant 9.99999974E-5 : f32
    %mul3A_8 = vector.broadcast %mul3A_7 : f32 to vector<1x256xf32>
    %mul3A_9 = arith.mulf %get3A_6, %mul3A_8 : vector<1x256xf32>
    %mul3A_10 = arith.mulf %mul3A_3, %mul3A_3 : vector<1x256xf32>
    %sub3A = arith.subf %mul3A_9, %mul3A_10 : vector<1x256xf32>
    %get3A_11 = arith.constant 0 : index
    %get3A_12 = arith.constant 0 : index
    %get3A_13 = vector.load %arg1[%get3A_11, %get3A_12] : memref<2000x256xf32, #tpu.memory_space<vmem>>, vector<2000x256xf32>
    %sub3A_14 = vector.broadcast %mul3A_3 : vector<1x256xf32> to vector<2000x256xf32>
    %sub3A_15 = arith.subf %get3A_13, %sub3A_14 : vector<2000x256xf32>
    %get3A_16 = arith.constant 0 : index
    %get3A_17 = arith.constant 0 : index
    %get3A_18 = vector.load %arg4[%get3A_16, %get3A_17] : memref<1x256xf32, #tpu.memory_space<vmem>>, vector<1x256xf32>
    %add3A = arith.constant 9.99999974E-6 : f32
    %add3A_19 = vector.broadcast %add3A : f32 to vector<1x256xf32>
    %add3A_20 = arith.addf %sub3A, %add3A_19 : vector<1x256xf32>
    %rsqrt3A = math.rsqrt %add3A_20 : vector<1x256xf32>
    %mul3A_21 = arith.mulf %get3A_18, %rsqrt3A : vector<1x256xf32>
    %mul3A_22 = vector.broadcast %mul3A_21 : vector<1x256xf32> to vector<2000x256xf32>
    %mul3A_23 = arith.mulf %sub3A_15, %mul3A_22 : vector<2000x256xf32>
    %get3A_24 = arith.constant 0 : index
    %get3A_25 = arith.constant 0 : index
    %get3A_26 = vector.load %arg5[%get3A_24, %get3A_25] : memref<1x256xf32, #tpu.memory_space<vmem>>, vector<1x256xf32>
    %add3A_27 = vector.broadcast %get3A_26 : vector<1x256xf32> to vector<2000x256xf32>
    %add3A_28 = arith.addf %mul3A_23, %add3A_27 : vector<2000x256xf32>
    %max3A = arith.constant 0.000000e+00 : f32
    %max3A_29 = vector.broadcast %max3A : f32 to vector<2000x256xf32>
    %max3A_30 = arith.maximumf %add3A_28, %max3A_29 : vector<2000x256xf32>
    %get3A_31 = arith.constant 0 : index
    %get3A_32 = arith.constant 0 : index
    %get3A_33 = vector.load %arg6[%get3A_31, %get3A_32] : memref<2000x256xf32, #tpu.memory_space<vmem>>, vector<2000x256xf32>
    %convert_element_type3A = arith.truncf %get3A_33 : vector<2000x256xf32> to vector<2000x256xbf16>
    %get3A_34 = arith.constant 0 : index
    %get3A_35 = arith.constant 0 : index
    %get3A_36 = vector.load %arg7[%get3A_34, %get3A_35] : memref<256x256xbf16, #tpu.memory_space<vmem>>, vector<256x256xbf16>
    %dot_general3A = arith.constant dense<0.000000e+00> : vector<2000x256xf32>
    %dot_general3A_37 = tpu.matmul %convert_element_type3A, %get3A_36, %dot_general3A {dimension_numbers = #tpu.dot_dimension_numbers<[1], [0], [0], [1], [0, 0, 1, 1], [], []>, transpose_lhs_hint = false} : vector<2000x256xbf16>, vector<256x256xbf16>, vector<2000x256xf32> -> vector<2000x256xf32>
    %convert_element_type3A_38 = arith.truncf %max3A_30 : vector<2000x256xf32> to vector<2000x256xbf16>
    %get3A_39 = arith.constant 0 : index
    %get3A_40 = arith.constant 0 : index
    %get3A_41 = vector.load %arg8[%get3A_39, %get3A_40] : memref<256x256xbf16, #tpu.memory_space<vmem>>, vector<256x256xbf16>
    %dot_general3A_42 = arith.constant dense<0.000000e+00> : vector<2000x256xf32>
    %dot_general3A_43 = tpu.matmul %convert_element_type3A_38, %get3A_41, %dot_general3A_42 {dimension_numbers = #tpu.dot_dimension_numbers<[1], [0], [0], [1], [0, 0, 1, 1], [], []>, transpose_lhs_hint = false} : vector<2000x256xbf16>, vector<256x256xbf16>, vector<2000x256xf32> -> vector<2000x256xf32>
    %add3A_44 = arith.addf %dot_general3A_37, %dot_general3A_43 : vector<2000x256xf32>
    %get3A_45 = arith.constant 0 : index
    %get3A_46 = arith.constant 0 : index
    %get3A_47 = vector.load %arg9[%get3A_45, %get3A_46] : memref<1x256xf32, #tpu.memory_space<vmem>>, vector<1x256xf32>
    %add3A_48 = vector.broadcast %get3A_47 : vector<1x256xf32> to vector<2000x256xf32>
    %add3A_49 = arith.addf %add3A_44, %add3A_48 : vector<2000x256xf32>
    %max3A_50 = arith.constant 0.000000e+00 : f32
    %max3A_51 = vector.broadcast %max3A_50 : f32 to vector<2000x256xf32>
    %max3A_52 = arith.maximumf %add3A_49, %max3A_51 : vector<2000x256xf32>
    %convert_element_type3A_53 = arith.truncf %max3A_52 : vector<2000x256xf32> to vector<2000x256xbf16>
    %get3A_54 = arith.constant 0 : index
    %get3A_55 = arith.constant 0 : index
    %get3A_56 = vector.load %arg10[%get3A_54, %get3A_55] : memref<256x128xbf16, #tpu.memory_space<vmem>>, vector<256x128xbf16>
    %dot_general3A_57 = arith.constant dense<0.000000e+00> : vector<2000x128xf32>
    %dot_general3A_58 = tpu.matmul %convert_element_type3A_53, %get3A_56, %dot_general3A_57 {dimension_numbers = #tpu.dot_dimension_numbers<[1], [0], [0], [1], [0, 0, 1, 1], [], []>, transpose_lhs_hint = false} : vector<2000x256xbf16>, vector<256x128xbf16>, vector<2000x128xf32> -> vector<2000x128xf32>
    %get3A_59 = arith.constant 0 : index
    %get3A_60 = arith.constant 0 : index
    %get3A_61 = vector.load %arg11[%get3A_59, %get3A_60] : memref<1x128xf32, #tpu.memory_space<vmem>>, vector<1x128xf32>
    %add3A_62 = vector.broadcast %get3A_61 : vector<1x128xf32> to vector<2000x128xf32>
    %add3A_63 = arith.addf %dot_general3A_58, %add3A_62 : vector<2000x128xf32>
    %max3A_64 = arith.constant 0.000000e+00 : f32
    %max3A_65 = vector.broadcast %max3A_64 : f32 to vector<2000x128xf32>
    %max3A_66 = arith.maximumf %add3A_63, %max3A_65 : vector<2000x128xf32>
    %convert_element_type3A_67 = arith.truncf %max3A_66 : vector<2000x128xf32> to vector<2000x128xbf16>
    %get3A_68 = arith.constant 0 : index
    %get3A_69 = arith.constant 0 : index
    %get3A_70 = vector.load %arg12[%get3A_68, %get3A_69] : memref<128x64xbf16, #tpu.memory_space<vmem>>, vector<128x64xbf16>
    %dot_general3A_71 = arith.constant dense<0.000000e+00> : vector<2000x64xf32>
    %dot_general3A_72 = tpu.matmul %convert_element_type3A_67, %get3A_70, %dot_general3A_71 {dimension_numbers = #tpu.dot_dimension_numbers<[1], [0], [0], [1], [0, 0, 1, 1], [], []>, transpose_lhs_hint = false} : vector<2000x128xbf16>, vector<128x64xbf16>, vector<2000x64xf32> -> vector<2000x64xf32>
    %get3A_73 = arith.constant 0 : index
    %get3A_74 = arith.constant 0 : index
    %get3A_75 = vector.load %arg13[%get3A_73, %get3A_74] : memref<1x64xf32, #tpu.memory_space<vmem>>, vector<1x64xf32>
    %add3A_76 = vector.broadcast %get3A_75 : vector<1x64xf32> to vector<2000x64xf32>
    %add3A_77 = arith.addf %dot_general3A_72, %add3A_76 : vector<2000x64xf32>
    %swap3A = arith.constant 0 : index
    %swap3A_78 = arith.constant 0 : index
    %swap3A_79 = vector.load %arg14[%swap3A, %swap3A_78] : memref<2000x64xf32, #tpu.memory_space<vmem>>, vector<2000x64xf32>
    tpu.vector_store %arg14[%swap3A, %swap3A_78], %add3A_77 {strides = array<i32>} : memref<2000x64xf32, #tpu.memory_space<vmem>>, vector<2000x64xf32>,
    return
  }
  func.func @transform_0(%arg0: i32) -> (i32, i32) {
    %c0_i32 = arith.constant 0 : i32
    %c0_i32_0 = arith.constant 0 : i32
    return %arg0, %c0_i32 : i32, i32
  }
  func.func @transform_1(%arg0: i32) -> (i32, i32) {
    %c0_i32 = arith.constant 0 : i32
    %c0_i32_0 = arith.constant 0 : i32
    %c0_i32_1 = arith.constant 0 : i32
    return %c0_i32, %c0_i32_0 : i32, i32
  }
  func.func @transform_2(%arg0: i32) -> (i32, i32) {
    %c0_i32 = arith.constant 0 : i32
    %c0_i32_0 = arith.constant 0 : i32
    %c0_i32_1 = arith.constant 0 : i32
    return %c0_i32, %c0_i32_0 : i32, i32
  }
  func.func @transform_3(%arg0: i32) -> (i32, i32) {
    %c0_i32 = arith.constant 0 : i32
    %c0_i32_0 = arith.constant 0 : i32
    %c0_i32_1 = arith.constant 0 : i32
    return %c0_i32, %c0_i32_0 : i32, i32
  }
  func.func @transform_4(%arg0: i32) -> (i32, i32) {
    %c0_i32 = arith.constant 0 : i32
    %c0_i32_0 = arith.constant 0 : i32
    %c0_i32_1 = arith.constant 0 : i32
    return %c0_i32, %c0_i32_0 : i32, i32
  }
  func.func @transform_5(%arg0: i32) -> (i32, i32) {
    %c0_i32 = arith.constant 0 : i32
    %c0_i32_0 = arith.constant 0 : i32
    return %arg0, %c0_i32 : i32, i32
  }
  func.func @transform_6(%arg0: i32) -> (i32, i32) {
    %c0_i32 = arith.constant 0 : i32
    %c0_i32_0 = arith.constant 0 : i32
    %c0_i32_1 = arith.constant 0 : i32
    return %c0_i32, %c0_i32_0 : i32, i32
  }
  func.func @transform_7(%arg0: i32) -> (i32, i32) {
    %c0_i32 = arith.constant 0 : i32
    %c0_i32_0 = arith.constant 0 : i32
    %c0_i32_1 = arith.constant 0 : i32
    return %c0_i32, %c0_i32_0 : i32, i32
  }
  func.func @transform_8(%arg0: i32) -> (i32, i32) {
    %c0_i32 = arith.constant 0 : i32
    %c0_i32_0 = arith.constant 0 : i32
    %c0_i32_1 = arith.constant 0 : i32
    return %c0_i32, %c0_i32_0 : i32, i32
  }
  func.func @transform_9(%arg0: i32) -> (i32, i32) {
    %c0_i32 = arith.constant 0 : i32
    %c0_i32_0 = arith.constant 0 : i32
    %c0_i32_1 = arith.constant 0 : i32
    return %c0_i32, %c0_i32_0 : i32, i32
  }
  func.func @transform_10(%arg0: i32) -> (i32, i32) {
    %c0_i32 = arith.constant 0 : i32
    %c0_i32_0 = arith.constant 0 : i32
    %c0_i32_1 = arith.constant 0 : i32
    return %c0_i32, %c0_i32_0 : i32, i32
  }
  func.func @transform_11(%arg0: i32) -> (i32, i32) {
    %c0_i32 = arith.constant 0 : i32
    %c0_i32_0 = arith.constant 0 : i32
    %c0_i32_1 = arith.constant 0 : i32
    return %c0_i32, %c0_i32_0 : i32, i32
  }
  func.func @transform_12(%arg0: i32) -> (i32, i32) {
    %c0_i32 = arith.constant 0 : i32
    %c0_i32_0 = arith.constant 0 : i32
    %c0_i32_1 = arith.constant 0 : i32
    return %c0_i32, %c0_i32_0 : i32, i32
  }
  func.func @transform_13(%arg0: i32) -> (i32, i32) {
    %c0_i32 = arith.constant 0 : i32
    %c0_i32_0 = arith.constant 0 : i32
    return %arg0, %c0_i32 : i32, i32
  }
}

</mosaic_0001>

<sc_bundles>
// kernel: kernel.10.cloned.1.call-start
scs
__scs_entry_jumppad:
0x0: {  	(pc) =	sbr.rel $0x88, $3  }
0x1: {  	(tag) =	ssettag $0x0;
	lr =	simm.s32 $0x1  }
0x2: {  	[smem:$0x3F8C] =	sst lr;
	_ =	strace $0xD0000000  }
0x3: {  	_ = 	snop  }
0x4: {  	_ = 	snop  }
0x5: {  	_ = 	snop  }
0x6: {  	_ = 	snop  }
0x7: {  	_ = 	snop  }
__scs_overlays_trampoline_lowered:
0x8: {  	[smem:$0x3F9B] =	sst s0  }
0x9: {  	[smem:$0x3F9C] =	sst s1  }
0xa: {  	[smem:$0x3F9D] =	sst s2  }
0xb: {  	[smem:$0x3F9E] =	sst s3  }
0xc: {  	[smem:$0x3F9F] =	sst s4  }
0xd: {  	[smem:$0x3FA0] =	sst s5  }
0xe: {  	[smem:$0x3FA1] =	sst s6  }
0xf: {  	[smem:$0x3FA2] =	sst s7  }
0x10: {  	[smem:$0x3FA3] =	sst s8  }
0x11: {  	[smem:$0x3FA4] =	sst s9;
	s0 =	simm.s32 @!p0 $0x0  }
0x12: {  	s1 =	sld [smem:$0x3F8A];
	s0 =	simm.s32 @p0 $0x1  }
0x13: {  	[smem:$0x3FA5] =	sst s0;
	s0 =	simm.s32 @!p1 $0x0  }
0x14: {  	s2 =	sld [smem:$0x3F89];
	s0 =	simm.s32 @p1 $0x1  }
0x15: {  	[smem:$0x3FA6] =	sst s0;
	s0 =	simm.s32 @!p2 $0x0  }
0x16: {  	s3 =	sld [smem:$0x3FDB];
	s0 =	simm.s32 @p2 $0x1  }
0x17: {  	s4 =	simm.s32 $0x1BF5;
	[smem:$0x3FA8] =	sst s0  }
0x18: {  	s0 =	sld [smem:$0x3F8B];
	_ =	swait.ge [sflag:s4], $0x0  }
0x19: {  	s7 =	sld [smem:$0x3F8C]  }
0x1a: {  	s8 =	sadd.s32 $0xFFFFE003, lr  }
0x1b: {  	s9 =	sadd.s32 $0xFFFFFEF7, lr;
	s5 =	simm.s32 $0xFFFFFFFF;
	p2 =	slt.u32 s8, $0xFFFFF086  }
0x1c: {  	p1 =	slt.u32 s9, $0xF7A;
	s5 =	simm.s32 @!p2 $0x0  }
0x1d: {  	s5 =	simm.s32 @p1 $0x1;
	p0 =	seq.s32 s7, s2  }
0x1e: {  	s7 =	smul.u32 @!p0 $0xF7A, s2;
	p2 =	seq.s32 @!p0 s5, $0x0  }
0x1f: {  	s9 =	smul.u32 $0xF7A, s1;
	s8 =	simm.s32 @!p0 $0x1BF5;
	p2 =	por !p2, p0  }
0x20: {  	[sflag:s8] =	ssyncset.s32 @!p0 $0xFFFFF086;
	s6 =	sadd.s32 @!p0 s3, s7;
	s7 =	simm.s32 @!p0 $0x108  }
0x21: {  	s3 =	sadd.s32 s3, s9;
	s6 =	sadd.s32 @!p0 $0x88, s6;
	s7 =	simm.s32 @p2 $0x1082  }
0x22: {  	[simem:s7], [sflag:s8] =	dma.local @!p0 [hbm:s6], $0xF7A  }
0x23: {  	s9 =	sor.u32 $0xD0000000, s2;
	s6 =	simm.s32 $0x108;
	_ =	swait.ge @!p0 [sflag:s8], $0x0  }
0x24: {  	s3 =	sadd.s32 $0x88, s3;
	s6 =	simm.s32 @!p1 $0x1082;
	[sflag:s4] =	ssyncset.s32 $0xFFFFF086  }
0x25: {  	[simem:s6], [sflag:s4] =	dma.local [hbm:s3], $0xF7A  }
0x26: {  	[smem:$0x3F8C] =	sst s1;
	(tag) =	ssettag s2;
	_ =	strace s9  }
0x27: {  	s1 =	sld [smem:$0x3F9C]  }
0x28: {  	s2 =	sld [smem:$0x3F9D]  }
0x29: {  	s4 =	sld [smem:$0x3F9F]  }
0x2a: {  	p0 =	seq.s32 s5, $0x0;
	s5 =	sld [smem:$0x3FA0]  }
0x2b: {  	s6 =	sld [smem:$0x3FA1]  }
0x2c: {  	s7 =	sld [smem:$0x3FA2]  }
0x2d: {  	s3 =	simm.s32 $0x108;
	s8 =	sld [smem:$0x3FA3]  }
0x2e: {  	s3 =	simm.s32 @!p0 $0x1082;
	s9 =	sld [smem:$0x3FA4]  }
0x2f: {  	lr =	sadd.s32 s0, s3;
	s0 =	sld [smem:$0x3F9B]  }
0x30: {  	s3 =	sld [smem:$0x3F9E]  }
0x31: {  	[smem:$0x3FA7] =	sst s10  }
0x32: {  	s10 =	sld [smem:$0x3FA5];
	_ =	sdelay $0x3  }
0x33: {  	p0 =	seq.s32 s10, $0x1;
	s10 =	sld [smem:$0x3FA7];
	_ =	sdelay $0x3  }
0x34: {  	[smem:$0x3FA7] =	sst s10  }
0x35: {  	s10 =	sld [smem:$0x3FA6];
	_ =	sdelay $0x3  }
0x36: {  	p1 =	seq.s32 s10, $0x1;
	s10 =	sld [smem:$0x3FA7];
	_ =	sdelay $0x3  }
0x37: {  	[smem:$0x3FA7] =	sst s10  }
0x38: {  	s10 =	sld [smem:$0x3FA8]  }
0x39: {  	_ = 	snop;
	(pc) =	sbr.ind lr, $3  }
0x3a: {  	_ = 	snop  }
0x3b: {  	_ = 	snop  }
0x3c: {  	p2 =	seq.s32 s10, $0x1;
	s10 =	sld [smem:$0x3FA7]  }
0x3d: {  	_ =	shalt  }
0x3e: {  	_ =	shalt  }
0x3f: {  	_ =	shalt  }
0x40: {  	_ =	shalt  }
0x41: {  	_ =	shalt  }
0x42: {  	_ =	shalt  }
0x43: {  	_ =	shalt  }
0x44: {  	_ =	shalt  }
0x45: {  	_ =	shalt  }
0x46: {  	_ =	shalt  }
0x47: {  	_ =	shalt  }
0x48: {  	_ =	shalt  }
0x49: {  	_ =	shalt  }
0x4a: {  	_ =	shalt  }
0x4b: {  	_ =	shalt  }
0x4c: {  	_ =	shalt  }
0x4d: {  	_ =	shalt  }
0x4e: {  	_ =	shalt  }
0x4f: {  	_ =	shalt  }
0x50: {  	_ =	shalt  }
0x51: {  	_ =	shalt  }
0x52: {  	_ =	shalt  }
0x53: {  	_ =	shalt  }
0x54: {  	_ =	shalt  }
0x55: {  	_ =	shalt  }
0x56: {  	_ =	shalt  }
0x57: {  	_ =	shalt  }
0x58: {  	_ =	shalt  }
0x59: {  	_ =	shalt  }
0x5a: {  	_ =	shalt  }
0x5b: {  	_ =	shalt  }
0x5c: {  	_ =	shalt  }
0x5d: {  	_ =	shalt  }
0x5e: {  	_ =	shalt  }
0x5f: {  	_ =	shalt  }
0x60: {  	_ =	shalt  }
0x61: {  	_ =	shalt  }
0x62: {  	_ =	shalt  }
0x63: {  	_ =	shalt  }
0x64: {  	_ =	shalt  }
0x65: {  	_ =	shalt  }
0x66: {  	_ =	shalt  }
0x67: {  	_ =	shalt  }
0x68: {  	_ =	shalt  }
0x69: {  	_ =	shalt  }
0x6a: {  	_ =	shalt  }
0x6b: {  	_ =	shalt  }
0x6c: {  	_ =	shalt  }
0x6d: {  	_ =	shalt  }
0x6e: {  	_ =	shalt  }
0x6f: {  	_ =	shalt  }
0x70: {  	_ =	shalt  }
0x71: {  	_ =	shalt  }
0x72: {  	_ =	shalt  }
0x73: {  	_ =	shalt  }
0x74: {  	_ =	shalt  }
0x75: {  	_ =	shalt  }
0x76: {  	_ =	shalt  }
0x77: {  	_ =	shalt  }
0x78: {  	_ =	shalt  }
0x79: {  	_ =	shalt  }
0x7a: {  	_ =	shalt  }
0x7b: {  	_ =	shalt  }
0x7c: {  	_ =	shalt  }
0x7d: {  	_ =	shalt  }
0x7e: {  	_ =	shalt  }
0x7f: {  	_ =	shalt  }
0x80: {  	_ =	shalt  }
0x81: {  	_ =	shalt  }
0x82: {  	_ =	shalt  }
0x83: {  	_ =	shalt  }
0x84: {  	_ =	shalt  }
0x85: {  	_ =	shalt  }
0x86: {  	_ =	shalt  }
0x87: {  	_ =	shalt  }
.Lfunc_end0:
.L_simem_size_0:
called_computation_lowered:
.L_overlay_start_0:
0x88: {  	s2 =	sld [smem:$0x3FD9]  }
0x89: {  	s3 =	sld [smem:$0x3FFE];
	_ =	sdelay $0x1  }
0x8a: {  	s1 =	srdreg.scid  }
0x8b: {  	s0 =	sand.u32 $0x1, s1  }
0x8c: {  	s17 =	sshll.u32 s0, $0xA;
	s2 =	sadd.s32 s3, s2  }
0x8d: {  	s2 =	sadd.s32 s2, s17  }
0x8e: {  	[smem:$0x3FB3] =	sst s2  }
0x8f: {  	_ = 	snop  }
0x90: {  	(tm) =	ssettm $0x1  }
0x91: {  	s18 =	sld [smem:$0x3FFB];
	_ =	sdelay $0x3  }
0x92: {  	_ =	strace s18  }
0x93: {  	s2 =	sld [smem:$0x3FFC];
	_ =	sdelay $0x3  }
0x94: {  	_ =	strace s2  }
0x95: {  	s2 =	sld [smem:$0x3FFD];
	_ =	sdelay $0x3  }
0x96: {  	_ =	strace s2  }
0x97: {  	_ =	strace $0x8FFFFFFF  }
0x98: {  	s19 =	sld [smem:$0x3FDB];
	_ =	sdelay $0x1  }
0x99: {  	s20 =	simm.s32 $_scs_section_size  }
0x9a: {  	s4 =	simm.s32 $_size__tile_overlayer_lowered;
	s5 =	simm.s32 $_tile_overlayer_lowered  }
0x9b: {  	s6 =	simm.s32 $0x1BFF;
	s21 =	sshll.u32 s5, $0x1;
	s3 =	sadd.s32 s20, s19  }
0x9c: {  	s22 =	simm.s32 $0x0;
	s4 =	sshll.u32 s4, $0x1;
	s5 =	sadd.s32 s21, s3  }
0x9d: {  	[timem:s22], [sflag:s6] =	dma.local [hbm:s5], s4  }
0x9e: {  	_ =	swait.ge [sflag:s6], s4  }
0x9f: {  	s4 =	ssub.s32 $0x0, s4;
	[sflag:s6] =	ssyncset.done $0x0  }
0xa0: {  	[sflag:s6] =	ssyncadd.s32 s4;
	_ =	sdelay $0x1  }
0xa1: {  	s23 =	simm.s32 $0x1B8B  }
0xa2: {  	_ =	swait.ge [sflag:s23], $0x1  }
0xa3: {  	[sflag:s23] =	ssyncset.done $0x0  }
0xa4: {  	[sflag:s23] =	ssyncadd.s32 $0xFFFFFFFF  }
0xa5: {  	s4 =	sld [smem:$0x0]  }
0xa6: {  	s5 =	sand.u32 $0xFFFFFFFE, s1  }
0xa7: {  	p0 =	sne.s32 s1, s5  }
0xa8: {  	s5 =	sshll.u32 @p0 s5, $0xE  }
0xa9: {  	s5 =	sadd.s32 @p0 $0x11B8D, s5;
	s6 =	sshll.u32 @p0 s4, $0x11  }
0xaa: {  	s5 =	sor.u32 @p0 s6, s5  }
0xab: {  	[sflag:s5] =	ssyncadd.remote.s32 @p0 $0x1;
	_ =	sdelay $0x1  }
0xac: {  	s5 =	simm.s32 @p0 $0x1B8D  }
0xad: {  	_ =	swait.eq @p0 [sflag:s5], $0x1  }
0xae: {  	[sflag:s5] =	ssyncadd.s32 @p0 $0xFFFFFFFF  }
0xaf: {  	s6 =	sshll.u32 @!p0 s1, $0xE  }
0xb0: {  	s6 =	sor.u32 @!p0 $0x4000, s6;
	s5 =	simm.s32 @!p0 $0x1B8D  }
0xb1: {  	s4 =	sshll.u32 @!p0 s4, $0x11;
	s6 =	sadd.s32 @!p0 $0x11B8D, s6;
	_ =	swait.eq @!p0 [sflag:s5], $0x1  }
0xb2: {  	s4 =	sor.u32 @!p0 s4, s6;
	[sflag:s5] =	ssyncadd.s32 @!p0 $0xFFFFFFFF  }
0xb3: {  	s25 =	simm.s32 $0x1B8E;
	s24 =	sld [smem:$0x3FFE];
	[sflag:s4] =	ssyncadd.remote.s32 @!p0 $0x1  }
0xb4: {  	s26 =	simm.s32 $execute0_lowered;
	[smem:$0x3FD2] =	sst s25  }
0xb5: {  	s5 =	sshll.u32 s26, $0x1;
	_ =	strace $0x80000049;
	[dreg:$0x1] =	wrdreg $0xFFFFFFFF  }
0xb6: {  	s28 =	simm.s32 $_size_execute0_lowered;
	s3 =	sadd.s32 s3, s5;
	[dreg:$0x0] =	wrdreg $0x0  }
0xb7: {  	s5 =	sshll.u32 s28, $0x1;
	[dreg:$0x2] =	wrdreg s3  }
0xb8: {  	[dreg:$0x3] =	wrdreg s5  }
0xb9: {  	[dreg:$0x4] =	wrdreg $0xC0  }
0xba: {  	_ =	task [dreg:s22], $0x5FFFF  }
0xbb: {  	[dreg:$0x1] =	wrdreg $0xFFFFFFFF  }
0xbc: {  	[dreg:$0x0] =	wrdreg $0x60  }
0xbd: {  	[dreg:$0x2] =	wrdreg s24  }
0xbe: {  	[dreg:$0x3] =	wrdreg $0x0  }
0xbf: {  	[dreg:$0x4] =	wrdreg $0x9  }
0xc0: {  	_ =	task.clear_ibuf [dreg:s22], $0x5FFFF;
	_ =	strace $0x90000049  }
0xc1: {  	s29 =	simm.s32 $0x9;
	_ =	strace $0x8000004B  }
0xc2: {  	_ =	swait.ge [sflag:s29], $0x1  }
0xc3: {  	[sflag:s29] =	ssyncadd.s32 $0xFFFFFFFF  }
0xc4: {  	_ =	strace $0x9000004B  }
0xc5: {  	_ =	sfence  }
0xc6: {  	s30 =	sld [smem:$0x0];
	_ =	sdelay $0x2  }
0xc7: {  	s31 =	sshll.u32 s1, $0xD;
	s1 =	sshrl.u32 s1, $0x2  }
0xc8: {  	s4 =	sand.u32 $0x4000, s31;
	s1 =	sadd.s32 s1, s30  }
0xc9: {  	s0 =	sor.u32 s4, s0;
	s1 =	sshll.u32 s1, $0x11  }
0xca: {  	s0 =	sor.u32 s1, s0  }
0xcb: {  	s0 =	sadd.s32 $0x8F2B, s0  }
0xcc: {  	[sflag:s0] =	ssyncadd.remote.s32 $0x1  }
0xcd: {  	_ =	sfence.sel $0xFFFF  }
0xce: {  	[dreg:$0x0] =	wrdreg $0xFFFFFFFF;
	(pc) =	sbr.abs _section_cstart, $3  }
0xcf: {  	[dreg:$0x1] =	wrdreg $0xFFFFFFFF  }
0xd0: {  	_ =	task.clear_ibuf [dreg:s22], $0x2FFFF;
	_ =	strace $0x9FFFFFFF  }
0xd1: {  	(tm) =	ssettm $0x7FFFFFFF  }
tec
execute0_lowered:
.L_overlay_start_1:
0x0: {  	(tag) =	ssettag $0x1  }
0x1: {  	s0 =	rddreg [dreg:$0x0];
	s1 =	srdreg.scid  }
0x2: {  	s2 =	rddreg [dreg:$0x1];
	s11 =	stileid.u32  }
0x3: {  	s3 =	simm.s32 $0x0;
	s12 =	simm.s32 $0x15400;
	s13 =	simm.s32 $0x14000  }
0x4: {  	s14 =	simm.s32 $0x80;
	s21 =	simm.s32 $0x14C80;
	s22 =	simm.s32 $0x14D00  }
0x5: {  	s28 =	simm.s32 $0x14F80;
	s29 =	simm.s32 $0x15000;
	s30 =	simm.s32 $0x15080  }
0x6: {  	s31 =	simm.s32 $0x15100;
	s15 =	simm.s32 $0x15280;
	s16 =	simm.s32 $0x15300  }
0x7: {  	s17 =	simm.s32 $0x15380;
	s18 =	simm.s32 $0x1;
	s5 =	smul.u32 $0x280, s11  }
0x8: {  	s19 =	simm.s32 $0x0;
	s1 =	sand.u32 $0x1, s1;
	s6 =	smul.u32 $0x2800, s11  }
0x9: {  	[smem:$0x7FF] =	sst s3;
	s8 =	smul.u32 $0x50000, s11;
	s26 =	sshll.u32 s11, $0x6  }
0xa: {  	s11 =	simm.s32 $0x2;
	s4 =	smul.u32 $0x2800, s1;
	_ =	strace $0x8000004A  }
0xb: {  	s23 =	smul.u32 $0x28000, s1;
	s1 =	ssub.s32 $0x2, s1;
	s9 =	sadd.s32 s6, s0  }
0xc: {  	s24 =	sshrl.u32 s1, $0x1;
	s25 =	sshrl.u32 s8, $0x2;
	s4 =	sadd.s32 s5, s4  }
0xd: {  	s5 =	sadd.s32 s6, s23;
	s1 =	ssub.s32 s1, s24;
	s10 =	sadd.s32 s25, s2  }
0xe: {  	s6 =	sor.u32 $0x1C02, s26;
	s23 =	simm.s32 $0x14D80;
	s24 =	simm.s32 $0x14E00  }
0xf: {  	s25 =	simm.s32 $0x14E80;
	s26 =	simm.s32 $0x14F00;
	s7 =	sadd.s32 s4, s0  }
0x10: {  	s4 =	sadd.s32 $0x127800, s0;
	s0 =	sadd.s32 s5, s0;
	s5 =	sadd.s32 $0xAF800, s9  }
0x11: {  	s9 =	smax.u32 s1, $0x1;
	s10 =	sshrl.u32 s10, $0x3;
	s1 =	simm.s32 $0x15200  }
0x12: {  	s7 =	sadd.s32 $0x4400, s7;
	s8 =	sadd.s32 $0x128000, s0;
	s0 =	simm.s32 $0x15180  }
.LBB2_1:
0x13: {  	[spmem:s10], [sflag:s6] =	dma.local [hbm:s5], $0x2800  }
0x14: {  	_ =	swait.ge [sflag:s11], $0x2800  }
0x15: {  	[sflag:s11] =	ssyncset.done $0x0  }
0x16: {  	[sflag:s11] =	ssyncadd.s32 $0xFFFFD800  }
0x17: {  	[tilespmem:s12], [sflag:$0x2] =	stream.linear.gather [hbm4b:s4+s3], $0x4000, $0x38;
	[tilespmem:$0x19400] =	vst v63  }
0x18: {  	_ =	swait.ge [sflag:s11], $0x4000  }
0x19: {  	[sflag:s11] =	ssyncset.done $0x0  }
0x1a: {  	[sflag:s11] =	ssyncadd.s32 $0xFFFFC000  }
0x1b: {  	[tilespmem:s13], [sflag:$0x2] =	stream.linear.gather [hbm4b:s7+s3], $0x1400, $0x38;
	[tilespmem:$0x19400] =	vst v63  }
0x1c: {  	_ =	swait.ge [sflag:s11], $0x1400  }
0x1d: {  	[sflag:s11] =	ssyncset.done $0x0  }
0x1e: {  	[sflag:s11] =	ssyncadd.s32 $0xFFFFEC00  }
0x1f: {  	[bflag:$0x0] =	sbarrier.arrive $0xFFFF  }
0x20: {  	[spmem:s2] =	stream.indirect.scatter.add.f32 [tilespmem:s12], [sflag:$0x1], $0x80, s13, s14, $0xb8;
	[tilespmem:$0x19400] =	vst v63  }
0x21: {  	s20 =	simm.s32 $0x14080  }
0x22: {  	[spmem:s2] =	stream.indirect.scatter.add.f32 [tilespmem:s12], [sflag:$0x1], $0x80, s20, s14, $0xb8;
	[tilespmem:$0x19400] =	vst v63  }
0x23: {  	s20 =	simm.s32 $0x14100  }
0x24: {  	[spmem:s2] =	stream.indirect.scatter.add.f32 [tilespmem:s12], [sflag:$0x1], $0x80, s20, s14, $0xb8;
	[tilespmem:$0x19400] =	vst v63  }
0x25: {  	s20 =	simm.s32 $0x14180  }
0x26: {  	[spmem:s2] =	stream.indirect.scatter.add.f32 [tilespmem:s12], [sflag:$0x1], $0x80, s20, s14, $0xb8;
	[tilespmem:$0x19400] =	vst v63  }
0x27: {  	s20 =	simm.s32 $0x14200  }
0x28: {  	[spmem:s2] =	stream.indirect.scatter.add.f32 [tilespmem:s12], [sflag:$0x1], $0x80, s20, s14, $0xb8;
	[tilespmem:$0x19400] =	vst v63  }
0x29: {  	s20 =	simm.s32 $0x14280  }
0x2a: {  	[spmem:s2] =	stream.indirect.scatter.add.f32 [tilespmem:s12], [sflag:$0x1], $0x80, s20, s14, $0xb8;
	[tilespmem:$0x19400] =	vst v63  }
0x2b: {  	s20 =	simm.s32 $0x14300  }
0x2c: {  	[spmem:s2] =	stream.indirect.scatter.add.f32 [tilespmem:s12], [sflag:$0x1], $0x80, s20, s14, $0xb8;
	[tilespmem:$0x19400] =	vst v63  }
0x2d: {  	s20 =	simm.s32 $0x14380  }
0x2e: {  	[spmem:s2] =	stream.indirect.scatter.add.f32 [tilespmem:s12], [sflag:$0x1], $0x80, s20, s14, $0xb8;
	[tilespmem:$0x19400] =	vst v63  }
0x2f: {  	s20 =	simm.s32 $0x14400  }
0x30: {  	[spmem:s2] =	stream.indirect.scatter.add.f32 [tilespmem:s12], [sflag:$0x1], $0x80, s20, s14, $0xb8;
	[tilespmem:$0x19400] =	vst v63  }
0x31: {  	s20 =	simm.s32 $0x14480  }
0x32: {  	[spmem:s2] =	stream.indirect.scatter.add.f32 [tilespmem:s12], [sflag:$0x1], $0x80, s20, s14, $0xb8;
	[tilespmem:$0x19400] =	vst v63  }
0x33: {  	s20 =	simm.s32 $0x14500  }
0x34: {  	[spmem:s2] =	stream.indirect.scatter.add.f32 [tilespmem:s12], [sflag:$0x1], $0x80, s20, s14, $0xb8;
	[tilespmem:$0x19400] =	vst v63  }
0x35: {  	s20 =	simm.s32 $0x14580  }
0x36: {  	[spmem:s2] =	stream.indirect.scatter.add.f32 [tilespmem:s12], [sflag:$0x1], $0x80, s20, s14, $0xb8;
	[tilespmem:$0x19400] =	vst v63  }
0x37: {  	s20 =	simm.s32 $0x14600  }
0x38: {  	[spmem:s2] =	stream.indirect.scatter.add.f32 [tilespmem:s12], [sflag:$0x1], $0x80, s20, s14, $0xb8;
	[tilespmem:$0x19400] =	vst v63  }
0x39: {  	s20 =	simm.s32 $0x14680  }
0x3a: {  	[spmem:s2] =	stream.indirect.scatter.add.f32 [tilespmem:s12], [sflag:$0x1], $0x80, s20, s14, $0xb8;
	[tilespmem:$0x19400] =	vst v63  }
0x3b: {  	s20 =	simm.s32 $0x14700  }
0x3c: {  	[spmem:s2] =	stream.indirect.scatter.add.f32 [tilespmem:s12], [sflag:$0x1], $0x80, s20, s14, $0xb8;
	[tilespmem:$0x19400] =	vst v63  }
0x3d: {  	s20 =	simm.s32 $0x14780  }
0x3e: {  	[spmem:s2] =	stream.indirect.scatter.add.f32 [tilespmem:s12], [sflag:$0x1], $0x80, s20, s14, $0xb8;
	[tilespmem:$0x19400] =	vst v63  }
0x3f: {  	s20 =	simm.s32 $0x14800  }
0x40: {  	[spmem:s2] =	stream.indirect.scatter.add.f32 [tilespmem:s12], [sflag:$0x1], $0x80, s20, s14, $0xb8;
	[tilespmem:$0x19400] =	vst v63  }
0x41: {  	s20 =	simm.s32 $0x14880  }
0x42: {  	[spmem:s2] =	stream.indirect.scatter.add.f32 [tilespmem:s12], [sflag:$0x1], $0x80, s20, s14, $0xb8;
	[tilespmem:$0x19400] =	vst v63  }
0x43: {  	s20 =	simm.s32 $0x14900  }
0x44: {  	[spmem:s2] =	stream.indirect.scatter.add.f32 [tilespmem:s12], [sflag:$0x1], $0x80, s20, s14, $0xb8;
	[tilespmem:$0x19400] =	vst v63  }
0x45: {  	s20 =	simm.s32 $0x14980  }
0x46: {  	[spmem:s2] =	stream.indirect.scatter.add.f32 [tilespmem:s12], [sflag:$0x1], $0x80, s20, s14, $0xb8;
	[tilespmem:$0x19400] =	vst v63  }
0x47: {  	s20 =	simm.s32 $0x14A00  }
0x48: {  	[spmem:s2] =	stream.indirect.scatter.add.f32 [tilespmem:s12], [sflag:$0x1], $0x80, s20, s14, $0xb8;
	[tilespmem:$0x19400] =	vst v63  }
0x49: {  	s20 =	simm.s32 $0x14A80  }
0x4a: {  	[spmem:s2] =	stream.indirect.scatter.add.f32 [tilespmem:s12], [sflag:$0x1], $0x80, s20, s14, $0xb8;
	[tilespmem:$0x19400] =	vst v63  }
0x4b: {  	s20 =	simm.s32 $0x14B00  }
0x4c: {  	[spmem:s2] =	stream.indirect.scatter.add.f32 [tilespmem:s12], [sflag:$0x1], $0x80, s20, s14, $0xb8;
	[tilespmem:$0x19400] =	vst v63  }
0x4d: {  	s20 =	simm.s32 $0x14B80  }
0x4e: {  	[spmem:s2] =	stream.indirect.scatter.add.f32 [tilespmem:s12], [sflag:$0x1], $0x80, s20, s14, $0xb8;
	[tilespmem:$0x19400] =	vst v63  }
0x4f: {  	s20 =	simm.s32 $0x14C00  }
0x50: {  	[spmem:s2] =	stream.indirect.scatter.add.f32 [tilespmem:s12], [sflag:$0x1], $0x80, s20, s14, $0xb8;
	[tilespmem:$0x19400] =	vst v63  }
0x51: {  	_ = 	snop  }
0x52: {  	[spmem:s2] =	stream.indirect.scatter.add.f32 [tilespmem:s12], [sflag:$0x1], $0x80, s21, s14, $0xb8;
	[tilespmem:$0x19400] =	vst v63  }
0x53: {  	_ = 	snop  }
0x54: {  	[spmem:s2] =	stream.indirect.scatter.add.f32 [tilespmem:s12], [sflag:$0x1], $0x80, s22, s14, $0xb8;
	[tilespmem:$0x19400] =	vst v63  }
0x55: {  	_ = 	snop  }
0x56: {  	[spmem:s2] =	stream.indirect.scatter.add.f32 [tilespmem:s12], [sflag:$0x1], $0x80, s23, s14, $0xb8;
	[tilespmem:$0x19400] =	vst v63  }
0x57: {  	_ = 	snop  }
0x58: {  	[spmem:s2] =	stream.indirect.scatter.add.f32 [tilespmem:s12], [sflag:$0x1], $0x80, s24, s14, $0xb8;
	[tilespmem:$0x19400] =	vst v63  }
0x59: {  	_ = 	snop  }
0x5a: {  	[spmem:s2] =	stream.indirect.scatter.add.f32 [tilespmem:s12], [sflag:$0x1], $0x80, s25, s14, $0xb8;
	[tilespmem:$0x19400] =	vst v63  }
0x5b: {  	_ = 	snop  }
0x5c: {  	[spmem:s2] =	stream.indirect.scatter.add.f32 [tilespmem:s12], [sflag:$0x1], $0x80, s26, s14, $0xb8;
	[tilespmem:$0x19400] =	vst v63  }
0x5d: {  	_ = 	snop  }
0x5e: {  	[spmem:s2] =	stream.indirect.scatter.add.f32 [tilespmem:s12], [sflag:$0x1], $0x80, s28, s14, $0xb8;
	[tilespmem:$0x19400] =	vst v63  }
0x5f: {  	_ = 	snop  }
0x60: {  	[spmem:s2] =	stream.indirect.scatter.add.f32 [tilespmem:s12], [sflag:$0x1], $0x80, s29, s14, $0xb8;
	[tilespmem:$0x19400] =	vst v63  }
0x61: {  	_ = 	snop  }
0x62: {  	[spmem:s2] =	stream.indirect.scatter.add.f32 [tilespmem:s12], [sflag:$0x1], $0x80, s30, s14, $0xb8;
	[tilespmem:$0x19400] =	vst v63  }
0x63: {  	_ = 	snop  }
0x64: {  	[spmem:s2] =	stream.indirect.scatter.add.f32 [tilespmem:s12], [sflag:$0x1], $0x80, s31, s14, $0xb8;
	[tilespmem:$0x19400] =	vst v63  }
0x65: {  	_ = 	snop  }
0x66: {  	[spmem:s2] =	stream.indirect.scatter.add.f32 [tilespmem:s12], [sflag:$0x1], $0x80, s0, s14, $0xb8;
	[tilespmem:$0x19400] =	vst v63  }
0x67: {  	_ = 	snop  }
0x68: {  	[spmem:s2] =	stream.indirect.scatter.add.f32 [tilespmem:s12], [sflag:$0x1], $0x80, s1, s14, $0xb8;
	[tilespmem:$0x19400] =	vst v63  }
0x69: {  	_ = 	snop  }
0x6a: {  	[spmem:s2] =	stream.indirect.scatter.add.f32 [tilespmem:s12], [sflag:$0x1], $0x80, s15, s14, $0xb8;
	[tilespmem:$0x19400] =	vst v63  }
0x6b: {  	_ = 	snop  }
0x6c: {  	[spmem:s2] =	stream.indirect.scatter.add.f32 [tilespmem:s12], [sflag:$0x1], $0x80, s16, s14, $0xb8;
	[tilespmem:$0x19400] =	vst v63  }
0x6d: {  	_ = 	snop  }
0x6e: {  	[spmem:s2] =	stream.indirect.scatter.add.f32 [tilespmem:s12], [sflag:$0x1], $0x80, s17, s14, $0xb8;
	[tilespmem:$0x19400] =	vst v63  }
0x6f: {  	_ =	swait.ge [sflag:s18], $0x4000  }
0x70: {  	s20 =	simm.s32 $0x27;
	[sflag:s18] =	ssyncset.done $0x0  }
.LBB2_2:
0x71: {  	p0 =	sne.s32 s20, $0x1;
	s20 =	sadd.s32 $0xFFFFFFFF, s20;
	[sflag:s18] =	ssyncadd.s32 $0xFFFFC000  }
.Ltmp0:
0x72: {  	(pc) =	sbr.rel @p0 .LBB2_2-.Ltmp0, $3  }
0x73: {  	_ =	sdelay $0x1  }
0x74: {  	_ =	swait.ge [sflag:s18], $0x4000  }
0x75: {  	[sflag:s18] =	ssyncset.done $0x0  }
0x76: {  	s19 =	sadd.s32 $0x1, s19  }
0x77: {  	[sflag:s18] =	ssyncadd.s32 $0xFFFFC000;
	p0 =	sne.s32 s19, s9  }
.Ltmp1:
0x78: {  	[bflag:$0x0] =	sbarrier.arrive $0xFFFF;
	(pc) =	sbr.rel @p0 .LBB2_1-.Ltmp1, $4  }
0x79: {  	[hbm:s8], [sflag:s6] =	dma.local [spmem:s10], $0x2800  }
0x7a: {  	_ =	swait.ge [sflag:s11], $0x2800  }
0x7b: {  	[sflag:s11] =	ssyncset.done $0x0  }
0x7c: {  	[sflag:s11] =	ssyncadd.s32 $0xFFFFD800  }
0x7d: {  	_ =	sfence.sel $0x180000  }
0x7e: {  	[bflag:$0x0] =	sbarrier.arrive $0xFFFF  }
0x7f: {  	_ =	strace $0x9000004A  }
0x80: {  	s0 =	stileid.u32;
	[bflag:$0x2] =	sbarrier.arrive $0xFFFF  }
0x81: {  	p0 =	sne.s32 s0, $0x0;
	s0 =	rddreg [dreg:$0x2]  }
0x82: {  	s0 =	sadd.s32 @!p0 $0x100000, s0  }
0x83: {  	[sflag:s0] =	ssyncadd.tile.s32 @!p0 $0x1;
	_ =	shalt  }
.Lfunc_end2:
_tile_overlayer_lowered:
.L_overlay_start_2:
0x84: {  	(tag) =	ssettag $0x2  }
0x85: {  	s0 =	rddreg [dreg:$0x0];
	s2 =	stileid.u32  }
0x86: {  	s1 =	rddreg [dreg:$0x1];
	p0 =	sne.s32 s2, $0x0  }
0x87: {  	s3 =	rddreg [dreg:$0x2];
	[bflag:$0x3] =	sbarrier.arrive $0xFFFF;
	s2 =	simm.s32 @!p0 $0x1C02  }
0x88: {  	[timem:s3], [sflag:s2] =	dma.local @!p0 [hbm:s0], s1  }
0x89: {  	s0 =	simm.s32 @!p0 $0x2  }
0x8a: {  	_ =	swait.ge @!p0 [sflag:s0], s1  }
0x8b: {  	s1 =	ssub.s32 @!p0 $0x0, s1;
	[sflag:s0] =	ssyncset.done @!p0 $0x0  }
0x8c: {  	[sflag:s0] =	ssyncadd.s32 @!p0 s1  }
0x8d: {  	[bflag:$0x3] =	sbarrier.arrive $0xFFFF  }
0x8e: {  	_ =	shalt  }

// kernel: kernel.13.cloned.1.call-start
scs
__scs_entry_jumppad:
0x0: {  	(pc) =	sbr.rel $0x88, $3  }
0x1: {  	(tag) =	ssettag $0x0;
	lr =	simm.s32 $0x1  }
0x2: {  	[smem:$0x3F8C] =	sst lr;
	_ =	strace $0xD0000000  }
0x3: {  	_ = 	snop  }
0x4: {  	_ = 	snop  }
0x5: {  	_ = 	snop  }
0x6: {  	_ = 	snop  }
0x7: {  	_ = 	snop  }
__scs_overlays_trampoline_lowered:
0x8: {  	[smem:$0x3F9B] =	sst s0  }
0x9: {  	[smem:$0x3F9C] =	sst s1  }
0xa: {  	[smem:$0x3F9D] =	sst s2  }
0xb: {  	[smem:$0x3F9E] =	sst s3  }
0xc: {  	[smem:$0x3F9F] =	sst s4  }
0xd: {  	[smem:$0x3FA0] =	sst s5  }
0xe: {  	[smem:$0x3FA1] =	sst s6  }
0xf: {  	[smem:$0x3FA2] =	sst s7  }
0x10: {  	[smem:$0x3FA3] =	sst s8  }
0x11: {  	[smem:$0x3FA4] =	sst s9;
	s0 =	simm.s32 @!p0 $0x0  }
0x12: {  	s1 =	sld [smem:$0x3F8A];
	s0 =	simm.s32 @p0 $0x1  }
0x13: {  	[smem:$0x3FA5] =	sst s0;
	s0 =	simm.s32 @!p1 $0x0  }
0x14: {  	s2 =	sld [smem:$0x3F89];
	s0 =	simm.s32 @p1 $0x1  }
0x15: {  	[smem:$0x3FA6] =	sst s0;
	s0 =	simm.s32 @!p2 $0x0  }
0x16: {  	s3 =	sld [smem:$0x3FDB];
	s0 =	simm.s32 @p2 $0x1  }
0x17: {  	s4 =	simm.s32 $0x1BF5;
	[smem:$0x3FA8] =	sst s0  }
0x18: {  	s0 =	sld [smem:$0x3F8B];
	_ =	swait.ge [sflag:s4], $0x0  }
0x19: {  	s7 =	sld [smem:$0x3F8C]  }
0x1a: {  	s8 =	sadd.s32 $0xFFFFE003, lr  }
0x1b: {  	s9 =	sadd.s32 $0xFFFFFEF7, lr;
	s5 =	simm.s32 $0xFFFFFFFF;
	p2 =	slt.u32 s8, $0xFFFFF086  }
0x1c: {  	p1 =	slt.u32 s9, $0xF7A;
	s5 =	simm.s32 @!p2 $0x0  }
0x1d: {  	s5 =	simm.s32 @p1 $0x1;
	p0 =	seq.s32 s7, s2  }
0x1e: {  	s7 =	smul.u32 @!p0 $0xF7A, s2;
	p2 =	seq.s32 @!p0 s5, $0x0  }
0x1f: {  	s9 =	smul.u32 $0xF7A, s1;
	s8 =	simm.s32 @!p0 $0x1BF5;
	p2 =	por !p2, p0  }
0x20: {  	[sflag:s8] =	ssyncset.s32 @!p0 $0xFFFFF086;
	s6 =	sadd.s32 @!p0 s3, s7;
	s7 =	simm.s32 @!p0 $0x108  }
0x21: {  	s3 =	sadd.s32 s3, s9;
	s6 =	sadd.s32 @!p0 $0x88, s6;
	s7 =	simm.s32 @p2 $0x1082  }
0x22: {  	[simem:s7], [sflag:s8] =	dma.local @!p0 [hbm:s6], $0xF7A  }
0x23: {  	s9 =	sor.u32 $0xD0000000, s2;
	s6 =	simm.s32 $0x108;
	_ =	swait.ge @!p0 [sflag:s8], $0x0  }
0x24: {  	s3 =	sadd.s32 $0x88, s3;
	s6 =	simm.s32 @!p1 $0x1082;
	[sflag:s4] =	ssyncset.s32 $0xFFFFF086  }
0x25: {  	[simem:s6], [sflag:s4] =	dma.local [hbm:s3], $0xF7A  }
0x26: {  	[smem:$0x3F8C] =	sst s1;
	(tag) =	ssettag s2;
	_ =	strace s9  }
0x27: {  	s1 =	sld [smem:$0x3F9C]  }
0x28: {  	s2 =	sld [smem:$0x3F9D]  }
0x29: {  	s4 =	sld [smem:$0x3F9F]  }
0x2a: {  	p0 =	seq.s32 s5, $0x0;
	s5 =	sld [smem:$0x3FA0]  }
0x2b: {  	s6 =	sld [smem:$0x3FA1]  }
0x2c: {  	s7 =	sld [smem:$0x3FA2]  }
0x2d: {  	s3 =	simm.s32 $0x108;
	s8 =	sld [smem:$0x3FA3]  }
0x2e: {  	s3 =	simm.s32 @!p0 $0x1082;
	s9 =	sld [smem:$0x3FA4]  }
0x2f: {  	lr =	sadd.s32 s0, s3;
	s0 =	sld [smem:$0x3F9B]  }
0x30: {  	s3 =	sld [smem:$0x3F9E]  }
0x31: {  	[smem:$0x3FA7] =	sst s10  }
0x32: {  	s10 =	sld [smem:$0x3FA5];
	_ =	sdelay $0x3  }
0x33: {  	p0 =	seq.s32 s10, $0x1;
	s10 =	sld [smem:$0x3FA7];
	_ =	sdelay $0x3  }
0x34: {  	[smem:$0x3FA7] =	sst s10  }
0x35: {  	s10 =	sld [smem:$0x3FA6];
	_ =	sdelay $0x3  }
0x36: {  	p1 =	seq.s32 s10, $0x1;
	s10 =	sld [smem:$0x3FA7];
	_ =	sdelay $0x3  }
0x37: {  	[smem:$0x3FA7] =	sst s10  }
0x38: {  	s10 =	sld [smem:$0x3FA8]  }
0x39: {  	_ = 	snop;
	(pc) =	sbr.ind lr, $3  }
0x3a: {  	_ = 	snop  }
0x3b: {  	_ = 	snop  }
0x3c: {  	p2 =	seq.s32 s10, $0x1;
	s10 =	sld [smem:$0x3FA7]  }
0x3d: {  	_ =	shalt  }
0x3e: {  	_ =	shalt  }
0x3f: {  	_ =	shalt  }
0x40: {  	_ =	shalt  }
0x41: {  	_ =	shalt  }
0x42: {  	_ =	shalt  }
0x43: {  	_ =	shalt  }
0x44: {  	_ =	shalt  }
0x45: {  	_ =	shalt  }
0x46: {  	_ =	shalt  }
0x47: {  	_ =	shalt  }
0x48: {  	_ =	shalt  }
0x49: {  	_ =	shalt  }
0x4a: {  	_ =	shalt  }
0x4b: {  	_ =	shalt  }
0x4c: {  	_ =	shalt  }
0x4d: {  	_ =	shalt  }
0x4e: {  	_ =	shalt  }
0x4f: {  	_ =	shalt  }
0x50: {  	_ =	shalt  }
0x51: {  	_ =	shalt  }
0x52: {  	_ =	shalt  }
0x53: {  	_ =	shalt  }
0x54: {  	_ =	shalt  }
0x55: {  	_ =	shalt  }
0x56: {  	_ =	shalt  }
0x57: {  	_ =	shalt  }
0x58: {  	_ =	shalt  }
0x59: {  	_ =	shalt  }
0x5a: {  	_ =	shalt  }
0x5b: {  	_ =	shalt  }
0x5c: {  	_ =	shalt  }
0x5d: {  	_ =	shalt  }
0x5e: {  	_ =	shalt  }
0x5f: {  	_ =	shalt  }
0x60: {  	_ =	shalt  }
0x61: {  	_ =	shalt  }
0x62: {  	_ =	shalt  }
0x63: {  	_ =	shalt  }
0x64: {  	_ =	shalt  }
0x65: {  	_ =	shalt  }
0x66: {  	_ =	shalt  }
0x67: {  	_ =	shalt  }
0x68: {  	_ =	shalt  }
0x69: {  	_ =	shalt  }
0x6a: {  	_ =	shalt  }
0x6b: {  	_ =	shalt  }
0x6c: {  	_ =	shalt  }
0x6d: {  	_ =	shalt  }
0x6e: {  	_ =	shalt  }
0x6f: {  	_ =	shalt  }
0x70: {  	_ =	shalt  }
0x71: {  	_ =	shalt  }
0x72: {  	_ =	shalt  }
0x73: {  	_ =	shalt  }
0x74: {  	_ =	shalt  }
0x75: {  	_ =	shalt  }
0x76: {  	_ =	shalt  }
0x77: {  	_ =	shalt  }
0x78: {  	_ =	shalt  }
0x79: {  	_ =	shalt  }
0x7a: {  	_ =	shalt  }
0x7b: {  	_ =	shalt  }
0x7c: {  	_ =	shalt  }
0x7d: {  	_ =	shalt  }
0x7e: {  	_ =	shalt  }
0x7f: {  	_ =	shalt  }
0x80: {  	_ =	shalt  }
0x81: {  	_ =	shalt  }
0x82: {  	_ =	shalt  }
0x83: {  	_ =	shalt  }
0x84: {  	_ =	shalt  }
0x85: {  	_ =	shalt  }
0x86: {  	_ =	shalt  }
0x87: {  	_ =	shalt  }
.Lfunc_end0:
.L_simem_size_0:
called_computation.1_lowered:
.L_overlay_start_0:
0x88: {  	s2 =	sld [smem:$0x3FD9]  }
0x89: {  	s3 =	sld [smem:$0x3FFE];
	_ =	sdelay $0x1  }
0x8a: {  	s1 =	srdreg.scid  }
0x8b: {  	s0 =	sand.u32 $0x1, s1  }
0x8c: {  	s17 =	sshll.u32 s0, $0xA;
	s2 =	sadd.s32 s3, s2  }
0x8d: {  	s2 =	sadd.s32 s2, s17  }
0x8e: {  	[smem:$0x3FB3] =	sst s2  }
0x8f: {  	_ = 	snop  }
0x90: {  	s2 =	sld [smem:$0x3FD0];
	(tm) =	ssettm $0x1  }
0x91: {  	s18 =	sld [smem:$0x3FFB];
	_ =	sdelay $0x3  }
0x92: {  	_ =	strace s18  }
0x93: {  	s3 =	sld [smem:$0x3FFC];
	_ =	sdelay $0x3  }
0x94: {  	_ =	strace s3  }
0x95: {  	s3 =	sld [smem:$0x3FFD];
	_ =	sdelay $0x3  }
0x96: {  	_ =	strace s3  }
0x97: {  	_ =	strace $0x8FFFFFFF  }
0x98: {  	s19 =	sld [smem:$0x3FDB];
	_ =	sdelay $0x1  }
0x99: {  	s4 =	simm.s32 $_scs_section_size  }
0x9a: {  	s5 =	simm.s32 $_size__tile_overlayer_lowered;
	s6 =	simm.s32 $_tile_overlayer_lowered  }
0x9b: {  	s22 =	simm.s32 $0x1BFF;
	s21 =	sshll.u32 s6, $0x1;
	s3 =	sadd.s32 s4, s19  }
0x9c: {  	s7 =	simm.s32 $0x0;
	s20 =	sshll.u32 s5, $0x1;
	s5 =	sadd.s32 s21, s3  }
0x9d: {  	[timem:s7], [sflag:s22] =	dma.local [hbm:s5], s20  }
0x9e: {  	_ =	swait.ge [sflag:s22], s20  }
0x9f: {  	s4 =	ssub.s32 $0x0, s20;
	[sflag:s22] =	ssyncset.done $0x0  }
0xa0: {  	[sflag:s22] =	ssyncadd.s32 s4;
	_ =	sdelay $0x1  }
0xa1: {  	s23 =	simm.s32 $0x1B8B  }
0xa2: {  	_ =	swait.ge [sflag:s23], $0x1  }
0xa3: {  	[sflag:s23] =	ssyncset.done $0x0  }
0xa4: {  	s25 =	simm.s32 $0x1B8E;
	s24 =	sld [smem:$0x3FFE];
	[sflag:s23] =	ssyncadd.s32 $0xFFFFFFFF  }
0xa5: {  	s26 =	simm.s32 $execute0_lowered;
	[smem:$0x3FD2] =	sst s25  }
0xa6: {  	s5 =	sshll.u32 s26, $0x1;
	_ =	strace $0x80000046;
	[dreg:$0x1] =	wrdreg $0xFFFFFFFF  }
0xa7: {  	s28 =	simm.s32 $_size_execute0_lowered;
	s3 =	sadd.s32 s3, s5;
	[dreg:$0x0] =	wrdreg $0x0  }
0xa8: {  	s5 =	sshll.u32 s28, $0x1;
	[dreg:$0x2] =	wrdreg s3  }
0xa9: {  	[dreg:$0x3] =	wrdreg s5  }
0xaa: {  	[dreg:$0x4] =	wrdreg $0xC0  }
0xab: {  	_ =	task [dreg:s7], $0x5FFFF  }
0xac: {  	[dreg:$0x1] =	wrdreg $0xFFFFFFFF  }
0xad: {  	[dreg:$0x0] =	wrdreg $0x60  }
0xae: {  	[dreg:$0x2] =	wrdreg s24  }
0xaf: {  	[dreg:$0x3] =	wrdreg s2  }
0xb0: {  	[dreg:$0x4] =	wrdreg $0x0  }
0xb1: {  	[dreg:$0x5] =	wrdreg $0xA  }
0xb2: {  	_ =	task.clear_ibuf [dreg:s7], $0x6FFFF;
	_ =	strace $0x90000046  }
0xb3: {  	s29 =	simm.s32 $0xA;
	_ =	strace $0x80000048  }
0xb4: {  	_ =	swait.ge [sflag:s29], $0x1  }
0xb5: {  	[sflag:s29] =	ssyncadd.s32 $0xFFFFFFFF  }
0xb6: {  	_ =	strace $0x90000048  }
0xb7: {  	_ =	sfence  }
0xb8: {  	s30 =	sld [smem:$0x0];
	_ =	sdelay $0x2  }
0xb9: {  	s31 =	sshll.u32 s1, $0xD;
	s1 =	sshrl.u32 s1, $0x2  }
0xba: {  	s3 =	sand.u32 $0x4000, s31;
	s1 =	sadd.s32 s1, s30  }
0xbb: {  	s0 =	sor.u32 s3, s0;
	s1 =	sshll.u32 s1, $0x11  }
0xbc: {  	s0 =	sor.u32 s1, s0  }
0xbd: {  	s0 =	sadd.s32 $0x8F2B, s0  }
0xbe: {  	[sflag:s0] =	ssyncadd.remote.s32 $0x1  }
0xbf: {  	_ =	sfence.sel $0xFFFF  }
0xc0: {  	[dreg:$0x0] =	wrdreg $0xFFFFFFFF;
	(pc) =	sbr.abs _section_cstart, $3  }
0xc1: {  	[dreg:$0x1] =	wrdreg $0xFFFFFFFF  }
0xc2: {  	_ =	task.clear_ibuf [dreg:s7], $0x2FFFF;
	_ =	strace $0x9FFFFFFF  }
0xc3: {  	(tm) =	ssettm $0x7FFFFFFF  }
tec
execute0_lowered:
.L_overlay_start_1:
0x0: {  	(tag) =	ssettag $0x1  }
0x1: {  	s0 =	rddreg [dreg:$0x0]  }
0x2: {  	s2 =	rddreg [dreg:$0x1]  }
0x3: {  	s3 =	rddreg [dreg:$0x2]  }
0x4: {  	s4 =	stileid.u32;
	s1 =	srdreg.scid;
	s11 =	simm.s32 $0x0  }
0x5: {  	s13 =	simm.s32 $0x9;
	s14 =	simm.s32 $0x14000;
	s15 =	simm.s32 $0x15400  }
0x6: {  	s16 =	simm.s32 $0x40;
	s17 =	simm.s32 $0x16800;
	s18 =	simm.s32 $0x14080  }
0x7: {  	s19 =	simm.s32 $0x18800;
	s20 =	simm.s32 $0x14100;
	s21 =	simm.s32 $0x1A800  }
0x8: {  	s22 =	simm.s32 $0x1;
	s28 =	simm.s32 $0x3;
	s29 =	simm.s32 $0x6  }
0x9: {  	s30 =	simm.s32 $0x4;
	s31 =	simm.s32 $0x7;
	s7 =	smul.u32 $0x2800, s4  }
0xa: {  	s1 =	sand.u32 $0x1, s1;
	[smem:$0x7FF] =	sst s11;
	s5 =	sadd.s32 $0x13400, s0  }
0xb: {  	s6 =	sadd.s32 $0x9400, s0;
	s10 =	smul.u32 $0x50000, s4;
	s25 =	sshll.u32 s4, $0x6  }
0xc: {  	s8 =	smul.u32 $0x28000, s1;
	_ =	strace $0x80000047;
	s9 =	ssub.s32 $0x2, s1  }
0xd: {  	s1 =	smul.u32 $0x2710, s1;
	s12 =	sor.u32 $0x1C09, s25;
	s25 =	simm.s32 $0x2  }
0xe: {  	s23 =	sshrl.u32 s9, $0x1;
	s24 =	sshrl.u32 s10, $0x2;
	[dreg:$0x6] =	wrdreg s12  }
0xf: {  	s8 =	sadd.s32 s7, s8;
	s7 =	sadd.s32 s7, s0;
	s10 =	sadd.s32 s24, s3  }
0x10: {  	s24 =	simm.s32 $0x1C800;
	v0 =	vmov s1;
	s1 =	simm.s32 $0x16680;
	s0 =	sadd.s32 s8, s0  }
0x11: {  	s8 =	ssub.s32 s9, s23;
	s7 =	sadd.s32 $0xAF800, s7;
	s9 =	smul.u32 $0xA0, s4  }
0x12: {  	s23 =	simm.s32 $0x14180;
	[dreg:$0x5] =	wrdreg s7;
	s0 =	sadd.s32 $0xD7800, s0  }
0x13: {  	s26 =	smax.u32 s8, $0x1;
	s8 =	sshrl.u32 s10, $0x3;
	[dreg:$0x7] =	wrdreg s0  }
0x14: {  	s7 =	simm.s32 $0x16700;
	s10 =	simm.s32 $0x16780;
	[dreg:$0x8] =	wrdreg s26  }
0x15: {  	s26 =	simm.s32 $0x5;
	s0 =	simm.s32 $0x8;
	[dreg:$0x9] =	wrdreg s8  }
.LBB2_1:
0x16: {  	[dreg:$0x4] =	wrdreg s11  }
0x17: {  	s4 =	rddreg [dreg:$0x5]  }
0x18: {  	[spmem:s8], [sflag:s12] =	dma.local [hbm:s4], $0x2800  }
0x19: {  	_ =	swait.ge [sflag:s13], $0x2800  }
0x1a: {  	[sflag:s13] =	ssyncset.done $0x0  }
0x1b: {  	[sflag:s13] =	ssyncadd.s32 $0xFFFFD800  }
0x1c: {  	s11 =	simm.s32 $0x0;
	[bflag:$0x0] =	sbarrier.arrive $0xFFFF  }
.LBB2_2:
0x1d: {  	s8 =	smul.u32 $0x28, s11;
	_ =	sdelay $0x1  }
0x1e: {  	s8 =	sadd.s32 s9, s8  }
0x1f: {  	s8 =	sshll.u32 s8, $0x4  }
0x20: {  	s4 =	simm.s32 $0x0;
	s12 =	sadd.s32 s2, s8  }
0x21: {  	[tilespmem:s14], [sflag:$0x9] =	stream.linear.gather [hbm4b:s12+s4], $0x1400, $0x38;
	[tilespmem:$0x1E800] =	vst v63  }
0x22: {  	_ =	swait.ge [sflag:s13], $0x1400  }
0x23: {  	[sflag:s13] =	ssyncset.done $0x0  }
0x24: {  	s8 =	sadd.s32 s6, s8;
	[sflag:s13] =	ssyncadd.s32 $0xFFFFEC00  }
0x25: {  	[tilespmem:s15], [sflag:$0x9] =	stream.linear.gather [hbm4b:s8+s4], $0x1400, $0x38;
	[tilespmem:$0x1E800] =	vst v63  }
0x26: {  	_ =	swait.ge [sflag:s13], $0x1400  }
0x27: {  	[sflag:s13] =	ssyncset.done $0x0  }
0x28: {  	s8 =	simm.s32 $0x0;
	[sflag:s13] =	ssyncadd.s32 $0xFFFFEC00  }
0x29: {  	v3 =	vld [tilespmem:s8+$0x14000]  }
0x2a: {  	v2 =	vld [tilespmem:s8+$0x14010]  }
0x2b: {  	s12 =	simm.s32 $0x200;
	v1 =	vld [tilespmem:s8+$0x14020]  }
.LBB2_3:
0x2c: {  	p0 =	sne.s32 s12, $0x4E00;
	v4 =	vld [tilespmem:s8+$0x14030];
	_ =	sdelay $0x1  }
.Ltmp0:
0x2d: {  	v3 =	vadd.s32 v0, v3;
	(pc) =	sbr.rel @p0 .LBB2_3-.Ltmp0, $4  }
0x2e: {  	s4 =	sshra.s32 s12, $0x2;
	[tilespmem:s8+$0x14000] =	vst v3;
	v2 =	vadd.s32 v0, v2  }
0x2f: {  	v3 =	vld [tilespmem:s4+$0x14000];
	[tilespmem:s8+$0x14010] =	vst v2;
	v1 =	vadd.s32 v0, v1  }
0x30: {  	v2 =	vld [tilespmem:s4+$0x14010];
	[tilespmem:s8+$0x14020] =	vst v1;
	v4 =	vadd.s32 v0, v4  }
0x31: {  	s12 =	sadd.s32 $0x200, s12;
	v1 =	vld [tilespmem:s4+$0x14020];
	[tilespmem:s8+$0x14030] =	vst v4;
	s8 =	smov.u32 s4  }
0x32: {  	v4 =	vld [tilespmem:s8+$0x14030];
	_ =	sdelay $0x1  }
0x33: {  	v3 =	vadd.s32 v0, v3  }
0x34: {  	[tilespmem:s8+$0x14000] =	vst v3;
	v2 =	vadd.s32 v0, v2  }
0x35: {  	[tilespmem:s8+$0x14010] =	vst v2;
	v1 =	vadd.s32 v0, v1  }
0x36: {  	[tilespmem:s8+$0x14020] =	vst v1;
	v1 =	vadd.s32 v0, v4  }
0x37: {  	[tilespmem:s8+$0x14030] =	vst v1  }
0x38: {  	[tilespmem:s17], [sflag:$0x1] =	stream.indirect.gather [hbm4b:s5+s16], $0x80, s14, s16, $0xb8;
	[tilespmem:$0x1E800] =	vst v63  }
0x39: {  	_ = 	snop  }
0x3a: {  	[tilespmem:s19], [sflag:$0x2] =	stream.indirect.gather [hbm4b:s5+s16], $0x80, s18, s16, $0xb8;
	[tilespmem:$0x1E800] =	vst v63  }
0x3b: {  	_ = 	snop  }
0x3c: {  	[tilespmem:s21], [sflag:$0x3] =	stream.indirect.gather [hbm4b:s5+s16], $0x80, s20, s16, $0xb8;
	[tilespmem:$0x1E800] =	vst v63  }
0x3d: {  	_ =	swait.ge [sflag:s22], $0x2000  }
0x3e: {  	[sflag:s22] =	ssyncset.done $0x0  }
0x3f: {  	[sflag:s22] =	ssyncadd.s32 $0xFFFFE000  }
0x40: {  	[spmem:s3] =	stream.indirect.scatter.add.f32 [tilespmem:s17], [sflag:$0x5], $0x80, s15, s16, $0xb8;
	[tilespmem:$0x1E800] =	vst v63  }
0x41: {  	_ = 	snop  }
0x42: {  	[tilespmem:s24], [sflag:$0x4] =	stream.indirect.gather [hbm4b:s5+s16], $0x80, s23, s16, $0xb8;
	[tilespmem:$0x1E800] =	vst v63  }
0x43: {  	_ =	swait.ge [sflag:s25], $0x2000  }
0x44: {  	[sflag:s25] =	ssyncset.done $0x0  }
0x45: {  	[sflag:s25] =	ssyncadd.s32 $0xFFFFE000  }
0x46: {  	_ =	swait.ge [sflag:s26], $0x2000  }
0x47: {  	[sflag:s26] =	ssyncset.done $0x0  }
0x48: {  	s4 =	simm.s32 $0x14200;
	[sflag:s26] =	ssyncadd.s32 $0xFFFFE000  }
0x49: {  	[tilespmem:s17], [sflag:$0x1] =	stream.indirect.gather [hbm4b:s5+s16], $0x80, s4, s16, $0xb8;
	[tilespmem:$0x1E800] =	vst v63  }
0x4a: {  	s8 =	simm.s32 $0x15480  }
0x4b: {  	[spmem:s3] =	stream.indirect.scatter.add.f32 [tilespmem:s19], [sflag:$0x6], $0x80, s8, s16, $0xb8;
	[tilespmem:$0x1E800] =	vst v63  }
0x4c: {  	_ =	swait.ge [sflag:s28], $0x2000  }
0x4d: {  	[sflag:s28] =	ssyncset.done $0x0  }
0x4e: {  	[sflag:s28] =	ssyncadd.s32 $0xFFFFE000  }
0x4f: {  	_ =	swait.ge [sflag:s29], $0x2000  }
0x50: {  	[sflag:s29] =	ssyncset.done $0x0  }
0x51: {  	s12 =	simm.s32 $0x14280;
	[sflag:s29] =	ssyncadd.s32 $0xFFFFE000  }
0x52: {  	[tilespmem:s19], [sflag:$0x2] =	stream.indirect.gather [hbm4b:s5+s16], $0x80, s12, s16, $0xb8;
	[tilespmem:$0x1E800] =	vst v63  }
0x53: {  	s8 =	simm.s32 $0x15500  }
0x54: {  	[spmem:s3] =	stream.indirect.scatter.add.f32 [tilespmem:s21], [sflag:$0x7], $0x80, s8, s16, $0xb8;
	[tilespmem:$0x1E800] =	vst v63  }
0x55: {  	_ =	swait.ge [sflag:s30], $0x2000  }
0x56: {  	[sflag:s30] =	ssyncset.done $0x0  }
0x57: {  	[sflag:s30] =	ssyncadd.s32 $0xFFFFE000  }
0x58: {  	_ =	swait.ge [sflag:s31], $0x2000  }
0x59: {  	[sflag:s31] =	ssyncset.done $0x0  }
0x5a: {  	s12 =	simm.s32 $0x14300;
	[sflag:s31] =	ssyncadd.s32 $0xFFFFE000  }
0x5b: {  	[tilespmem:s21], [sflag:$0x3] =	stream.indirect.gather [hbm4b:s5+s16], $0x80, s12, s16, $0xb8;
	[tilespmem:$0x1E800] =	vst v63  }
0x5c: {  	s8 =	simm.s32 $0x15580  }
0x5d: {  	[spmem:s3] =	stream.indirect.scatter.add.f32 [tilespmem:s24], [sflag:$0x8], $0x80, s8, s16, $0xb8;
	[tilespmem:$0x1E800] =	vst v63  }
0x5e: {  	_ =	swait.ge [sflag:s22], $0x2000  }
0x5f: {  	[sflag:s22] =	ssyncset.done $0x0  }
0x60: {  	[sflag:s22] =	ssyncadd.s32 $0xFFFFE000  }
0x61: {  	_ =	swait.ge [sflag:s0], $0x2000  }
0x62: {  	[sflag:s0] =	ssyncset.done $0x0  }
0x63: {  	s12 =	simm.s32 $0x14380;
	[sflag:s0] =	ssyncadd.s32 $0xFFFFE000  }
0x64: {  	[tilespmem:s24], [sflag:$0x4] =	stream.indirect.gather [hbm4b:s5+s16], $0x80, s12, s16, $0xb8;
	[tilespmem:$0x1E800] =	vst v63  }
0x65: {  	s8 =	simm.s32 $0x800;
	s12 =	simm.s32 $0x15600  }
.LBB2_5:
0x66: {  	[spmem:s3] =	stream.indirect.scatter.add.f32 [tilespmem:s17], [sflag:$0x5], $0x80, s12, s16, $0xb8;
	[tilespmem:$0x1E800] =	vst v63  }
0x67: {  	s4 =	smov.u32 s8  }
0x68: {  	p0 =	sne.s32 s8, $0x4000;
	s8 =	sadd.s32 $0x800, s8;
	_ =	swait.ge [sflag:s25], $0x2000  }
0x69: {  	[sflag:s25] =	ssyncset.done $0x0  }
0x6a: {  	[sflag:s25] =	ssyncadd.s32 $0xFFFFE000  }
0x6b: {  	_ =	swait.ge [sflag:s26], $0x2000  }
0x6c: {  	s12 =	sshra.s32 s4, $0x2;
	[sflag:s26] =	ssyncset.done $0x0  }
0x6d: {  	s4 =	sadd.s32 $0x14200, s12;
	[sflag:s26] =	ssyncadd.s32 $0xFFFFE000  }
0x6e: {  	[tilespmem:s17], [sflag:$0x1] =	stream.indirect.gather [hbm4b:s5+s16], $0x80, s4, s16, $0xb8;
	[tilespmem:$0x1E800] =	vst v63  }
0x6f: {  	s4 =	sadd.s32 $0x15480, s12  }
0x70: {  	[spmem:s3] =	stream.indirect.scatter.add.f32 [tilespmem:s19], [sflag:$0x6], $0x80, s4, s16, $0xb8;
	[tilespmem:$0x1E800] =	vst v63  }
0x71: {  	_ =	swait.ge [sflag:s28], $0x2000  }
0x72: {  	[sflag:s28] =	ssyncset.done $0x0  }
0x73: {  	[sflag:s28] =	ssyncadd.s32 $0xFFFFE000  }
0x74: {  	_ =	swait.ge [sflag:s29], $0x2000  }
0x75: {  	[sflag:s29] =	ssyncset.done $0x0  }
0x76: {  	s4 =	sadd.s32 $0x14280, s12;
	[sflag:s29] =	ssyncadd.s32 $0xFFFFE000  }
0x77: {  	[tilespmem:s19], [sflag:$0x2] =	stream.indirect.gather [hbm4b:s5+s16], $0x80, s4, s16, $0xb8;
	[tilespmem:$0x1E800] =	vst v63  }
0x78: {  	s4 =	sadd.s32 $0x15500, s12  }
0x79: {  	[spmem:s3] =	stream.indirect.scatter.add.f32 [tilespmem:s21], [sflag:$0x7], $0x80, s4, s16, $0xb8;
	[tilespmem:$0x1E800] =	vst v63  }
0x7a: {  	_ =	swait.ge [sflag:s30], $0x2000  }
0x7b: {  	[sflag:s30] =	ssyncset.done $0x0  }
0x7c: {  	[sflag:s30] =	ssyncadd.s32 $0xFFFFE000  }
0x7d: {  	_ =	swait.ge [sflag:s31], $0x2000  }
0x7e: {  	[sflag:s31] =	ssyncset.done $0x0  }
0x7f: {  	s4 =	sadd.s32 $0x14300, s12;
	[sflag:s31] =	ssyncadd.s32 $0xFFFFE000  }
0x80: {  	[tilespmem:s21], [sflag:$0x3] =	stream.indirect.gather [hbm4b:s5+s16], $0x80, s4, s16, $0xb8;
	[tilespmem:$0x1E800] =	vst v63  }
0x81: {  	s4 =	sadd.s32 $0x15580, s12  }
0x82: {  	[spmem:s3] =	stream.indirect.scatter.add.f32 [tilespmem:s24], [sflag:$0x8], $0x80, s4, s16, $0xb8;
	[tilespmem:$0x1E800] =	vst v63  }
0x83: {  	_ =	swait.ge [sflag:s22], $0x2000  }
0x84: {  	[sflag:s22] =	ssyncset.done $0x0  }
0x85: {  	[sflag:s22] =	ssyncadd.s32 $0xFFFFE000  }
.Ltmp1:
0x86: {  	_ =	swait.ge [sflag:s0], $0x2000;
	(pc) =	sbr.rel @p0 .LBB2_5-.Ltmp1, $4  }
0x87: {  	[sflag:s0] =	ssyncset.done $0x0  }
0x88: {  	s4 =	sadd.s32 $0x14380, s12;
	[sflag:s0] =	ssyncadd.s32 $0xFFFFE000  }
0x89: {  	[tilespmem:s24], [sflag:$0x4] =	stream.indirect.gather [hbm4b:s5+s16], $0x80, s4, s16, $0xb8;
	[tilespmem:$0x1E800] =	vst v63  }
0x8a: {  	s12 =	sadd.s32 $0x15600, s12  }
0x8b: {  	[spmem:s3] =	stream.indirect.scatter.add.f32 [tilespmem:s17], [sflag:$0x5], $0x80, s12, s16, $0xb8;
	[tilespmem:$0x1E800] =	vst v63  }
0x8c: {  	_ =	swait.ge [sflag:s25], $0x2000  }
0x8d: {  	[sflag:s25] =	ssyncset.done $0x0  }
0x8e: {  	[sflag:s25] =	ssyncadd.s32 $0xFFFFE000  }
0x8f: {  	[spmem:s3] =	stream.indirect.scatter.add.f32 [tilespmem:s19], [sflag:$0x6], $0x80, s1, s16, $0xb8;
	[tilespmem:$0x1E800] =	vst v63  }
0x90: {  	_ =	swait.ge [sflag:s28], $0x2000  }
0x91: {  	[sflag:s28] =	ssyncset.done $0x0  }
0x92: {  	[sflag:s28] =	ssyncadd.s32 $0xFFFFE000  }
0x93: {  	[spmem:s3] =	stream.indirect.scatter.add.f32 [tilespmem:s21], [sflag:$0x7], $0x80, s7, s16, $0xb8;
	[tilespmem:$0x1E800] =	vst v63  }
0x94: {  	_ =	swait.ge [sflag:s30], $0x2000  }
0x95: {  	[sflag:s30] =	ssyncset.done $0x0  }
0x96: {  	[sflag:s30] =	ssyncadd.s32 $0xFFFFE000  }
0x97: {  	[spmem:s3] =	stream.indirect.scatter.add.f32 [tilespmem:s24], [sflag:$0x8], $0x80, s10, s16, $0xb8;
	[tilespmem:$0x1E800] =	vst v63  }
0x98: {  	_ =	swait.ge [sflag:s26], $0x2000  }
0x99: {  	[sflag:s26] =	ssyncset.done $0x0  }
0x9a: {  	[sflag:s26] =	ssyncadd.s32 $0xFFFFE000  }
0x9b: {  	_ =	swait.ge [sflag:s29], $0x2000  }
0x9c: {  	[sflag:s29] =	ssyncset.done $0x0  }
0x9d: {  	s11 =	sadd.s32 $0x1, s11;
	[sflag:s29] =	ssyncadd.s32 $0xFFFFE000  }
0x9e: {  	p0 =	sne.s32 s11, $0x4;
	_ =	swait.ge [sflag:s31], $0x2000  }
.Ltmp2:
0x9f: {  	[sflag:s31] =	ssyncset.done $0x0;
	(pc) =	sbr.rel @p0 .LBB2_2-.Ltmp2, $4  }
0xa0: {  	[sflag:s31] =	ssyncadd.s32 $0xFFFFE000  }
0xa1: {  	_ =	swait.ge [sflag:s0], $0x2000  }
0xa2: {  	[sflag:s0] =	ssyncset.done $0x0  }
0xa3: {  	[sflag:s0] =	ssyncadd.s32 $0xFFFFE000  }
0xa4: {  	[bflag:$0x0] =	sbarrier.arrive $0xFFFF  }
0xa5: {  	s12 =	rddreg [dreg:$0x6]  }
0xa6: {  	s4 =	rddreg [dreg:$0x7]  }
0xa7: {  	s8 =	rddreg [dreg:$0x9]  }
0xa8: {  	[hbm:s4], [sflag:s12] =	dma.local [spmem:s8], $0x2800  }
0xa9: {  	_ =	swait.ge [sflag:s13], $0x2800  }
0xaa: {  	s11 =	rddreg [dreg:$0x4]  }
0xab: {  	s4 =	rddreg [dreg:$0x8];
	s11 =	sadd.s32 $0x1, s11  }
0xac: {  	p0 =	sne.s32 s11, s4  }
.Ltmp3:
0xad: {  	_ = 	snop;
	(pc) =	sbr.rel @p0 .LBB2_1-.Ltmp3, $3  }
0xae: {  	_ =	sdelay $0x1  }
0xaf: {  	[sflag:s13] =	ssyncset.done $0x0  }
0xb0: {  	[sflag:s13] =	ssyncadd.s32 $0xFFFFD800  }
0xb1: {  	_ =	sfence.sel $0x180000  }
0xb2: {  	[bflag:$0x0] =	sbarrier.arrive $0xFFFF  }
0xb3: {  	_ =	strace $0x90000047  }
0xb4: {  	s0 =	stileid.u32;
	[bflag:$0x2] =	sbarrier.arrive $0xFFFF  }
0xb5: {  	p0 =	sne.s32 s0, $0x0;
	s0 =	rddreg [dreg:$0x3]  }
0xb6: {  	s0 =	sadd.s32 @!p0 $0x100000, s0  }
0xb7: {  	[sflag:s0] =	ssyncadd.tile.s32 @!p0 $0x1;
	_ =	shalt  }
.Lfunc_end2:
_tile_overlayer_lowered:
.L_overlay_start_2:
0xb8: {  	(tag) =	ssettag $0x2  }
0xb9: {  	s0 =	rddreg [dreg:$0x0];
	s2 =	stileid.u32  }
0xba: {  	s1 =	rddreg [dreg:$0x1];
	p0 =	sne.s32 s2, $0x0  }
0xbb: {  	s3 =	rddreg [dreg:$0x2];
	[bflag:$0x3] =	sbarrier.arrive $0xFFFF;
	s2 =	simm.s32 @!p0 $0x1C09  }
0xbc: {  	[timem:s3], [sflag:s2] =	dma.local @!p0 [hbm:s0], s1  }
0xbd: {  	s0 =	simm.s32 @!p0 $0x9  }
0xbe: {  	_ =	swait.ge @!p0 [sflag:s0], s1  }
0xbf: {  	s1 =	ssub.s32 @!p0 $0x0, s1;
	[sflag:s0] =	ssyncset.done @!p0 $0x0  }
0xc0: {  	[sflag:s0] =	ssyncadd.s32 @!p0 s1  }
0xc1: {  	[bflag:$0x3] =	sbarrier.arrive $0xFFFF  }
0xc2: {  	_ =	shalt  }

// kernel: kernel.16.cloned.1.call-start
scs
__scs_entry_jumppad:
0x0: {  	(pc) =	sbr.rel $0x88, $3  }
0x1: {  	(tag) =	ssettag $0x0;
	lr =	simm.s32 $0x1  }
0x2: {  	[smem:$0x3F8C] =	sst lr;
	_ =	strace $0xD0000000  }
0x3: {  	_ = 	snop  }
0x4: {  	_ = 	snop  }
0x5: {  	_ = 	snop  }
0x6: {  	_ = 	snop  }
0x7: {  	_ = 	snop  }
__scs_overlays_trampoline_lowered:
0x8: {  	[smem:$0x3F9B] =	sst s0  }
0x9: {  	[smem:$0x3F9C] =	sst s1  }
0xa: {  	[smem:$0x3F9D] =	sst s2  }
0xb: {  	[smem:$0x3F9E] =	sst s3  }
0xc: {  	[smem:$0x3F9F] =	sst s4  }
0xd: {  	[smem:$0x3FA0] =	sst s5  }
0xe: {  	[smem:$0x3FA1] =	sst s6  }
0xf: {  	[smem:$0x3FA2] =	sst s7  }
0x10: {  	[smem:$0x3FA3] =	sst s8  }
0x11: {  	[smem:$0x3FA4] =	sst s9;
	s0 =	simm.s32 @!p0 $0x0  }
0x12: {  	s1 =	sld [smem:$0x3F8A];
	s0 =	simm.s32 @p0 $0x1  }
0x13: {  	[smem:$0x3FA5] =	sst s0;
	s0 =	simm.s32 @!p1 $0x0  }
0x14: {  	s2 =	sld [smem:$0x3F89];
	s0 =	simm.s32 @p1 $0x1  }
0x15: {  	[smem:$0x3FA6] =	sst s0;
	s0 =	simm.s32 @!p2 $0x0  }
0x16: {  	s3 =	sld [smem:$0x3FDB];
	s0 =	simm.s32 @p2 $0x1  }
0x17: {  	s4 =	simm.s32 $0x1BF5;
	[smem:$0x3FA8] =	sst s0  }
0x18: {  	s0 =	sld [smem:$0x3F8B];
	_ =	swait.ge [sflag:s4], $0x0  }
0x19: {  	s7 =	sld [smem:$0x3F8C]  }
0x1a: {  	s8 =	sadd.s32 $0xFFFFE003, lr  }
0x1b: {  	s9 =	sadd.s32 $0xFFFFFEF7, lr;
	s5 =	simm.s32 $0xFFFFFFFF;
	p2 =	slt.u32 s8, $0xFFFFF086  }
0x1c: {  	p1 =	slt.u32 s9, $0xF7A;
	s5 =	simm.s32 @!p2 $0x0  }
0x1d: {  	s5 =	simm.s32 @p1 $0x1;
	p0 =	seq.s32 s7, s2  }
0x1e: {  	s7 =	smul.u32 @!p0 $0xF7A, s2;
	p2 =	seq.s32 @!p0 s5, $0x0  }
0x1f: {  	s9 =	smul.u32 $0xF7A, s1;
	s8 =	simm.s32 @!p0 $0x1BF5;
	p2 =	por !p2, p0  }
0x20: {  	[sflag:s8] =	ssyncset.s32 @!p0 $0xFFFFF086;
	s6 =	sadd.s32 @!p0 s3, s7;
	s7 =	simm.s32 @!p0 $0x108  }
0x21: {  	s3 =	sadd.s32 s3, s9;
	s6 =	sadd.s32 @!p0 $0x88, s6;
	s7 =	simm.s32 @p2 $0x1082  }
0x22: {  	[simem:s7], [sflag:s8] =	dma.local @!p0 [hbm:s6], $0xF7A  }
0x23: {  	s9 =	sor.u32 $0xD0000000, s2;
	s6 =	simm.s32 $0x108;
	_ =	swait.ge @!p0 [sflag:s8], $0x0  }
0x24: {  	s3 =	sadd.s32 $0x88, s3;
	s6 =	simm.s32 @!p1 $0x1082;
	[sflag:s4] =	ssyncset.s32 $0xFFFFF086  }
0x25: {  	[simem:s6], [sflag:s4] =	dma.local [hbm:s3], $0xF7A  }
0x26: {  	[smem:$0x3F8C] =	sst s1;
	(tag) =	ssettag s2;
	_ =	strace s9  }
0x27: {  	s1 =	sld [smem:$0x3F9C]  }
0x28: {  	s2 =	sld [smem:$0x3F9D]  }
0x29: {  	s4 =	sld [smem:$0x3F9F]  }
0x2a: {  	p0 =	seq.s32 s5, $0x0;
	s5 =	sld [smem:$0x3FA0]  }
0x2b: {  	s6 =	sld [smem:$0x3FA1]  }
0x2c: {  	s7 =	sld [smem:$0x3FA2]  }
0x2d: {  	s3 =	simm.s32 $0x108;
	s8 =	sld [smem:$0x3FA3]  }
0x2e: {  	s3 =	simm.s32 @!p0 $0x1082;
	s9 =	sld [smem:$0x3FA4]  }
0x2f: {  	lr =	sadd.s32 s0, s3;
	s0 =	sld [smem:$0x3F9B]  }
0x30: {  	s3 =	sld [smem:$0x3F9E]  }
0x31: {  	[smem:$0x3FA7] =	sst s10  }
0x32: {  	s10 =	sld [smem:$0x3FA5];
	_ =	sdelay $0x3  }
0x33: {  	p0 =	seq.s32 s10, $0x1;
	s10 =	sld [smem:$0x3FA7];
	_ =	sdelay $0x3  }
0x34: {  	[smem:$0x3FA7] =	sst s10  }
0x35: {  	s10 =	sld [smem:$0x3FA6];
	_ =	sdelay $0x3  }
0x36: {  	p1 =	seq.s32 s10, $0x1;
	s10 =	sld [smem:$0x3FA7];
	_ =	sdelay $0x3  }
0x37: {  	[smem:$0x3FA7] =	sst s10  }
0x38: {  	s10 =	sld [smem:$0x3FA8]  }
0x39: {  	_ = 	snop;
	(pc) =	sbr.ind lr, $3  }
0x3a: {  	_ = 	snop  }
0x3b: {  	_ = 	snop  }
0x3c: {  	p2 =	seq.s32 s10, $0x1;
	s10 =	sld [smem:$0x3FA7]  }
0x3d: {  	_ =	shalt  }
0x3e: {  	_ =	shalt  }
0x3f: {  	_ =	shalt  }
0x40: {  	_ =	shalt  }
0x41: {  	_ =	shalt  }
0x42: {  	_ =	shalt  }
0x43: {  	_ =	shalt  }
0x44: {  	_ =	shalt  }
0x45: {  	_ =	shalt  }
0x46: {  	_ =	shalt  }
0x47: {  	_ =	shalt  }
0x48: {  	_ =	shalt  }
0x49: {  	_ =	shalt  }
0x4a: {  	_ =	shalt  }
0x4b: {  	_ =	shalt  }
0x4c: {  	_ =	shalt  }
0x4d: {  	_ =	shalt  }
0x4e: {  	_ =	shalt  }
0x4f: {  	_ =	shalt  }
0x50: {  	_ =	shalt  }
0x51: {  	_ =	shalt  }
0x52: {  	_ =	shalt  }
0x53: {  	_ =	shalt  }
0x54: {  	_ =	shalt  }
0x55: {  	_ =	shalt  }
0x56: {  	_ =	shalt  }
0x57: {  	_ =	shalt  }
0x58: {  	_ =	shalt  }
0x59: {  	_ =	shalt  }
0x5a: {  	_ =	shalt  }
0x5b: {  	_ =	shalt  }
0x5c: {  	_ =	shalt  }
0x5d: {  	_ =	shalt  }
0x5e: {  	_ =	shalt  }
0x5f: {  	_ =	shalt  }
0x60: {  	_ =	shalt  }
0x61: {  	_ =	shalt  }
0x62: {  	_ =	shalt  }
0x63: {  	_ =	shalt  }
0x64: {  	_ =	shalt  }
0x65: {  	_ =	shalt  }
0x66: {  	_ =	shalt  }
0x67: {  	_ =	shalt  }
0x68: {  	_ =	shalt  }
0x69: {  	_ =	shalt  }
0x6a: {  	_ =	shalt  }
0x6b: {  	_ =	shalt  }
0x6c: {  	_ =	shalt  }
0x6d: {  	_ =	shalt  }
0x6e: {  	_ =	shalt  }
0x6f: {  	_ =	shalt  }
0x70: {  	_ =	shalt  }
0x71: {  	_ =	shalt  }
0x72: {  	_ =	shalt  }
0x73: {  	_ =	shalt  }
0x74: {  	_ =	shalt  }
0x75: {  	_ =	shalt  }
0x76: {  	_ =	shalt  }
0x77: {  	_ =	shalt  }
0x78: {  	_ =	shalt  }
0x79: {  	_ =	shalt  }
0x7a: {  	_ =	shalt  }
0x7b: {  	_ =	shalt  }
0x7c: {  	_ =	shalt  }
0x7d: {  	_ =	shalt  }
0x7e: {  	_ =	shalt  }
0x7f: {  	_ =	shalt  }
0x80: {  	_ =	shalt  }
0x81: {  	_ =	shalt  }
0x82: {  	_ =	shalt  }
0x83: {  	_ =	shalt  }
0x84: {  	_ =	shalt  }
0x85: {  	_ =	shalt  }
0x86: {  	_ =	shalt  }
0x87: {  	_ =	shalt  }
.Lfunc_end0:
.L_simem_size_0:
called_computation.2_lowered:
.L_overlay_start_0:
0x88: {  	s2 =	sld [smem:$0x3FD9]  }
0x89: {  	s3 =	sld [smem:$0x3FFE];
	_ =	sdelay $0x1  }
0x8a: {  	s1 =	srdreg.scid  }
0x8b: {  	s0 =	sand.u32 $0x1, s1  }
0x8c: {  	s17 =	sshll.u32 s0, $0xA;
	s2 =	sadd.s32 s3, s2  }
0x8d: {  	s2 =	sadd.s32 s2, s17  }
0x8e: {  	[smem:$0x3FB3] =	sst s2  }
0x8f: {  	_ = 	snop  }
0x90: {  	s2 =	sld [smem:$0x3FD0];
	(tm) =	ssettm $0x1  }
0x91: {  	s18 =	sld [smem:$0x3FFB];
	_ =	sdelay $0x3  }
0x92: {  	_ =	strace s18  }
0x93: {  	s3 =	sld [smem:$0x3FFC];
	_ =	sdelay $0x3  }
0x94: {  	_ =	strace s3  }
0x95: {  	s3 =	sld [smem:$0x3FFD];
	_ =	sdelay $0x3  }
0x96: {  	_ =	strace s3  }
0x97: {  	_ =	strace $0x8FFFFFFF  }
0x98: {  	s19 =	sld [smem:$0x3FDB];
	_ =	sdelay $0x1  }
0x99: {  	s4 =	simm.s32 $_scs_section_size  }
0x9a: {  	s5 =	simm.s32 $_size__tile_overlayer_lowered;
	s6 =	simm.s32 $_tile_overlayer_lowered  }
0x9b: {  	s22 =	simm.s32 $0x1BFF;
	s21 =	sshll.u32 s6, $0x1;
	s3 =	sadd.s32 s4, s19  }
0x9c: {  	s7 =	simm.s32 $0x0;
	s20 =	sshll.u32 s5, $0x1;
	s5 =	sadd.s32 s21, s3  }
0x9d: {  	[timem:s7], [sflag:s22] =	dma.local [hbm:s5], s20  }
0x9e: {  	_ =	swait.ge [sflag:s22], s20  }
0x9f: {  	s4 =	ssub.s32 $0x0, s20;
	[sflag:s22] =	ssyncset.done $0x0  }
0xa0: {  	[sflag:s22] =	ssyncadd.s32 s4;
	_ =	sdelay $0x1  }
0xa1: {  	s23 =	simm.s32 $0x1B8B  }
0xa2: {  	_ =	swait.ge [sflag:s23], $0x1  }
0xa3: {  	[sflag:s23] =	ssyncset.done $0x0  }
0xa4: {  	s25 =	simm.s32 $0x1B8E;
	s24 =	sld [smem:$0x3FFE];
	[sflag:s23] =	ssyncadd.s32 $0xFFFFFFFF  }
0xa5: {  	s26 =	simm.s32 $execute0_lowered;
	[smem:$0x3FD2] =	sst s25  }
0xa6: {  	s5 =	sshll.u32 s26, $0x1;
	_ =	strace $0x8000004C;
	[dreg:$0x1] =	wrdreg $0xFFFFFFFF  }
0xa7: {  	s28 =	simm.s32 $_size_execute0_lowered;
	s3 =	sadd.s32 s3, s5;
	[dreg:$0x0] =	wrdreg $0x0  }
0xa8: {  	s5 =	sshll.u32 s28, $0x1;
	[dreg:$0x2] =	wrdreg s3  }
0xa9: {  	[dreg:$0x3] =	wrdreg s5  }
0xaa: {  	[dreg:$0x4] =	wrdreg $0xC0  }
0xab: {  	_ =	task [dreg:s7], $0x5FFFF  }
0xac: {  	[dreg:$0x1] =	wrdreg $0xFFFFFFFF  }
0xad: {  	[dreg:$0x0] =	wrdreg $0x60  }
0xae: {  	[dreg:$0x2] =	wrdreg s24  }
0xaf: {  	[dreg:$0x3] =	wrdreg s2  }
0xb0: {  	[dreg:$0x4] =	wrdreg $0x0  }
0xb1: {  	[dreg:$0x5] =	wrdreg $0x9  }
0xb2: {  	_ =	task.clear_ibuf [dreg:s7], $0x6FFFF;
	_ =	strace $0x9000004C  }
0xb3: {  	s29 =	simm.s32 $0x9;
	_ =	strace $0x8000004E  }
0xb4: {  	_ =	swait.ge [sflag:s29], $0x1  }
0xb5: {  	[sflag:s29] =	ssyncadd.s32 $0xFFFFFFFF  }
0xb6: {  	_ =	strace $0x9000004E  }
0xb7: {  	_ =	sfence  }
0xb8: {  	s30 =	sld [smem:$0x0];
	_ =	sdelay $0x2  }
0xb9: {  	s31 =	sshll.u32 s1, $0xD;
	s1 =	sshrl.u32 s1, $0x2  }
0xba: {  	s3 =	sand.u32 $0x4000, s31;
	s1 =	sadd.s32 s1, s30  }
0xbb: {  	s0 =	sor.u32 s3, s0;
	s1 =	sshll.u32 s1, $0x11  }
0xbc: {  	s0 =	sor.u32 s1, s0  }
0xbd: {  	s0 =	sadd.s32 $0x8F2B, s0  }
0xbe: {  	[sflag:s0] =	ssyncadd.remote.s32 $0x1  }
0xbf: {  	_ =	sfence.sel $0xFFFF  }
0xc0: {  	[dreg:$0x0] =	wrdreg $0xFFFFFFFF;
	(pc) =	sbr.abs _section_cstart, $3  }
0xc1: {  	[dreg:$0x1] =	wrdreg $0xFFFFFFFF  }
0xc2: {  	_ =	task.clear_ibuf [dreg:s7], $0x2FFFF;
	_ =	strace $0x9FFFFFFF  }
0xc3: {  	(tm) =	ssettm $0x7FFFFFFF  }
tec
execute0_lowered:
.L_overlay_start_1:
0x0: {  	(tag) =	ssettag $0x1  }
0x1: {  	s0 =	rddreg [dreg:$0x0]  }
0x2: {  	s2 =	rddreg [dreg:$0x1]  }
0x3: {  	s3 =	rddreg [dreg:$0x2]  }
0x4: {  	s4 =	stileid.u32;
	s1 =	srdreg.scid;
	s11 =	simm.s32 $0x0  }
0x5: {  	s13 =	simm.s32 $0x9;
	s14 =	simm.s32 $0x14000;
	s15 =	simm.s32 $0x15400  }
0x6: {  	s16 =	simm.s32 $0x40;
	s17 =	simm.s32 $0x16800;
	s18 =	simm.s32 $0x14080  }
0x7: {  	s19 =	simm.s32 $0x18800;
	s20 =	simm.s32 $0x14100;
	s21 =	simm.s32 $0x1A800  }
0x8: {  	s22 =	simm.s32 $0x1;
	s28 =	simm.s32 $0x3;
	s29 =	simm.s32 $0x6  }
0x9: {  	s30 =	simm.s32 $0x4;
	s31 =	simm.s32 $0x7;
	s7 =	smul.u32 $0x2800, s4  }
0xa: {  	s1 =	sand.u32 $0x1, s1;
	[smem:$0x7FF] =	sst s11;
	s5 =	sadd.s32 $0x13400, s0  }
0xb: {  	s6 =	sadd.s32 $0x9400, s0;
	s10 =	smul.u32 $0x50000, s4;
	s25 =	sshll.u32 s4, $0x6  }
0xc: {  	s8 =	smul.u32 $0x28000, s1;
	_ =	strace $0x8000004D;
	s9 =	ssub.s32 $0x2, s1  }
0xd: {  	s1 =	smul.u32 $0x2710, s1;
	s12 =	sor.u32 $0x1C09, s25;
	s25 =	simm.s32 $0x2  }
0xe: {  	s23 =	sshrl.u32 s9, $0x1;
	s24 =	sshrl.u32 s10, $0x2;
	[dreg:$0x6] =	wrdreg s12  }
0xf: {  	s8 =	sadd.s32 s7, s8;
	s7 =	sadd.s32 s7, s0;
	s10 =	sadd.s32 s24, s3  }
0x10: {  	s24 =	simm.s32 $0x1C800;
	v0 =	vmov s1;
	s1 =	simm.s32 $0x16680;
	s0 =	sadd.s32 s8, s0  }
0x11: {  	s8 =	ssub.s32 s9, s23;
	s7 =	sadd.s32 $0xAF800, s7;
	s9 =	smul.u32 $0xA0, s4  }
0x12: {  	s23 =	simm.s32 $0x14180;
	[dreg:$0x5] =	wrdreg s7;
	s0 =	sadd.s32 $0x125A00, s0  }
0x13: {  	s26 =	smax.u32 s8, $0x1;
	s8 =	sshrl.u32 s10, $0x3;
	[dreg:$0x7] =	wrdreg s0  }
0x14: {  	s7 =	simm.s32 $0x16700;
	s10 =	simm.s32 $0x16780;
	[dreg:$0x8] =	wrdreg s26  }
0x15: {  	s26 =	simm.s32 $0x5;
	s0 =	simm.s32 $0x8;
	[dreg:$0x9] =	wrdreg s8  }
.LBB2_1:
0x16: {  	[dreg:$0x4] =	wrdreg s11  }
0x17: {  	s4 =	rddreg [dreg:$0x5]  }
0x18: {  	[spmem:s8], [sflag:s12] =	dma.local [hbm:s4], $0x2800  }
0x19: {  	_ =	swait.ge [sflag:s13], $0x2800  }
0x1a: {  	[sflag:s13] =	ssyncset.done $0x0  }
0x1b: {  	[sflag:s13] =	ssyncadd.s32 $0xFFFFD800  }
0x1c: {  	s11 =	simm.s32 $0x0;
	[bflag:$0x0] =	sbarrier.arrive $0xFFFF  }
.LBB2_2:
0x1d: {  	s8 =	smul.u32 $0x28, s11;
	_ =	sdelay $0x1  }
0x1e: {  	s8 =	sadd.s32 s9, s8  }
0x1f: {  	s8 =	sshll.u32 s8, $0x4  }
0x20: {  	s4 =	simm.s32 $0x0;
	s12 =	sadd.s32 s2, s8  }
0x21: {  	[tilespmem:s14], [sflag:$0x9] =	stream.linear.gather [hbm4b:s12+s4], $0x1400, $0x38;
	[tilespmem:$0x1E800] =	vst v63  }
0x22: {  	_ =	swait.ge [sflag:s13], $0x1400  }
0x23: {  	[sflag:s13] =	ssyncset.done $0x0  }
0x24: {  	s8 =	sadd.s32 s6, s8;
	[sflag:s13] =	ssyncadd.s32 $0xFFFFEC00  }
0x25: {  	[tilespmem:s15], [sflag:$0x9] =	stream.linear.gather [hbm4b:s8+s4], $0x1400, $0x38;
	[tilespmem:$0x1E800] =	vst v63  }
0x26: {  	_ =	swait.ge [sflag:s13], $0x1400  }
0x27: {  	[sflag:s13] =	ssyncset.done $0x0  }
0x28: {  	s8 =	simm.s32 $0x0;
	[sflag:s13] =	ssyncadd.s32 $0xFFFFEC00  }
0x29: {  	v3 =	vld [tilespmem:s8+$0x14000]  }
0x2a: {  	v2 =	vld [tilespmem:s8+$0x14010]  }
0x2b: {  	s12 =	simm.s32 $0x200;
	v1 =	vld [tilespmem:s8+$0x14020]  }
.LBB2_3:
0x2c: {  	p0 =	sne.s32 s12, $0x4E00;
	v4 =	vld [tilespmem:s8+$0x14030];
	_ =	sdelay $0x1  }
.Ltmp0:
0x2d: {  	v3 =	vadd.s32 v0, v3;
	(pc) =	sbr.rel @p0 .LBB2_3-.Ltmp0, $4  }
0x2e: {  	s4 =	sshra.s32 s12, $0x2;
	[tilespmem:s8+$0x14000] =	vst v3;
	v2 =	vadd.s32 v0, v2  }
0x2f: {  	v3 =	vld [tilespmem:s4+$0x14000];
	[tilespmem:s8+$0x14010] =	vst v2;
	v1 =	vadd.s32 v0, v1  }
0x30: {  	v2 =	vld [tilespmem:s4+$0x14010];
	[tilespmem:s8+$0x14020] =	vst v1;
	v4 =	vadd.s32 v0, v4  }
0x31: {  	s12 =	sadd.s32 $0x200, s12;
	v1 =	vld [tilespmem:s4+$0x14020];
	[tilespmem:s8+$0x14030] =	vst v4;
	s8 =	smov.u32 s4  }
0x32: {  	v4 =	vld [tilespmem:s8+$0x14030];
	_ =	sdelay $0x1  }
0x33: {  	v3 =	vadd.s32 v0, v3  }
0x34: {  	[tilespmem:s8+$0x14000] =	vst v3;
	v2 =	vadd.s32 v0, v2  }
0x35: {  	[tilespmem:s8+$0x14010] =	vst v2;
	v1 =	vadd.s32 v0, v1  }
0x36: {  	[tilespmem:s8+$0x14020] =	vst v1;
	v1 =	vadd.s32 v0, v4  }
0x37: {  	[tilespmem:s8+$0x14030] =	vst v1  }
0x38: {  	[tilespmem:s17], [sflag:$0x1] =	stream.indirect.gather [hbm4b:s5+s16], $0x80, s14, s16, $0xb8;
	[tilespmem:$0x1E800] =	vst v63  }
0x39: {  	_ = 	snop  }
0x3a: {  	[tilespmem:s19], [sflag:$0x2] =	stream.indirect.gather [hbm4b:s5+s16], $0x80, s18, s16, $0xb8;
	[tilespmem:$0x1E800] =	vst v63  }
0x3b: {  	_ = 	snop  }
0x3c: {  	[tilespmem:s21], [sflag:$0x3] =	stream.indirect.gather [hbm4b:s5+s16], $0x80, s20, s16, $0xb8;
	[tilespmem:$0x1E800] =	vst v63  }
0x3d: {  	_ =	swait.ge [sflag:s22], $0x2000  }
0x3e: {  	[sflag:s22] =	ssyncset.done $0x0  }
0x3f: {  	[sflag:s22] =	ssyncadd.s32 $0xFFFFE000  }
0x40: {  	[spmem:s3] =	stream.indirect.scatter.add.f32 [tilespmem:s17], [sflag:$0x5], $0x80, s15, s16, $0xb8;
	[tilespmem:$0x1E800] =	vst v63  }
0x41: {  	_ = 	snop  }
0x42: {  	[tilespmem:s24], [sflag:$0x4] =	stream.indirect.gather [hbm4b:s5+s16], $0x80, s23, s16, $0xb8;
	[tilespmem:$0x1E800] =	vst v63  }
0x43: {  	_ =	swait.ge [sflag:s25], $0x2000  }
0x44: {  	[sflag:s25] =	ssyncset.done $0x0  }
0x45: {  	[sflag:s25] =	ssyncadd.s32 $0xFFFFE000  }
0x46: {  	_ =	swait.ge [sflag:s26], $0x2000  }
0x47: {  	[sflag:s26] =	ssyncset.done $0x0  }
0x48: {  	s4 =	simm.s32 $0x14200;
	[sflag:s26] =	ssyncadd.s32 $0xFFFFE000  }
0x49: {  	[tilespmem:s17], [sflag:$0x1] =	stream.indirect.gather [hbm4b:s5+s16], $0x80, s4, s16, $0xb8;
	[tilespmem:$0x1E800] =	vst v63  }
0x4a: {  	s8 =	simm.s32 $0x15480  }
0x4b: {  	[spmem:s3] =	stream.indirect.scatter.add.f32 [tilespmem:s19], [sflag:$0x6], $0x80, s8, s16, $0xb8;
	[tilespmem:$0x1E800] =	vst v63  }
0x4c: {  	_ =	swait.ge [sflag:s28], $0x2000  }
0x4d: {  	[sflag:s28] =	ssyncset.done $0x0  }
0x4e: {  	[sflag:s28] =	ssyncadd.s32 $0xFFFFE000  }
0x4f: {  	_ =	swait.ge [sflag:s29], $0x2000  }
0x50: {  	[sflag:s29] =	ssyncset.done $0x0  }
0x51: {  	s12 =	simm.s32 $0x14280;
	[sflag:s29] =	ssyncadd.s32 $0xFFFFE000  }
0x52: {  	[tilespmem:s19], [sflag:$0x2] =	stream.indirect.gather [hbm4b:s5+s16], $0x80, s12, s16, $0xb8;
	[tilespmem:$0x1E800] =	vst v63  }
0x53: {  	s8 =	simm.s32 $0x15500  }
0x54: {  	[spmem:s3] =	stream.indirect.scatter.add.f32 [tilespmem:s21], [sflag:$0x7], $0x80, s8, s16, $0xb8;
	[tilespmem:$0x1E800] =	vst v63  }
0x55: {  	_ =	swait.ge [sflag:s30], $0x2000  }
0x56: {  	[sflag:s30] =	ssyncset.done $0x0  }
0x57: {  	[sflag:s30] =	ssyncadd.s32 $0xFFFFE000  }
0x58: {  	_ =	swait.ge [sflag:s31], $0x2000  }
0x59: {  	[sflag:s31] =	ssyncset.done $0x0  }
0x5a: {  	s12 =	simm.s32 $0x14300;
	[sflag:s31] =	ssyncadd.s32 $0xFFFFE000  }
0x5b: {  	[tilespmem:s21], [sflag:$0x3] =	stream.indirect.gather [hbm4b:s5+s16], $0x80, s12, s16, $0xb8;
	[tilespmem:$0x1E800] =	vst v63  }
0x5c: {  	s8 =	simm.s32 $0x15580  }
0x5d: {  	[spmem:s3] =	stream.indirect.scatter.add.f32 [tilespmem:s24], [sflag:$0x8], $0x80, s8, s16, $0xb8;
	[tilespmem:$0x1E800] =	vst v63  }
0x5e: {  	_ =	swait.ge [sflag:s22], $0x2000  }
0x5f: {  	[sflag:s22] =	ssyncset.done $0x0  }
0x60: {  	[sflag:s22] =	ssyncadd.s32 $0xFFFFE000  }
0x61: {  	_ =	swait.ge [sflag:s0], $0x2000  }
0x62: {  	[sflag:s0] =	ssyncset.done $0x0  }
0x63: {  	s12 =	simm.s32 $0x14380;
	[sflag:s0] =	ssyncadd.s32 $0xFFFFE000  }
0x64: {  	[tilespmem:s24], [sflag:$0x4] =	stream.indirect.gather [hbm4b:s5+s16], $0x80, s12, s16, $0xb8;
	[tilespmem:$0x1E800] =	vst v63  }
0x65: {  	s8 =	simm.s32 $0x800;
	s12 =	simm.s32 $0x15600  }
.LBB2_5:
0x66: {  	[spmem:s3] =	stream.indirect.scatter.add.f32 [tilespmem:s17], [sflag:$0x5], $0x80, s12, s16, $0xb8;
	[tilespmem:$0x1E800] =	vst v63  }
0x67: {  	s4 =	smov.u32 s8  }
0x68: {  	p0 =	sne.s32 s8, $0x4000;
	s8 =	sadd.s32 $0x800, s8;
	_ =	swait.ge [sflag:s25], $0x2000  }
0x69: {  	[sflag:s25] =	ssyncset.done $0x0  }
0x6a: {  	[sflag:s25] =	ssyncadd.s32 $0xFFFFE000  }
0x6b: {  	_ =	swait.ge [sflag:s26], $0x2000  }
0x6c: {  	s12 =	sshra.s32 s4, $0x2;
	[sflag:s26] =	ssyncset.done $0x0  }
0x6d: {  	s4 =	sadd.s32 $0x14200, s12;
	[sflag:s26] =	ssyncadd.s32 $0xFFFFE000  }
0x6e: {  	[tilespmem:s17], [sflag:$0x1] =	stream.indirect.gather [hbm4b:s5+s16], $0x80, s4, s16, $0xb8;
	[tilespmem:$0x1E800] =	vst v63  }
0x6f: {  	s4 =	sadd.s32 $0x15480, s12  }
0x70: {  	[spmem:s3] =	stream.indirect.scatter.add.f32 [tilespmem:s19], [sflag:$0x6], $0x80, s4, s16, $0xb8;
	[tilespmem:$0x1E800] =	vst v63  }
0x71: {  	_ =	swait.ge [sflag:s28], $0x2000  }
0x72: {  	[sflag:s28] =	ssyncset.done $0x0  }
0x73: {  	[sflag:s28] =	ssyncadd.s32 $0xFFFFE000  }
0x74: {  	_ =	swait.ge [sflag:s29], $0x2000  }
0x75: {  	[sflag:s29] =	ssyncset.done $0x0  }
0x76: {  	s4 =	sadd.s32 $0x14280, s12;
	[sflag:s29] =	ssyncadd.s32 $0xFFFFE000  }
0x77: {  	[tilespmem:s19], [sflag:$0x2] =	stream.indirect.gather [hbm4b:s5+s16], $0x80, s4, s16, $0xb8;
	[tilespmem:$0x1E800] =	vst v63  }
0x78: {  	s4 =	sadd.s32 $0x15500, s12  }
0x79: {  	[spmem:s3] =	stream.indirect.scatter.add.f32 [tilespmem:s21], [sflag:$0x7], $0x80, s4, s16, $0xb8;
	[tilespmem:$0x1E800] =	vst v63  }
0x7a: {  	_ =	swait.ge [sflag:s30], $0x2000  }
0x7b: {  	[sflag:s30] =	ssyncset.done $0x0  }
0x7c: {  	[sflag:s30] =	ssyncadd.s32 $0xFFFFE000  }
0x7d: {  	_ =	swait.ge [sflag:s31], $0x2000  }
0x7e: {  	[sflag:s31] =	ssyncset.done $0x0  }
0x7f: {  	s4 =	sadd.s32 $0x14300, s12;
	[sflag:s31] =	ssyncadd.s32 $0xFFFFE000  }
0x80: {  	[tilespmem:s21], [sflag:$0x3] =	stream.indirect.gather [hbm4b:s5+s16], $0x80, s4, s16, $0xb8;
	[tilespmem:$0x1E800] =	vst v63  }
0x81: {  	s4 =	sadd.s32 $0x15580, s12  }
0x82: {  	[spmem:s3] =	stream.indirect.scatter.add.f32 [tilespmem:s24], [sflag:$0x8], $0x80, s4, s16, $0xb8;
	[tilespmem:$0x1E800] =	vst v63  }
0x83: {  	_ =	swait.ge [sflag:s22], $0x2000  }
0x84: {  	[sflag:s22] =	ssyncset.done $0x0  }
0x85: {  	[sflag:s22] =	ssyncadd.s32 $0xFFFFE000  }
.Ltmp1:
0x86: {  	_ =	swait.ge [sflag:s0], $0x2000;
	(pc) =	sbr.rel @p0 .LBB2_5-.Ltmp1, $4  }
0x87: {  	[sflag:s0] =	ssyncset.done $0x0  }
0x88: {  	s4 =	sadd.s32 $0x14380, s12;
	[sflag:s0] =	ssyncadd.s32 $0xFFFFE000  }
0x89: {  	[tilespmem:s24], [sflag:$0x4] =	stream.indirect.gather [hbm4b:s5+s16], $0x80, s4, s16, $0xb8;
	[tilespmem:$0x1E800] =	vst v63  }
0x8a: {  	s12 =	sadd.s32 $0x15600, s12  }
0x8b: {  	[spmem:s3] =	stream.indirect.scatter.add.f32 [tilespmem:s17], [sflag:$0x5], $0x80, s12, s16, $0xb8;
	[tilespmem:$0x1E800] =	vst v63  }
0x8c: {  	_ =	swait.ge [sflag:s25], $0x2000  }
0x8d: {  	[sflag:s25] =	ssyncset.done $0x0  }
0x8e: {  	[sflag:s25] =	ssyncadd.s32 $0xFFFFE000  }
0x8f: {  	[spmem:s3] =	stream.indirect.scatter.add.f32 [tilespmem:s19], [sflag:$0x6], $0x80, s1, s16, $0xb8;
	[tilespmem:$0x1E800] =	vst v63  }
0x90: {  	_ =	swait.ge [sflag:s28], $0x2000  }
0x91: {  	[sflag:s28] =	ssyncset.done $0x0  }
0x92: {  	[sflag:s28] =	ssyncadd.s32 $0xFFFFE000  }
0x93: {  	[spmem:s3] =	stream.indirect.scatter.add.f32 [tilespmem:s21], [sflag:$0x7], $0x80, s7, s16, $0xb8;
	[tilespmem:$0x1E800] =	vst v63  }
0x94: {  	_ =	swait.ge [sflag:s30], $0x2000  }
0x95: {  	[sflag:s30] =	ssyncset.done $0x0  }
0x96: {  	[sflag:s30] =	ssyncadd.s32 $0xFFFFE000  }
0x97: {  	[spmem:s3] =	stream.indirect.scatter.add.f32 [tilespmem:s24], [sflag:$0x8], $0x80, s10, s16, $0xb8;
	[tilespmem:$0x1E800] =	vst v63  }
0x98: {  	_ =	swait.ge [sflag:s26], $0x2000  }
0x99: {  	[sflag:s26] =	ssyncset.done $0x0  }
0x9a: {  	[sflag:s26] =	ssyncadd.s32 $0xFFFFE000  }
0x9b: {  	_ =	swait.ge [sflag:s29], $0x2000  }
0x9c: {  	[sflag:s29] =	ssyncset.done $0x0  }
0x9d: {  	s11 =	sadd.s32 $0x1, s11;
	[sflag:s29] =	ssyncadd.s32 $0xFFFFE000  }
0x9e: {  	p0 =	sne.s32 s11, $0x4;
	_ =	swait.ge [sflag:s31], $0x2000  }
.Ltmp2:
0x9f: {  	[sflag:s31] =	ssyncset.done $0x0;
	(pc) =	sbr.rel @p0 .LBB2_2-.Ltmp2, $4  }
0xa0: {  	[sflag:s31] =	ssyncadd.s32 $0xFFFFE000  }
0xa1: {  	_ =	swait.ge [sflag:s0], $0x2000  }
0xa2: {  	[sflag:s0] =	ssyncset.done $0x0  }
0xa3: {  	[sflag:s0] =	ssyncadd.s32 $0xFFFFE000  }
0xa4: {  	[bflag:$0x0] =	sbarrier.arrive $0xFFFF  }
0xa5: {  	s12 =	rddreg [dreg:$0x6]  }
0xa6: {  	s4 =	rddreg [dreg:$0x7]  }
0xa7: {  	s8 =	rddreg [dreg:$0x9]  }
0xa8: {  	[hbm:s4], [sflag:s12] =	dma.local [spmem:s8], $0x2800  }
0xa9: {  	_ =	swait.ge [sflag:s13], $0x2800  }
0xaa: {  	s11 =	rddreg [dreg:$0x4]  }
0xab: {  	s4 =	rddreg [dreg:$0x8];
	s11 =	sadd.s32 $0x1, s11  }
0xac: {  	p0 =	sne.s32 s11, s4  }
.Ltmp3:
0xad: {  	_ = 	snop;
	(pc) =	sbr.rel @p0 .LBB2_1-.Ltmp3, $3  }
0xae: {  	_ =	sdelay $0x1  }
0xaf: {  	[sflag:s13] =	ssyncset.done $0x0  }
0xb0: {  	[sflag:s13] =	ssyncadd.s32 $0xFFFFD800  }
0xb1: {  	_ =	sfence.sel $0x180000  }
0xb2: {  	[bflag:$0x0] =	sbarrier.arrive $0xFFFF  }
0xb3: {  	_ =	strace $0x9000004D  }
0xb4: {  	s0 =	stileid.u32;
	[bflag:$0x2] =	sbarrier.arrive $0xFFFF  }
0xb5: {  	p0 =	sne.s32 s0, $0x0;
	s0 =	rddreg [dreg:$0x3]  }
0xb6: {  	s0 =	sadd.s32 @!p0 $0x100000, s0  }
0xb7: {  	[sflag:s0] =	ssyncadd.tile.s32 @!p0 $0x1;
	_ =	shalt  }
.Lfunc_end2:
_tile_overlayer_lowered:
.L_overlay_start_2:
0xb8: {  	(tag) =	ssettag $0x2  }
0xb9: {  	s0 =	rddreg [dreg:$0x0];
	s2 =	stileid.u32  }
0xba: {  	s1 =	rddreg [dreg:$0x1];
	p0 =	sne.s32 s2, $0x0  }
0xbb: {  	s3 =	rddreg [dreg:$0x2];
	[bflag:$0x3] =	sbarrier.arrive $0xFFFF;
	s2 =	simm.s32 @!p0 $0x1C09  }
0xbc: {  	[timem:s3], [sflag:s2] =	dma.local @!p0 [hbm:s0], s1  }
0xbd: {  	s0 =	simm.s32 @!p0 $0x9  }
0xbe: {  	_ =	swait.ge @!p0 [sflag:s0], s1  }
0xbf: {  	s1 =	ssub.s32 @!p0 $0x0, s1;
	[sflag:s0] =	ssyncset.done @!p0 $0x0  }
0xc0: {  	[sflag:s0] =	ssyncadd.s32 @!p0 s1  }
0xc1: {  	[bflag:$0x3] =	sbarrier.arrive $0xFFFF  }
0xc2: {  	_ =	shalt  }

</sc_bundles>
